<compile_context>
chip_gen: v7x
topology: tpu7x:2x2x1
jax: 0.10.2.dev20260603
libtpu: 0.0.44.dev20260713+nightly
codegen_flags: <defaults>
</compile_context>

<pallas_src>
import functools

import jax
import jax.numpy as jnp
from jax import lax
from jax.experimental import pallas as pl
from jax.experimental.pallas import tpu as pltpu
from jax.experimental.pallas import tpu_sc as plsc

N = 320000
D = 128
G = 32
NQ = 4
B_SEG = 10000
RB = 800
NW = 32
SEGW = 320
C = 64
EPS = 1e-16


def _tc_body(x_ref, w_ref, b_ref, qv_ref, e_ref, h_ref):
    xb = x_ref[...]
    w = w_ref[...]
    hh = lax.dot_general(xb, w, (((1,), (1,)), ((), ())),
                         preferred_element_type=jnp.float32)
    hh = hh + b_ref[...]
    rows = lax.broadcasted_iota(jnp.int32, (D, NQ), 0)
    cols = lax.broadcasted_iota(jnp.int32, (D, NQ), 1)
    M = (rows // G == cols).astype(jnp.float32)
    s1 = lax.dot_general(hh, M, (((1,), (0,)), ((), ())),
                         preferred_element_type=jnp.float32)
    s2 = lax.dot_general(hh * hh, M, (((1,), (0,)), ((), ())),
                         preferred_element_type=jnp.float32)
    mean = s1 * (1.0 / G)
    var = s2 * (1.0 / G) - mean * mean
    istd = lax.rsqrt(var + 1e-5)
    meanf = lax.dot_general(mean, M, (((1,), (1,)), ((), ())),
                            preferred_element_type=jnp.float32)
    istdf = lax.dot_general(istd, M, (((1,), (1,)), ((), ())),
                            preferred_element_type=jnp.float32)
    q = (hh - meanf) * istdf * qv_ref[...]
    e_ref[...] = jnp.exp(q)
    h_ref[...] = hh


def _tc_call(x, W, b2, qv):
    return pl.pallas_call(
        _tc_body,
        grid=(N // RB,),
        in_specs=[
            pl.BlockSpec((RB, D), lambda i: (i, 0)),
            pl.BlockSpec((D, D), lambda i: (0, 0)),
            pl.BlockSpec((1, D), lambda i: (0, 0)),
            pl.BlockSpec((1, D), lambda i: (0, 0)),
        ],
        out_specs=[
            pl.BlockSpec((RB, D), lambda i: (i, 0)),
            pl.BlockSpec((RB, D), lambda i: (i, 0)),
        ],
        out_shape=[
            jax.ShapeDtypeStruct((N, D), jnp.float32),
            jax.ShapeDtypeStruct((N, D), jnp.float32),
        ],
        compiler_params=pltpu.CompilerParams(
            dimension_semantics=("arbitrary",)),
    )(x, W, b2, qv)


def _sc_body(e_hbm, h_hbm, g_hbm, rs_hbm, out_hbm,
             ebufs, hbufs, gbufs, racc, dacc, rsbuf, sems):
    w = lax.axis_index("c") * 16 + lax.axis_index("s")
    pltpu.sync_copy(rs_hbm, rsbuf)
    rs = rsbuf[pl.ds(w, 16)][0]
    re = rsbuf[pl.ds(w + 1, 16)][0]
    sb = w * SEGW
    zero = jnp.zeros((16,), jnp.float32)

    def zero_body(i, _):
        racc[pl.ds(i * 16, 16)] = zero
        dacc[pl.ds(i * 16, 16)] = zero
        return 0

    lax.fori_loop(0, SEGW * 8, zero_body, 0, unroll=4)

    rs8 = pl.multiple_of((rs // 8) * 8, 8)
    nchunks = lax.div(re - rs8 + (C - 1), C)

    def chunk_start(c):
        return pl.multiple_of(jnp.minimum(rs8 + c * C, N - C), 8)

    def issue(c, buf):
        st = chunk_start(c)
        pltpu.async_copy(e_hbm.at[pl.ds(st, C)], ebufs.at[buf], sems.at[buf])
        pltpu.async_copy(h_hbm.at[pl.ds(st, C)], hbufs.at[buf], sems.at[buf])
        pltpu.async_copy(g_hbm.at[pl.ds(st, C)],
                         gbufs.at[buf, pl.ds(0, C)], sems.at[buf])

    def drain(c, buf):
        st = chunk_start(c)
        pltpu.make_async_copy(e_hbm.at[pl.ds(st, C)], ebufs.at[buf],
                              sems.at[buf]).wait()
        pltpu.make_async_copy(h_hbm.at[pl.ds(st, C)], hbufs.at[buf],
                              sems.at[buf]).wait()
        pltpu.make_async_copy(g_hbm.at[pl.ds(st, C)],
                              gbufs.at[buf, pl.ds(0, C)], sems.at[buf]).wait()

    def process(c, buf):
        st = chunk_start(c)
        lo = jnp.maximum(rs, rs8 + c * C)
        hi = jnp.minimum(re, rs8 + (c + 1) * C)

        @plsc.parallel_loop(0, C, step=1, unroll=4)
        def row_body(i):
            ig = st + i
            valid = (ig >= lo) & (ig < hi)
            g = gbufs[buf, pl.ds(i, 16)][0]
            so = jnp.where(valid, (g - sb) * D, 0)
            for k in range(8):
                ev = ebufs[buf, i, pl.ds(k * 16, 16)]
                hv = hbufs[buf, i, pl.ds(k * 16, 16)]
                dv = jnp.where(valid, ev, 0.0)
                pv = jnp.where(valid, ev * hv, 0.0)
                plsc.addupdate(dacc.at[pl.ds(so + k * 16, 16)], dv)
                plsc.addupdate(racc.at[pl.ds(so + k * 16, 16)], pv)

    @pl.when(nchunks > 0)
    def _():
        issue(0, 0)

        def pair_body(p, _):
            c0 = 2 * p
            c1 = c0 + 1

            drain(c0, 0)

            @pl.when(c1 < nchunks)
            def _():
                issue(c1, 1)

            process(c0, 0)

            @pl.when(c1 < nchunks)
            def _():
                drain(c1, 1)

                @pl.when(c1 + 1 < nchunks)
                def _():
                    issue(c1 + 1, 0)

                process(c1, 1)

            return 0

        npairs = lax.div(nchunks + 1, 2)
        lax.fori_loop(0, npairs, pair_body, 0)

    def div_body(i, _):
        rv = racc[pl.ds(i * 16, 16)]
        dv = dacc[pl.ds(i * 16, 16)]
        racc[pl.ds(i * 16, 16)] = rv / (dv + EPS)
        return 0

    lax.fori_loop(0, SEGW * 8, div_body, 0, unroll=4)

    pltpu.sync_copy(racc, out_hbm.at[pl.ds(sb * D, SEGW * D)])


def _sc_call(e, h, g, rs_pad):
    mesh = plsc.VectorSubcoreMesh(core_axis_name="c", subcore_axis_name="s")
    fn = pl.kernel(
        _sc_body,
        out_type=jax.ShapeDtypeStruct((NW * SEGW * D,), jnp.float32),
        mesh=mesh,
        scratch_types=[
            pltpu.VMEM((2, C, D), jnp.float32),
            pltpu.VMEM((2, C, D), jnp.float32),
            pltpu.VMEM((2, C + 16), jnp.int32),
            pltpu.VMEM((SEGW * D,), jnp.float32),
            pltpu.VMEM((SEGW * D,), jnp.float32),
            pltpu.VMEM((48,), jnp.int32),
            pltpu.SemaphoreType.DMA((2,)),
        ],
    )
    return fn(e, h, g, rs_pad)


def kernel(x, W_nlin, b_nlin, querys, graph_idx, batch_size):
    g = graph_idx.astype(jnp.int32) + (batch_size - B_SEG)
    qv = querys.reshape(1, D)
    b2 = b_nlin.reshape(1, D)
    e, h = _tc_call(x, W_nlin, b2, qv)
    thresholds = jnp.arange(NW + 1, dtype=jnp.int32) * SEGW
    rs = jnp.sum(g[None, :] < thresholds[:, None], axis=1, dtype=jnp.int32)
    rs_pad = jnp.concatenate([rs, jnp.full((48 - (NW + 1),), N, jnp.int32)])
    out = _sc_call(e, h, g, rs_pad)
    return out.reshape(NW * SEGW, D)[:B_SEG]

# --- scband reference (transcript-rebuilt; emitter-appended) ---
"""Pipeline reference for scband-adap-multi-softmax-aggr-v2-14448269984513 (READ-ONLY COPY).

The authoritative reference and input builder live on the scoring server;
editing this copy changes nothing except your own understanding.
"""

import jax, jax.numpy as jnp
import numpy as np

NUM_QUERYS = 4
HIDDEN = 32
MULTI = NUM_QUERYS * HIDDEN  # 128
N = 320000
B = 10000


def setup_inputs(seed: int = 0) -> dict:
    key = jax.random.key(seed)
    k1, k2, k3 = jax.random.split(key, 3)
    x = jax.random.normal(k1, (N, MULTI), dtype=jnp.float32)
    graph_idx = jnp.sort(jax.random.randint(k2, (N,), 0, B))
    # nlin: MLP(n_node_trans=1, MULTI) -> single Linear(MULTI, MULTI)
    W_nlin = jax.random.normal(k3, (MULTI, MULTI), dtype=jnp.float32) * (1.0 / np.sqrt(MULTI))
    b_nlin = jnp.zeros((MULTI,), dtype=jnp.float32)
    # querys param filled with q_scale=1.0
    querys = jnp.ones((NUM_QUERYS, HIDDEN), dtype=jnp.float32)
    return {"x": x, "W_nlin": W_nlin, "b_nlin": b_nlin, "querys": querys,
            "graph_idx": graph_idx, "batch_size": B}


def reference(x, W_nlin, b_nlin, querys, graph_idx, batch_size):
    # nlin (n_node_trans=1 -> one linear layer)
    h = x @ W_nlin.T + b_nlin
    h = h.reshape(-1, NUM_QUERYS, HIDDEN)
    # LayerNorm over last dim, no affine
    mean = jnp.mean(h, axis=-1, keepdims=True)
    var = jnp.var(h, axis=-1, keepdims=True)
    q = (h - mean) / jnp.sqrt(var + 1e-5)
    q = q * querys[None, :, :]
    # segment softmax over dim 0 grouped by graph_idx (PyG softmax semantics)
    graph_idx = graph_idx + (batch_size - B)
    mx = jax.ops.segment_max(q, graph_idx, num_segments=B)
    mx = jnp.where(jnp.isfinite(mx), mx, 0.0)
    qe = jnp.exp(q - mx[graph_idx])
    denom = jax.ops.segment_sum(qe, graph_idx, num_segments=B)
    a = qe / (denom[graph_idx] + 1e-16)
    # sum aggregation of a * h
    r = jax.ops.segment_sum(a * h, graph_idx, num_segments=B)
    # out_method='lin' with n_agg_trans=0 -> agglin is identity (0-layer MLP)
    g_x = r.reshape(B, -1)
    return g_x

if __name__ == "__main__":
    import jax
    _d = setup_inputs()
    print(jax.jit(kernel)(*tuple(_d.values())))

</pallas_src>

<mosaic_0001>
#map = affine_map<(d0, d1) -> (0, 0)>
#map1 = affine_map<(d0, d1) -> (0)>
module attributes {stable_mosaic.version = 14 : i64} {
  func.func @_sc_body(%arg0: i32, %arg1: i32, %arg2: memref<320000x128xf32, #tpu.memory_space<hbm>>, %arg3: memref<320000x128xf32, #tpu.memory_space<hbm>>, %arg4: memref<320000xi32, #tpu.memory_space<hbm>>, %arg5: memref<48xi32, #tpu.memory_space<hbm>>, %arg6: memref<1310720xf32, #tpu.memory_space<hbm>>, %arg7: memref<2x64x128xf32, #tpu.memory_space<vmem>>, %arg8: memref<2x64x128xf32, #tpu.memory_space<vmem>>, %arg9: memref<2x80xi32, #tpu.memory_space<vmem>>, %arg10: memref<40960xf32, #tpu.memory_space<vmem>>, %arg11: memref<40960xf32, #tpu.memory_space<vmem>>, %arg12: memref<48xi32, #tpu.memory_space<vmem>>, %arg13: memref<2x!tpu.dma_semaphore, #tpu.memory_space<semaphore_mem>>) attributes {dimension_semantics = [#tpu.dimension_semantics<core_parallel>, #tpu.dimension_semantics<subcore_parallel>], iteration_bounds = array<i64: 2, 16>, scalar_prefetch = 0 : i64, scratch_operands = 7 : i64, tpu.core_type = #tpu.core_type<sc_vector_subcore>, window_params = [{transform_indices = #map}, {transform_indices = #map}, {transform_indices = #map1}, {transform_indices = #map1}, {transform_indices = #map1}]} {
    %mul3A = arith.constant 16 : i32
    %mul3A_0 = arith.muli %arg0, %mul3A : i32
    %add3A = arith.addi %mul3A_0, %arg1 : i32
    "tpu.region"() ({
      %run_scoped3A = tpu.sem_alloc : memref<!tpu.dma_semaphore, #tpu.memory_space<semaphore_mem>>
      tpu.enqueue_dma source(%arg5 : memref<48xi32, #tpu.memory_space<hbm>>) target(%arg12 : memref<48xi32, #tpu.memory_space<vmem>>) target_semaphore(%run_scoped3A : memref<!tpu.dma_semaphore, #tpu.memory_space<semaphore_mem>>)
      tpu.wait_dma2 semaphore(%run_scoped3A : memref<!tpu.dma_semaphore, #tpu.memory_space<semaphore_mem>>) src(%arg5 : memref<48xi32, #tpu.memory_space<hbm>>) dst(%arg12 : memref<48xi32, #tpu.memory_space<vmem>>)
      tpu.yield
    }) : () -> ()
    %get3A = arith.index_cast %add3A : i32 to index
    %get3A_1 = tpu.vector_load %arg12[%get3A] {strides = array<i32>} : memref<48xi32, #tpu.memory_space<vmem>>, vector<16xi32>,
    %get3A_2 = vector.shape_cast %get3A_1 : vector<16xi32> to vector<16xi32>
    %slice3A = vector.extract_strided_slice %get3A_2 {offsets = [0], sizes = [1], strides = [1]} : vector<16xi32> to vector<1xi32>
    %squeeze3A = vector.extract %slice3A[0] : i32 from vector<1xi32>
    %add3A_3 = arith.constant 1 : i32
    %add3A_4 = arith.addi %add3A, %add3A_3 : i32
    %get3A_5 = arith.index_cast %add3A_4 : i32 to index
    %get3A_6 = tpu.vector_load %arg12[%get3A_5] {strides = array<i32>} : memref<48xi32, #tpu.memory_space<vmem>>, vector<16xi32>,
    %get3A_7 = vector.shape_cast %get3A_6 : vector<16xi32> to vector<16xi32>
    %slice3A_8 = vector.extract_strided_slice %get3A_7 {offsets = [0], sizes = [1], strides = [1]} : vector<16xi32> to vector<1xi32>
    %squeeze3A_9 = vector.extract %slice3A_8[0] : i32 from vector<1xi32>
    %mul3A_10 = arith.constant 320 : i32
    %mul3A_11 = arith.muli %add3A, %mul3A_10 : i32
    %broadcast_in_dim3A = arith.constant 0.000000e+00 : f32
    %broadcast_in_dim3A_12 = vector.broadcast %broadcast_in_dim3A : f32 to vector<16xf32>
    %scan3A = arith.constant 0 : i32
    %scan3A_13 = arith.constant 0 : i32
    %scan3A_14 = arith.constant 2560 : i32
    %scan3A_15 = arith.addi %scan3A_13, %scan3A_14 : i32
    %scan3A_16 = arith.constant 4 : i32
    %scan3A_17 = scf.for %scan3A_53 = %scan3A_13 to %scan3A_15 step %scan3A_16 iter_args(%scan3A_54 = %scan3A) -> (i32)  : i32 {
      %mul3A_55 = arith.constant 16 : i32
      %mul3A_56 = arith.muli %scan3A_53, %mul3A_55 : i32
      %swap3A = arith.index_cast %mul3A_56 : i32 to index
      %swap3A_57 = tpu.vector_load %arg10[%swap3A] {strides = array<i32>} : memref<40960xf32, #tpu.memory_space<vmem>>, vector<16xf32>,
      %swap3A_58 = vector.shape_cast %swap3A_57 : vector<16xf32> to vector<16xf32>
      %swap3A_59 = vector.shape_cast %broadcast_in_dim3A_12 : vector<16xf32> to vector<16xf32>
      tpu.vector_store %arg10[%swap3A], %swap3A_59 {strides = array<i32>} : memref<40960xf32, #tpu.memory_space<vmem>>, vector<16xf32>,
      %mul3A_60 = arith.constant 16 : i32
      %mul3A_61 = arith.muli %scan3A_53, %mul3A_60 : i32
      %swap3A_62 = arith.index_cast %mul3A_61 : i32 to index
      %swap3A_63 = tpu.vector_load %arg11[%swap3A_62] {strides = array<i32>} : memref<40960xf32, #tpu.memory_space<vmem>>, vector<16xf32>,
      %swap3A_64 = vector.shape_cast %swap3A_63 : vector<16xf32> to vector<16xf32>
      %swap3A_65 = vector.shape_cast %broadcast_in_dim3A_12 : vector<16xf32> to vector<16xf32>
      tpu.vector_store %arg11[%swap3A_62], %swap3A_65 {strides = array<i32>} : memref<40960xf32, #tpu.memory_space<vmem>>, vector<16xf32>,
      %scan3A_66 = arith.constant 0 : i32
      %scan3A_67 = arith.constant 1 : i32
      %scan3A_68 = arith.addi %scan3A_53, %scan3A_67 : i32
      %mul3A_69 = arith.constant 16 : i32
      %mul3A_70 = arith.muli %scan3A_68, %mul3A_69 : i32
      %swap3A_71 = arith.index_cast %mul3A_70 : i32 to index
      %swap3A_72 = tpu.vector_load %arg10[%swap3A_71] {strides = array<i32>} : memref<40960xf32, #tpu.memory_space<vmem>>, vector<16xf32>,
      %swap3A_73 = vector.shape_cast %swap3A_72 : vector<16xf32> to vector<16xf32>
      %swap3A_74 = vector.shape_cast %broadcast_in_dim3A_12 : vector<16xf32> to vector<16xf32>
      tpu.vector_store %arg10[%swap3A_71], %swap3A_74 {strides = array<i32>} : memref<40960xf32, #tpu.memory_space<vmem>>, vector<16xf32>,
      %mul3A_75 = arith.constant 16 : i32
      %mul3A_76 = arith.muli %scan3A_68, %mul3A_75 : i32
      %swap3A_77 = arith.index_cast %mul3A_76 : i32 to index
      %swap3A_78 = tpu.vector_load %arg11[%swap3A_77] {strides = array<i32>} : memref<40960xf32, #tpu.memory_space<vmem>>, vector<16xf32>,
      %swap3A_79 = vector.shape_cast %swap3A_78 : vector<16xf32> to vector<16xf32>
      %swap3A_80 = vector.shape_cast %broadcast_in_dim3A_12 : vector<16xf32> to vector<16xf32>
      tpu.vector_store %arg11[%swap3A_77], %swap3A_80 {strides = array<i32>} : memref<40960xf32, #tpu.memory_space<vmem>>, vector<16xf32>,
      %scan3A_81 = arith.constant 0 : i32
      %scan3A_82 = arith.constant 2 : i32
      %scan3A_83 = arith.addi %scan3A_53, %scan3A_82 : i32
      %mul3A_84 = arith.constant 16 : i32
      %mul3A_85 = arith.muli %scan3A_83, %mul3A_84 : i32
      %swap3A_86 = arith.index_cast %mul3A_85 : i32 to index
      %swap3A_87 = tpu.vector_load %arg10[%swap3A_86] {strides = array<i32>} : memref<40960xf32, #tpu.memory_space<vmem>>, vector<16xf32>,
      %swap3A_88 = vector.shape_cast %swap3A_87 : vector<16xf32> to vector<16xf32>
      %swap3A_89 = vector.shape_cast %broadcast_in_dim3A_12 : vector<16xf32> to vector<16xf32>
      tpu.vector_store %arg10[%swap3A_86], %swap3A_89 {strides = array<i32>} : memref<40960xf32, #tpu.memory_space<vmem>>, vector<16xf32>,
      %mul3A_90 = arith.constant 16 : i32
      %mul3A_91 = arith.muli %scan3A_83, %mul3A_90 : i32
      %swap3A_92 = arith.index_cast %mul3A_91 : i32 to index
      %swap3A_93 = tpu.vector_load %arg11[%swap3A_92] {strides = array<i32>} : memref<40960xf32, #tpu.memory_space<vmem>>, vector<16xf32>,
      %swap3A_94 = vector.shape_cast %swap3A_93 : vector<16xf32> to vector<16xf32>
      %swap3A_95 = vector.shape_cast %broadcast_in_dim3A_12 : vector<16xf32> to vector<16xf32>
      tpu.vector_store %arg11[%swap3A_92], %swap3A_95 {strides = array<i32>} : memref<40960xf32, #tpu.memory_space<vmem>>, vector<16xf32>,
      %scan3A_96 = arith.constant 0 : i32
      %scan3A_97 = arith.constant 3 : i32
      %scan3A_98 = arith.addi %scan3A_53, %scan3A_97 : i32
      %mul3A_99 = arith.constant 16 : i32
      %mul3A_100 = arith.muli %scan3A_98, %mul3A_99 : i32
      %swap3A_101 = arith.index_cast %mul3A_100 : i32 to index
      %swap3A_102 = tpu.vector_load %arg10[%swap3A_101] {strides = array<i32>} : memref<40960xf32, #tpu.memory_space<vmem>>, vector<16xf32>,
      %swap3A_103 = vector.shape_cast %swap3A_102 : vector<16xf32> to vector<16xf32>
      %swap3A_104 = vector.shape_cast %broadcast_in_dim3A_12 : vector<16xf32> to vector<16xf32>
      tpu.vector_store %arg10[%swap3A_101], %swap3A_104 {strides = array<i32>} : memref<40960xf32, #tpu.memory_space<vmem>>, vector<16xf32>,
      %mul3A_105 = arith.constant 16 : i32
      %mul3A_106 = arith.muli %scan3A_98, %mul3A_105 : i32
      %swap3A_107 = arith.index_cast %mul3A_106 : i32 to index
      %swap3A_108 = tpu.vector_load %arg11[%swap3A_107] {strides = array<i32>} : memref<40960xf32, #tpu.memory_space<vmem>>, vector<16xf32>,
      %swap3A_109 = vector.shape_cast %swap3A_108 : vector<16xf32> to vector<16xf32>
      %swap3A_110 = vector.shape_cast %broadcast_in_dim3A_12 : vector<16xf32> to vector<16xf32>
      tpu.vector_store %arg11[%swap3A_107], %swap3A_110 {strides = array<i32>} : memref<40960xf32, #tpu.memory_space<vmem>>, vector<16xf32>,
      %scan3A_111 = arith.constant 0 : i32
      scf.yield %scan3A_111 : i32
    }
    %scan3A_18 = arith.constant 2560 : i32
    %jit3A = arith.constant 8 : i32
    %div3A = arith.divsi %squeeze3A, %jit3A : i32
    %sign3A = arith.constant 0 : i32
    %sign3A_19 = arith.cmpi sgt, %squeeze3A, %sign3A : i32
    %sign3A_20 = arith.extui %sign3A_19 : i1 to i32
    %sign3A_21 = arith.constant 0 : i32
    %sign3A_22 = arith.cmpi slt, %squeeze3A, %sign3A_21 : i32
    %sign3A_23 = arith.extui %sign3A_22 : i1 to i32
    %sign3A_24 = arith.subi %sign3A_20, %sign3A_23 : i32
    %sign3A_25 = arith.constant 0 : i32
    %sign3A_26 = arith.cmpi sgt, %jit3A, %sign3A_25 : i32
    %sign3A_27 = arith.extui %sign3A_26 : i1 to i32
    %sign3A_28 = arith.constant 0 : i32
    %sign3A_29 = arith.cmpi slt, %jit3A, %sign3A_28 : i32
    %sign3A_30 = arith.extui %sign3A_29 : i1 to i32
    %sign3A_31 = arith.subi %sign3A_27, %sign3A_30 : i32
    %ne3A = arith.cmpi ne, %sign3A_24, %sign3A_31 : i32
    %rem3A = arith.remsi %squeeze3A, %jit3A : i32
    %ne3A_32 = arith.constant 0 : i32
    %ne3A_33 = arith.cmpi ne, %rem3A, %ne3A_32 : i32
    %and3A = arith.andi %ne3A, %ne3A_33 : i1
    %sub3A = arith.constant 1 : i32
    %sub3A_34 = arith.subi %div3A, %sub3A : i32
    %select_n3A = arith.select %and3A, %sub3A_34, %div3A : i32
    %mul3A_35 = arith.constant 8 : i32
    %mul3A_36 = arith.muli %select_n3A, %mul3A_35 : i32
    %multiple_of3A = tpu.assume_multiple %mul3A_36, 8 : i32
    %sub3A_37 = arith.subi %squeeze3A_9, %multiple_of3A : i32
    %add3A_38 = arith.constant 63 : i32
    %add3A_39 = arith.addi %sub3A_37, %add3A_38 : i32
    %div3A_40 = arith.constant 64 : i32
    %div3A_41 = arith.divsi %add3A_39, %div3A_40 : i32
    %gt3A = arith.constant 0 : i32
    %gt3A_42 = arith.cmpi sgt, %div3A_41, %gt3A : i32
    %convert_element_type3A = arith.extui %gt3A_42 : i1 to i32
    %cond3A = arith.constant 0 : i32
    %cond3A_43 = arith.cmpi ne, %convert_element_type3A, %cond3A : i32
    scf.if %cond3A_43 {
      %add3A_53 = arith.constant 0 : i32
      %add3A_54 = arith.addi %multiple_of3A, %add3A_53 : i32
      %min3A = arith.constant 319936 : i32
      %min3A_55 = arith.minsi %add3A_54, %min3A : i32
      %multiple_of3A_56 = tpu.assume_multiple %min3A_55, 8 : i32
      %dma_start3A = arith.constant 0 : i32
      %dma_start3A_57 = arith.constant 0 : i32
      %dma_start3A_58 = arith.constant 0 : i32
      %dma_start3A_59 = arith.constant 0 : i32
      %dma_start3A_60 = tpu.memref_slice %arg7[%dma_start3A, %dma_start3A_58, %dma_start3A_59] : memref<2x64x128xf32, #tpu.memory_space<vmem>> -> memref<1x64x128xf32, #tpu.memory_space<vmem>>
      %dma_start3A_61 = tpu.memref_squeeze %dma_start3A_60 : memref<1x64x128xf32, #tpu.memory_space<vmem>> -> memref<64x128xf32, #tpu.memory_space<vmem>>
      %dma_start3A_62 = arith.constant 0 : i32
      %dma_start3A_63 = tpu.memref_slice %arg2[%multiple_of3A_56, %dma_start3A_62] : memref<320000x128xf32, #tpu.memory_space<hbm>> -> memref<64x128xf32, #tpu.memory_space<hbm>>
      %dma_start3A_64 = tpu.memref_slice %arg13[%dma_start3A_57] : memref<2x!tpu.dma_semaphore, #tpu.memory_space<semaphore_mem>> -> memref<1x!tpu.dma_semaphore, #tpu.memory_space<semaphore_mem>>
      %dma_start3A_65 = tpu.memref_squeeze %dma_start3A_64 : memref<1x!tpu.dma_semaphore, #tpu.memory_space<semaphore_mem>> -> memref<!tpu.dma_semaphore, #tpu.memory_space<semaphore_mem>>
      %dma_start3A_66 = arith.constant 0 : i32
      %dma_start3A_67 = arith.constant 0 : i32
      %dma_start3A_68 = tpu.memref_slice %arg7[%dma_start3A, %dma_start3A_66, %dma_start3A_67] : memref<2x64x128xf32, #tpu.memory_space<vmem>> -> memref<1x64x128xf32, #tpu.memory_space<vmem>>
      %dma_start3A_69 = tpu.memref_squeeze %dma_start3A_68 : memref<1x64x128xf32, #tpu.memory_space<vmem>> -> memref<64x128xf32, #tpu.memory_space<vmem>>
      %dma_start3A_70 = arith.constant 0 : i32
      %dma_start3A_71 = tpu.memref_slice %arg2[%multiple_of3A_56, %dma_start3A_70] : memref<320000x128xf32, #tpu.memory_space<hbm>> -> memref<64x128xf32, #tpu.memory_space<hbm>>
      tpu.enqueue_dma source(%dma_start3A_71 : memref<64x128xf32, #tpu.memory_space<hbm>>) target(%dma_start3A_69 : memref<64x128xf32, #tpu.memory_space<vmem>>) target_semaphore(%dma_start3A_65 : memref<!tpu.dma_semaphore, #tpu.memory_space<semaphore_mem>>)
      %dma_start3A_72 = arith.constant 0 : i32
      %dma_start3A_73 = arith.constant 0 : i32
      %dma_start3A_74 = arith.constant 0 : i32
      %dma_start3A_75 = arith.constant 0 : i32
      %dma_start3A_76 = tpu.memref_slice %arg8[%dma_start3A_72, %dma_start3A_74, %dma_start3A_75] : memref<2x64x128xf32, #tpu.memory_space<vmem>> -> memref<1x64x128xf32, #tpu.memory_space<vmem>>
      %dma_start3A_77 = tpu.memref_squeeze %dma_start3A_76 : memref<1x64x128xf32, #tpu.memory_space<vmem>> -> memref<64x128xf32, #tpu.memory_space<vmem>>
      %dma_start3A_78 = arith.constant 0 : i32
      %dma_start3A_79 = tpu.memref_slice %arg3[%multiple_of3A_56, %dma_start3A_78] : memref<320000x128xf32, #tpu.memory_space<hbm>> -> memref<64x128xf32, #tpu.memory_space<hbm>>
      %dma_start3A_80 = tpu.memref_slice %arg13[%dma_start3A_73] : memref<2x!tpu.dma_semaphore, #tpu.memory_space<semaphore_mem>> -> memref<1x!tpu.dma_semaphore, #tpu.memory_space<semaphore_mem>>
      %dma_start3A_81 = tpu.memref_squeeze %dma_start3A_80 : memref<1x!tpu.dma_semaphore, #tpu.memory_space<semaphore_mem>> -> memref<!tpu.dma_semaphore, #tpu.memory_space<semaphore_mem>>
      %dma_start3A_82 = arith.constant 0 : i32
      %dma_start3A_83 = arith.constant 0 : i32
      %dma_start3A_84 = tpu.memref_slice %arg8[%dma_start3A_72, %dma_start3A_82, %dma_start3A_83] : memref<2x64x128xf32, #tpu.memory_space<vmem>> -> memref<1x64x128xf32, #tpu.memory_space<vmem>>
      %dma_start3A_85 = tpu.memref_squeeze %dma_start3A_84 : memref<1x64x128xf32, #tpu.memory_space<vmem>> -> memref<64x128xf32, #tpu.memory_space<vmem>>
      %dma_start3A_86 = arith.constant 0 : i32
      %dma_start3A_87 = tpu.memref_slice %arg3[%multiple_of3A_56, %dma_start3A_86] : memref<320000x128xf32, #tpu.memory_space<hbm>> -> memref<64x128xf32, #tpu.memory_space<hbm>>
      tpu.enqueue_dma source(%dma_start3A_87 : memref<64x128xf32, #tpu.memory_space<hbm>>) target(%dma_start3A_85 : memref<64x128xf32, #tpu.memory_space<vmem>>) target_semaphore(%dma_start3A_81 : memref<!tpu.dma_semaphore, #tpu.memory_space<semaphore_mem>>)
      %dma_start3A_88 = arith.constant 0 : i32
      %dma_start3A_89 = arith.constant 0 : i32
      %dma_start3A_90 = arith.constant 0 : i32
      %dma_start3A_91 = tpu.memref_slice %arg9[%dma_start3A_88, %dma_start3A_90] : memref<2x80xi32, #tpu.memory_space<vmem>> -> memref<1x64xi32, #tpu.memory_space<vmem>>
      %dma_start3A_92 = tpu.memref_squeeze %dma_start3A_91 : memref<1x64xi32, #tpu.memory_space<vmem>> -> memref<64xi32, #tpu.memory_space<vmem>>
      %dma_start3A_93 = tpu.memref_slice %arg4[%multiple_of3A_56] : memref<320000xi32, #tpu.memory_space<hbm>> -> memref<64xi32, #tpu.memory_space<hbm>>
      %dma_start3A_94 = tpu.memref_slice %arg13[%dma_start3A_89] : memref<2x!tpu.dma_semaphore, #tpu.memory_space<semaphore_mem>> -> memref<1x!tpu.dma_semaphore, #tpu.memory_space<semaphore_mem>>
      %dma_start3A_95 = tpu.memref_squeeze %dma_start3A_94 : memref<1x!tpu.dma_semaphore, #tpu.memory_space<semaphore_mem>> -> memref<!tpu.dma_semaphore, #tpu.memory_space<semaphore_mem>>
      %dma_start3A_96 = arith.constant 0 : i32
      %dma_start3A_97 = tpu.memref_slice %arg9[%dma_start3A_88, %dma_start3A_96] : memref<2x80xi32, #tpu.memory_space<vmem>> -> memref<1x64xi32, #tpu.memory_space<vmem>>
      %dma_start3A_98 = tpu.memref_squeeze %dma_start3A_97 : memref<1x64xi32, #tpu.memory_space<vmem>> -> memref<64xi32, #tpu.memory_space<vmem>>
      %dma_start3A_99 = tpu.memref_slice %arg4[%multiple_of3A_56] : memref<320000xi32, #tpu.memory_space<hbm>> -> memref<64xi32, #tpu.memory_space<hbm>>
      tpu.enqueue_dma source(%dma_start3A_99 : memref<64xi32, #tpu.memory_space<hbm>>) target(%dma_start3A_98 : memref<64xi32, #tpu.memory_space<vmem>>) target_semaphore(%dma_start3A_95 : memref<!tpu.dma_semaphore, #tpu.memory_space<semaphore_mem>>)
      %add3A_100 = arith.constant 1 : i32
      %add3A_101 = arith.addi %div3A_41, %add3A_100 : i32
      %div3A_102 = arith.constant 2 : i32
      %div3A_103 = arith.divsi %add3A_101, %div3A_102 : i32
      %while3A = arith.constant 0 : i32
      %while3A_104 = arith.constant 0 : i32
      %while3A_105 = arith.subi %div3A_103, %while3A : i32
      %while3A_106 = arith.addi %while3A, %while3A_105 : i32
      %while3A_107 = arith.constant 1 : i32
      %while3A_108 = arith.divsi %while3A_105, %while3A_107 : i32
      %while3A_109 = arith.muli %while3A_108, %while3A_107 : i32
      %while3A_110 = arith.addi %while3A, %while3A_109 : i32
      %while3A_111 = arith.constant 1 : i32
      %while3A_112 = scf.for %while3A_115 = %while3A to %while3A_110 step %while3A_111 iter_args(%while3A_116 = %while3A_104) -> (i32)  : i32 {
        %mul3A_117 = arith.constant 2 : i32
        %mul3A_118 = arith.muli %mul3A_117, %while3A_115 : i32
        %add3A_119 = arith.constant 1 : i32
        %add3A_120 = arith.addi %mul3A_118, %add3A_119 : i32
        %mul3A_121 = arith.constant 64 : i32
        %mul3A_122 = arith.muli %mul3A_118, %mul3A_121 : i32
        %add3A_123 = arith.addi %multiple_of3A, %mul3A_122 : i32
        %min3A_124 = arith.constant 319936 : i32
        %min3A_125 = arith.minsi %add3A_123, %min3A_124 : i32
        %multiple_of3A_126 = tpu.assume_multiple %min3A_125, 8 : i32
        %dma_wait3A = arith.constant 0 : i32
        %dma_wait3A_127 = arith.constant 0 : i32
        %dma_wait3A_128 = arith.constant 0 : i32
        %dma_wait3A_129 = arith.constant 0 : i32
        %dma_wait3A_130 = tpu.memref_slice %arg7[%dma_wait3A, %dma_wait3A_128, %dma_wait3A_129] : memref<2x64x128xf32, #tpu.memory_space<vmem>> -> memref<1x64x128xf32, #tpu.memory_space<vmem>>
        %dma_wait3A_131 = tpu.memref_squeeze %dma_wait3A_130 : memref<1x64x128xf32, #tpu.memory_space<vmem>> -> memref<64x128xf32, #tpu.memory_space<vmem>>
        %dma_wait3A_132 = arith.constant 0 : i32
        %dma_wait3A_133 = tpu.memref_slice %arg2[%multiple_of3A_126, %dma_wait3A_132] : memref<320000x128xf32, #tpu.memory_space<hbm>> -> memref<64x128xf32, #tpu.memory_space<hbm>>
        %dma_wait3A_134 = tpu.memref_slice %arg13[%dma_wait3A_127] : memref<2x!tpu.dma_semaphore, #tpu.memory_space<semaphore_mem>> -> memref<1x!tpu.dma_semaphore, #tpu.memory_space<semaphore_mem>>
        %dma_wait3A_135 = tpu.memref_squeeze %dma_wait3A_134 : memref<1x!tpu.dma_semaphore, #tpu.memory_space<semaphore_mem>> -> memref<!tpu.dma_semaphore, #tpu.memory_space<semaphore_mem>>
        %dma_wait3A_136 = arith.constant 0 : i32
        %dma_wait3A_137 = arith.constant 0 : i32
        %dma_wait3A_138 = tpu.memref_slice %arg7[%dma_wait3A, %dma_wait3A_136, %dma_wait3A_137] : memref<2x64x128xf32, #tpu.memory_space<vmem>> -> memref<1x64x128xf32, #tpu.memory_space<vmem>>
        %dma_wait3A_139 = tpu.memref_squeeze %dma_wait3A_138 : memref<1x64x128xf32, #tpu.memory_space<vmem>> -> memref<64x128xf32, #tpu.memory_space<vmem>>
        %dma_wait3A_140 = arith.constant 0 : i32
        %dma_wait3A_141 = tpu.memref_slice %arg2[%multiple_of3A_126, %dma_wait3A_140] : memref<320000x128xf32, #tpu.memory_space<hbm>> -> memref<64x128xf32, #tpu.memory_space<hbm>>
        tpu.wait_dma2 semaphore(%dma_wait3A_135 : memref<!tpu.dma_semaphore, #tpu.memory_space<semaphore_mem>>) src(%dma_wait3A_141 : memref<64x128xf32, #tpu.memory_space<hbm>>) dst(%dma_wait3A_139 : memref<64x128xf32, #tpu.memory_space<vmem>>)
        %dma_wait3A_142 = arith.constant 0 : i32
        %dma_wait3A_143 = arith.constant 0 : i32
        %dma_wait3A_144 = arith.constant 0 : i32
        %dma_wait3A_145 = arith.constant 0 : i32
        %dma_wait3A_146 = tpu.memref_slice %arg8[%dma_wait3A_142, %dma_wait3A_144, %dma_wait3A_145] : memref<2x64x128xf32, #tpu.memory_space<vmem>> -> memref<1x64x128xf32, #tpu.memory_space<vmem>>
        %dma_wait3A_147 = tpu.memref_squeeze %dma_wait3A_146 : memref<1x64x128xf32, #tpu.memory_space<vmem>> -> memref<64x128xf32, #tpu.memory_space<vmem>>
        %dma_wait3A_148 = arith.constant 0 : i32
        %dma_wait3A_149 = tpu.memref_slice %arg3[%multiple_of3A_126, %dma_wait3A_148] : memref<320000x128xf32, #tpu.memory_space<hbm>> -> memref<64x128xf32, #tpu.memory_space<hbm>>
        %dma_wait3A_150 = tpu.memref_slice %arg13[%dma_wait3A_143] : memref<2x!tpu.dma_semaphore, #tpu.memory_space<semaphore_mem>> -> memref<1x!tpu.dma_semaphore, #tpu.memory_space<semaphore_mem>>
        %dma_wait3A_151 = tpu.memref_squeeze %dma_wait3A_150 : memref<1x!tpu.dma_semaphore, #tpu.memory_space<semaphore_mem>> -> memref<!tpu.dma_semaphore, #tpu.memory_space<semaphore_mem>>
        %dma_wait3A_152 = arith.constant 0 : i32
        %dma_wait3A_153 = arith.constant 0 : i32
        %dma_wait3A_154 = tpu.memref_slice %arg8[%dma_wait3A_142, %dma_wait3A_152, %dma_wait3A_153] : memref<2x64x128xf32, #tpu.memory_space<vmem>> -> memref<1x64x128xf32, #tpu.memory_space<vmem>>
        %dma_wait3A_155 = tpu.memref_squeeze %dma_wait3A_154 : memref<1x64x128xf32, #tpu.memory_space<vmem>> -> memref<64x128xf32, #tpu.memory_space<vmem>>
        %dma_wait3A_156 = arith.constant 0 : i32
        %dma_wait3A_157 = tpu.memref_slice %arg3[%multiple_of3A_126, %dma_wait3A_156] : memref<320000x128xf32, #tpu.memory_space<hbm>> -> memref<64x128xf32, #tpu.memory_space<hbm>>
        tpu.wait_dma2 semaphore(%dma_wait3A_151 : memref<!tpu.dma_semaphore, #tpu.memory_space<semaphore_mem>>) src(%dma_wait3A_157 : memref<64x128xf32, #tpu.memory_space<hbm>>) dst(%dma_wait3A_155 : memref<64x128xf32, #tpu.memory_space<vmem>>)
        %dma_wait3A_158 = arith.constant 0 : i32
        %dma_wait3A_159 = arith.constant 0 : i32
        %dma_wait3A_160 = arith.constant 0 : i32
        %dma_wait3A_161 = tpu.memref_slice %arg9[%dma_wait3A_158, %dma_wait3A_160] : memref<2x80xi32, #tpu.memory_space<vmem>> -> memref<1x64xi32, #tpu.memory_space<vmem>>
        %dma_wait3A_162 = tpu.memref_squeeze %dma_wait3A_161 : memref<1x64xi32, #tpu.memory_space<vmem>> -> memref<64xi32, #tpu.memory_space<vmem>>
        %dma_wait3A_163 = tpu.memref_slice %arg4[%multiple_of3A_126] : memref<320000xi32, #tpu.memory_space<hbm>> -> memref<64xi32, #tpu.memory_space<hbm>>
        %dma_wait3A_164 = tpu.memref_slice %arg13[%dma_wait3A_159] : memref<2x!tpu.dma_semaphore, #tpu.memory_space<semaphore_mem>> -> memref<1x!tpu.dma_semaphore, #tpu.memory_space<semaphore_mem>>
        %dma_wait3A_165 = tpu.memref_squeeze %dma_wait3A_164 : memref<1x!tpu.dma_semaphore, #tpu.memory_space<semaphore_mem>> -> memref<!tpu.dma_semaphore, #tpu.memory_space<semaphore_mem>>
        %dma_wait3A_166 = arith.constant 0 : i32
        %dma_wait3A_167 = tpu.memref_slice %arg9[%dma_wait3A_158, %dma_wait3A_166] : memref<2x80xi32, #tpu.memory_space<vmem>> -> memref<1x64xi32, #tpu.memory_space<vmem>>
        %dma_wait3A_168 = tpu.memref_squeeze %dma_wait3A_167 : memref<1x64xi32, #tpu.memory_space<vmem>> -> memref<64xi32, #tpu.memory_space<vmem>>
        %dma_wait3A_169 = tpu.memref_slice %arg4[%multiple_of3A_126] : memref<320000xi32, #tpu.memory_space<hbm>> -> memref<64xi32, #tpu.memory_space<hbm>>
        tpu.wait_dma2 semaphore(%dma_wait3A_165 : memref<!tpu.dma_semaphore, #tpu.memory_space<semaphore_mem>>) src(%dma_wait3A_169 : memref<64xi32, #tpu.memory_space<hbm>>) dst(%dma_wait3A_168 : memref<64xi32, #tpu.memory_space<vmem>>)
        %lt3A = arith.cmpi slt, %add3A_120, %div3A_41 : i32
        %convert_element_type3A_170 = arith.extui %lt3A : i1 to i32
        %cond3A_171 = arith.constant 0 : i32
        %cond3A_172 = arith.cmpi ne, %convert_element_type3A_170, %cond3A_171 : i32
        scf.if %cond3A_172 {
          %mul3A_195 = arith.constant 64 : i32
          %mul3A_196 = arith.muli %add3A_120, %mul3A_195 : i32
          %add3A_197 = arith.addi %multiple_of3A, %mul3A_196 : i32
          %min3A_198 = arith.constant 319936 : i32
          %min3A_199 = arith.minsi %add3A_197, %min3A_198 : i32
          %multiple_of3A_200 = tpu.assume_multiple %min3A_199, 8 : i32
          %dma_start3A_201 = arith.constant 1 : i32
          %dma_start3A_202 = arith.constant 1 : i32
          %dma_start3A_203 = arith.constant 0 : i32
          %dma_start3A_204 = arith.constant 0 : i32
          %dma_start3A_205 = tpu.memref_slice %arg7[%dma_start3A_201, %dma_start3A_203, %dma_start3A_204] : memref<2x64x128xf32, #tpu.memory_space<vmem>> -> memref<1x64x128xf32, #tpu.memory_space<vmem>>
          %dma_start3A_206 = tpu.memref_squeeze %dma_start3A_205 : memref<1x64x128xf32, #tpu.memory_space<vmem>> -> memref<64x128xf32, #tpu.memory_space<vmem>>
          %dma_start3A_207 = arith.constant 0 : i32
          %dma_start3A_208 = tpu.memref_slice %arg2[%multiple_of3A_200, %dma_start3A_207] : memref<320000x128xf32, #tpu.memory_space<hbm>> -> memref<64x128xf32, #tpu.memory_space<hbm>>
          %dma_start3A_209 = tpu.memref_slice %arg13[%dma_start3A_202] : memref<2x!tpu.dma_semaphore, #tpu.memory_space<semaphore_mem>> -> memref<1x!tpu.dma_semaphore, #tpu.memory_space<semaphore_mem>>
          %dma_start3A_210 = tpu.memref_squeeze %dma_start3A_209 : memref<1x!tpu.dma_semaphore, #tpu.memory_space<semaphore_mem>> -> memref<!tpu.dma_semaphore, #tpu.memory_space<semaphore_mem>>
          %dma_start3A_211 = arith.constant 0 : i32
          %dma_start3A_212 = arith.constant 0 : i32
          %dma_start3A_213 = tpu.memref_slice %arg7[%dma_start3A_201, %dma_start3A_211, %dma_start3A_212] : memref<2x64x128xf32, #tpu.memory_space<vmem>> -> memref<1x64x128xf32, #tpu.memory_space<vmem>>
          %dma_start3A_214 = tpu.memref_squeeze %dma_start3A_213 : memref<1x64x128xf32, #tpu.memory_space<vmem>> -> memref<64x128xf32, #tpu.memory_space<vmem>>
          %dma_start3A_215 = arith.constant 0 : i32
          %dma_start3A_216 = tpu.memref_slice %arg2[%multiple_of3A_200, %dma_start3A_215] : memref<320000x128xf32, #tpu.memory_space<hbm>> -> memref<64x128xf32, #tpu.memory_space<hbm>>
          tpu.enqueue_dma source(%dma_start3A_216 : memref<64x128xf32, #tpu.memory_space<hbm>>) target(%dma_start3A_214 : memref<64x128xf32, #tpu.memory_space<vmem>>) target_semaphore(%dma_start3A_210 : memref<!tpu.dma_semaphore, #tpu.memory_space<semaphore_mem>>)
          %dma_start3A_217 = arith.constant 1 : i32
          %dma_start3A_218 = arith.constant 1 : i32
          %dma_start3A_219 = arith.constant 0 : i32
          %dma_start3A_220 = arith.constant 0 : i32
          %dma_start3A_221 = tpu.memref_slice %arg8[%dma_start3A_217, %dma_start3A_219, %dma_start3A_220] : memref<2x64x128xf32, #tpu.memory_space<vmem>> -> memref<1x64x128xf32, #tpu.memory_space<vmem>>
          %dma_start3A_222 = tpu.memref_squeeze %dma_start3A_221 : memref<1x64x128xf32, #tpu.memory_space<vmem>> -> memref<64x128xf32, #tpu.memory_space<vmem>>
          %dma_start3A_223 = arith.constant 0 : i32
          %dma_start3A_224 = tpu.memref_slice %arg3[%multiple_of3A_200, %dma_start3A_223] : memref<320000x128xf32, #tpu.memory_space<hbm>> -> memref<64x128xf32, #tpu.memory_space<hbm>>
          %dma_start3A_225 = tpu.memref_slice %arg13[%dma_start3A_218] : memref<2x!tpu.dma_semaphore, #tpu.memory_space<semaphore_mem>> -> memref<1x!tpu.dma_semaphore, #tpu.memory_space<semaphore_mem>>
          %dma_start3A_226 = tpu.memref_squeeze %dma_start3A_225 : memref<1x!tpu.dma_semaphore, #tpu.memory_space<semaphore_mem>> -> memref<!tpu.dma_semaphore, #tpu.memory_space<semaphore_mem>>
          %dma_start3A_227 = arith.constant 0 : i32
          %dma_start3A_228 = arith.constant 0 : i32
          %dma_start3A_229 = tpu.memref_slice %arg8[%dma_start3A_217, %dma_start3A_227, %dma_start3A_228] : memref<2x64x128xf32, #tpu.memory_space<vmem>> -> memref<1x64x128xf32, #tpu.memory_space<vmem>>
          %dma_start3A_230 = tpu.memref_squeeze %dma_start3A_229 : memref<1x64x128xf32, #tpu.memory_space<vmem>> -> memref<64x128xf32, #tpu.memory_space<vmem>>
          %dma_start3A_231 = arith.constant 0 : i32
          %dma_start3A_232 = tpu.memref_slice %arg3[%multiple_of3A_200, %dma_start3A_231] : memref<320000x128xf32, #tpu.memory_space<hbm>> -> memref<64x128xf32, #tpu.memory_space<hbm>>
          tpu.enqueue_dma source(%dma_start3A_232 : memref<64x128xf32, #tpu.memory_space<hbm>>) target(%dma_start3A_230 : memref<64x128xf32, #tpu.memory_space<vmem>>) target_semaphore(%dma_start3A_226 : memref<!tpu.dma_semaphore, #tpu.memory_space<semaphore_mem>>)
          %dma_start3A_233 = arith.constant 1 : i32
          %dma_start3A_234 = arith.constant 1 : i32
          %dma_start3A_235 = arith.constant 0 : i32
          %dma_start3A_236 = tpu.memref_slice %arg9[%dma_start3A_233, %dma_start3A_235] : memref<2x80xi32, #tpu.memory_space<vmem>> -> memref<1x64xi32, #tpu.memory_space<vmem>>
          %dma_start3A_237 = tpu.memref_squeeze %dma_start3A_236 : memref<1x64xi32, #tpu.memory_space<vmem>> -> memref<64xi32, #tpu.memory_space<vmem>>
          %dma_start3A_238 = tpu.memref_slice %arg4[%multiple_of3A_200] : memref<320000xi32, #tpu.memory_space<hbm>> -> memref<64xi32, #tpu.memory_space<hbm>>
          %dma_start3A_239 = tpu.memref_slice %arg13[%dma_start3A_234] : memref<2x!tpu.dma_semaphore, #tpu.memory_space<semaphore_mem>> -> memref<1x!tpu.dma_semaphore, #tpu.memory_space<semaphore_mem>>
          %dma_start3A_240 = tpu.memref_squeeze %dma_start3A_239 : memref<1x!tpu.dma_semaphore, #tpu.memory_space<semaphore_mem>> -> memref<!tpu.dma_semaphore, #tpu.memory_space<semaphore_mem>>
          %dma_start3A_241 = arith.constant 0 : i32
          %dma_start3A_242 = tpu.memref_slice %arg9[%dma_start3A_233, %dma_start3A_241] : memref<2x80xi32, #tpu.memory_space<vmem>> -> memref<1x64xi32, #tpu.memory_space<vmem>>
          %dma_start3A_243 = tpu.memref_squeeze %dma_start3A_242 : memref<1x64xi32, #tpu.memory_space<vmem>> -> memref<64xi32, #tpu.memory_space<vmem>>
          %dma_start3A_244 = tpu.memref_slice %arg4[%multiple_of3A_200] : memref<320000xi32, #tpu.memory_space<hbm>> -> memref<64xi32, #tpu.memory_space<hbm>>
          tpu.enqueue_dma source(%dma_start3A_244 : memref<64xi32, #tpu.memory_space<hbm>>) target(%dma_start3A_243 : memref<64xi32, #tpu.memory_space<vmem>>) target_semaphore(%dma_start3A_240 : memref<!tpu.dma_semaphore, #tpu.memory_space<semaphore_mem>>)
        } else {
        }
        %mul3A_173 = arith.constant 64 : i32
        %mul3A_174 = arith.muli %mul3A_118, %mul3A_173 : i32
        %add3A_175 = arith.addi %multiple_of3A, %mul3A_174 : i32
        %min3A_176 = arith.constant 319936 : i32
        %min3A_177 = arith.minsi %add3A_175, %min3A_176 : i32
        %multiple_of3A_178 = tpu.assume_multiple %min3A_177, 8 : i32
        %mul3A_179 = arith.constant 64 : i32
        %mul3A_180 = arith.muli %mul3A_118, %mul3A_179 : i32
        %add3A_181 = arith.addi %multiple_of3A, %mul3A_180 : i32
        %max3A = arith.maxsi %squeeze3A, %add3A_181 : i32
        %add3A_182 = arith.constant 1 : i32
        %add3A_183 = arith.addi %mul3A_118, %add3A_182 : i32
        %mul3A_184 = arith.constant 64 : i32
        %mul3A_185 = arith.muli %add3A_183, %mul3A_184 : i32
        %add3A_186 = arith.addi %multiple_of3A, %mul3A_185 : i32
        %min3A_187 = arith.minsi %squeeze3A_9, %add3A_186 : i32
        %parallel_loop3A = arith.constant 0 : i32
        %parallel_loop3A_188 = arith.constant 64 : i32
        %parallel_loop3A_189 = arith.constant 1 : i32
        scf.for %parallel_loop3A_195 = %parallel_loop3A to %parallel_loop3A_188 step %parallel_loop3A_189  : i32 {
          %parallel_loop3A_196 = arith.addi %multiple_of3A_178, %parallel_loop3A_195 : i32
          %parallel_loop3A_197 = arith.cmpi sge, %parallel_loop3A_196, %max3A : i32
          %parallel_loop3A_198 = arith.cmpi slt, %parallel_loop3A_196, %min3A_187 : i32
          %parallel_loop3A_199 = arith.andi %parallel_loop3A_197, %parallel_loop3A_198 : i1
          %parallel_loop3A_200 = arith.constant 0 : i32
          %parallel_loop3A_201 = arith.index_cast %parallel_loop3A_200 : i32 to index
          %parallel_loop3A_202 = arith.index_cast %parallel_loop3A_195 : i32 to index
          %parallel_loop3A_203 = tpu.vector_load %arg9[%parallel_loop3A_201, %parallel_loop3A_202] {strides = array<i32>} : memref<2x80xi32, #tpu.memory_space<vmem>>, vector<1x16xi32>,
          %parallel_loop3A_204 = vector.shape_cast %parallel_loop3A_203 : vector<1x16xi32> to vector<16xi32>
          %parallel_loop3A_205 = vector.extract_strided_slice %parallel_loop3A_204 {offsets = [0], sizes = [1], strides = [1]} : vector<16xi32> to vector<1xi32>
          %parallel_loop3A_206 = vector.extract %parallel_loop3A_205[0] : i32 from vector<1xi32>
          %parallel_loop3A_207 = arith.subi %parallel_loop3A_206, %mul3A_11 : i32
          %parallel_loop3A_208 = arith.constant 128 : i32
          %parallel_loop3A_209 = arith.muli %parallel_loop3A_207, %parallel_loop3A_208 : i32
          %parallel_loop3A_210 = arith.constant 0 : i32
          %parallel_loop3A_211 = arith.select %parallel_loop3A_199, %parallel_loop3A_209, %parallel_loop3A_210 : i32
          %parallel_loop3A_212 = arith.constant 0 : i32
          %parallel_loop3A_213 = arith.index_cast %parallel_loop3A_212 : i32 to index
          %parallel_loop3A_214 = arith.index_cast %parallel_loop3A_195 : i32 to index
          %parallel_loop3A_215 = arith.constant 0 : index
          %parallel_loop3A_216 = tpu.vector_load %arg7[%parallel_loop3A_213, %parallel_loop3A_214, %parallel_loop3A_215] {strides = array<i32>} : memref<2x64x128xf32, #tpu.memory_space<vmem>>, vector<1x1x16xf32>,
          %parallel_loop3A_217 = vector.shape_cast %parallel_loop3A_216 : vector<1x1x16xf32> to vector<16xf32>
          %parallel_loop3A_218 = arith.constant 0 : i32
          %parallel_loop3A_219 = arith.index_cast %parallel_loop3A_218 : i32 to index
          %parallel_loop3A_220 = arith.index_cast %parallel_loop3A_195 : i32 to index
          %parallel_loop3A_221 = arith.constant 0 : index
          %parallel_loop3A_222 = tpu.vector_load %arg8[%parallel_loop3A_219, %parallel_loop3A_220, %parallel_loop3A_221] {strides = array<i32>} : memref<2x64x128xf32, #tpu.memory_space<vmem>>, vector<1x1x16xf32>,
          %parallel_loop3A_223 = vector.shape_cast %parallel_loop3A_222 : vector<1x1x16xf32> to vector<16xf32>
          %parallel_loop3A_224 = arith.constant 0.000000e+00 : f32
          %parallel_loop3A_225 = vector.broadcast %parallel_loop3A_224 : f32 to vector<16xf32>
          %parallel_loop3A_226 = arith.select %parallel_loop3A_199, %parallel_loop3A_217, %parallel_loop3A_225 : vector<16xf32>
          %parallel_loop3A_227 = arith.mulf %parallel_loop3A_217, %parallel_loop3A_223 : vector<16xf32>
          %parallel_loop3A_228 = arith.constant 0.000000e+00 : f32
          %parallel_loop3A_229 = vector.broadcast %parallel_loop3A_228 : f32 to vector<16xf32>
          %parallel_loop3A_230 = arith.select %parallel_loop3A_199, %parallel_loop3A_227, %parallel_loop3A_229 : vector<16xf32>
          %parallel_loop3A_231 = arith.constant 0 : i32
          %parallel_loop3A_232 = arith.addi %parallel_loop3A_211, %parallel_loop3A_231 : i32
          %parallel_loop3A_233 = arith.index_cast %parallel_loop3A_232 : i32 to index
          %parallel_loop3A_234 = tpu.vector_load %arg11[%parallel_loop3A_233] {strides = array<i32>} : memref<40960xf32, #tpu.memory_space<vmem>>, vector<16xf32>,
          %parallel_loop3A_235 = vector.shape_cast %parallel_loop3A_234 : vector<16xf32> to vector<16xf32>
          %parallel_loop3A_236 = vector.shape_cast %parallel_loop3A_226 : vector<16xf32> to vector<16xf32>
          tpu.vector_store %arg11[%parallel_loop3A_233], %parallel_loop3A_236 {add = true, strides = array<i32>} : memref<40960xf32, #tpu.memory_space<vmem>>, vector<16xf32>,
          %parallel_loop3A_237 = arith.constant 0 : i32
          %parallel_loop3A_238 = arith.addi %parallel_loop3A_211, %parallel_loop3A_237 : i32
          %parallel_loop3A_239 = arith.index_cast %parallel_loop3A_238 : i32 to index
          %parallel_loop3A_240 = tpu.vector_load %arg10[%parallel_loop3A_239] {strides = array<i32>} : memref<40960xf32, #tpu.memory_space<vmem>>, vector<16xf32>,
          %parallel_loop3A_241 = vector.shape_cast %parallel_loop3A_240 : vector<16xf32> to vector<16xf32>
          %parallel_loop3A_242 = vector.shape_cast %parallel_loop3A_230 : vector<16xf32> to vector<16xf32>
          tpu.vector_store %arg10[%parallel_loop3A_239], %parallel_loop3A_242 {add = true, strides = array<i32>} : memref<40960xf32, #tpu.memory_space<vmem>>, vector<16xf32>,
          %parallel_loop3A_243 = arith.constant 0 : i32
          %parallel_loop3A_244 = arith.index_cast %parallel_loop3A_243 : i32 to index
          %parallel_loop3A_245 = arith.index_cast %parallel_loop3A_195 : i32 to index
          %parallel_loop3A_246 = arith.constant 16 : index
          %parallel_loop3A_247 = tpu.vector_load %arg7[%parallel_loop3A_244, %parallel_loop3A_245, %parallel_loop3A_246] {strides = array<i32>} : memref<2x64x128xf32, #tpu.memory_space<vmem>>, vector<1x1x16xf32>,
          %parallel_loop3A_248 = vector.shape_cast %parallel_loop3A_247 : vector<1x1x16xf32> to vector<16xf32>
          %parallel_loop3A_249 = arith.constant 0 : i32
          %parallel_loop3A_250 = arith.index_cast %parallel_loop3A_249 : i32 to index
          %parallel_loop3A_251 = arith.index_cast %parallel_loop3A_195 : i32 to index
          %parallel_loop3A_252 = arith.constant 16 : index
          %parallel_loop3A_253 = tpu.vector_load %arg8[%parallel_loop3A_250, %parallel_loop3A_251, %parallel_loop3A_252] {strides = array<i32>} : memref<2x64x128xf32, #tpu.memory_space<vmem>>, vector<1x1x16xf32>,
          %parallel_loop3A_254 = vector.shape_cast %parallel_loop3A_253 : vector<1x1x16xf32> to vector<16xf32>
          %parallel_loop3A_255 = arith.constant 0.000000e+00 : f32
          %parallel_loop3A_256 = vector.broadcast %parallel_loop3A_255 : f32 to vector<16xf32>
          %parallel_loop3A_257 = arith.select %parallel_loop3A_199, %parallel_loop3A_248, %parallel_loop3A_256 : vector<16xf32>
          %parallel_loop3A_258 = arith.mulf %parallel_loop3A_248, %parallel_loop3A_254 : vector<16xf32>
          %parallel_loop3A_259 = arith.constant 0.000000e+00 : f32
          %parallel_loop3A_260 = vector.broadcast %parallel_loop3A_259 : f32 to vector<16xf32>
          %parallel_loop3A_261 = arith.select %parallel_loop3A_199, %parallel_loop3A_258, %parallel_loop3A_260 : vector<16xf32>
          %parallel_loop3A_262 = arith.constant 16 : i32
          %parallel_loop3A_263 = arith.addi %parallel_loop3A_211, %parallel_loop3A_262 : i32
          %parallel_loop3A_264 = arith.index_cast %parallel_loop3A_263 : i32 to index
          %parallel_loop3A_265 = tpu.vector_load %arg11[%parallel_loop3A_264] {strides = array<i32>} : memref<40960xf32, #tpu.memory_space<vmem>>, vector<16xf32>,
          %parallel_loop3A_266 = vector.shape_cast %parallel_loop3A_265 : vector<16xf32> to vector<16xf32>
          %parallel_loop3A_267 = vector.shape_cast %parallel_loop3A_257 : vector<16xf32> to vector<16xf32>
          tpu.vector_store %arg11[%parallel_loop3A_264], %parallel_loop3A_267 {add = true, strides = array<i32>} : memref<40960xf32, #tpu.memory_space<vmem>>, vector<16xf32>,
          %parallel_loop3A_268 = arith.constant 16 : i32
          %parallel_loop3A_269 = arith.addi %parallel_loop3A_211, %parallel_loop3A_268 : i32
          %parallel_loop3A_270 = arith.index_cast %parallel_loop3A_269 : i32 to index
          %parallel_loop3A_271 = tpu.vector_load %arg10[%parallel_loop3A_270] {strides = array<i32>} : memref<40960xf32, #tpu.memory_space<vmem>>, vector<16xf32>,
          %parallel_loop3A_272 = vector.shape_cast %parallel_loop3A_271 : vector<16xf32> to vector<16xf32>
          %parallel_loop3A_273 = vector.shape_cast %parallel_loop3A_261 : vector<16xf32> to vector<16xf32>
          tpu.vector_store %arg10[%parallel_loop3A_270], %parallel_loop3A_273 {add = true, strides = array<i32>} : memref<40960xf32, #tpu.memory_space<vmem>>, vector<16xf32>,
          %parallel_loop3A_274 = arith.constant 0 : i32
          %parallel_loop3A_275 = arith.index_cast %parallel_loop3A_274 : i32 to index
          %parallel_loop3A_276 = arith.index_cast %parallel_loop3A_195 : i32 to index
          %parallel_loop3A_277 = arith.constant 32 : index
          %parallel_loop3A_278 = tpu.vector_load %arg7[%parallel_loop3A_275, %parallel_loop3A_276, %parallel_loop3A_277] {strides = array<i32>} : memref<2x64x128xf32, #tpu.memory_space<vmem>>, vector<1x1x16xf32>,
          %parallel_loop3A_279 = vector.shape_cast %parallel_loop3A_278 : vector<1x1x16xf32> to vector<16xf32>
          %parallel_loop3A_280 = arith.constant 0 : i32
          %parallel_loop3A_281 = arith.index_cast %parallel_loop3A_280 : i32 to index
          %parallel_loop3A_282 = arith.index_cast %parallel_loop3A_195 : i32 to index
          %parallel_loop3A_283 = arith.constant 32 : index
          %parallel_loop3A_284 = tpu.vector_load %arg8[%parallel_loop3A_281, %parallel_loop3A_282, %parallel_loop3A_283] {strides = array<i32>} : memref<2x64x128xf32, #tpu.memory_space<vmem>>, vector<1x1x16xf32>,
          %parallel_loop3A_285 = vector.shape_cast %parallel_loop3A_284 : vector<1x1x16xf32> to vector<16xf32>
          %parallel_loop3A_286 = arith.constant 0.000000e+00 : f32
          %parallel_loop3A_287 = vector.broadcast %parallel_loop3A_286 : f32 to vector<16xf32>
          %parallel_loop3A_288 = arith.select %parallel_loop3A_199, %parallel_loop3A_279, %parallel_loop3A_287 : vector<16xf32>
          %parallel_loop3A_289 = arith.mulf %parallel_loop3A_279, %parallel_loop3A_285 : vector<16xf32>
          %parallel_loop3A_290 = arith.constant 0.000000e+00 : f32
          %parallel_loop3A_291 = vector.broadcast %parallel_loop3A_290 : f32 to vector<16xf32>
          %parallel_loop3A_292 = arith.select %parallel_loop3A_199, %parallel_loop3A_289, %parallel_loop3A_291 : vector<16xf32>
          %parallel_loop3A_293 = arith.constant 32 : i32
          %parallel_loop3A_294 = arith.addi %parallel_loop3A_211, %parallel_loop3A_293 : i32
          %parallel_loop3A_295 = arith.index_cast %parallel_loop3A_294 : i32 to index
          %parallel_loop3A_296 = tpu.vector_load %arg11[%parallel_loop3A_295] {strides = array<i32>} : memref<40960xf32, #tpu.memory_space<vmem>>, vector<16xf32>,
          %parallel_loop3A_297 = vector.shape_cast %parallel_loop3A_296 : vector<16xf32> to vector<16xf32>
          %parallel_loop3A_298 = vector.shape_cast %parallel_loop3A_288 : vector<16xf32> to vector<16xf32>
          tpu.vector_store %arg11[%parallel_loop3A_295], %parallel_loop3A_298 {add = true, strides = array<i32>} : memref<40960xf32, #tpu.memory_space<vmem>>, vector<16xf32>,
          %parallel_loop3A_299 = arith.constant 32 : i32
          %parallel_loop3A_300 = arith.addi %parallel_loop3A_211, %parallel_loop3A_299 : i32
          %parallel_loop3A_301 = arith.index_cast %parallel_loop3A_300 : i32 to index
          %parallel_loop3A_302 = tpu.vector_load %arg10[%parallel_loop3A_301] {strides = array<i32>} : memref<40960xf32, #tpu.memory_space<vmem>>, vector<16xf32>,
          %parallel_loop3A_303 = vector.shape_cast %parallel_loop3A_302 : vector<16xf32> to vector<16xf32>
          %parallel_loop3A_304 = vector.shape_cast %parallel_loop3A_292 : vector<16xf32> to vector<16xf32>
          tpu.vector_store %arg10[%parallel_loop3A_301], %parallel_loop3A_304 {add = true, strides = array<i32>} : memref<40960xf32, #tpu.memory_space<vmem>>, vector<16xf32>,
          %parallel_loop3A_305 = arith.constant 0 : i32
          %parallel_loop3A_306 = arith.index_cast %parallel_loop3A_305 : i32 to index
          %parallel_loop3A_307 = arith.index_cast %parallel_loop3A_195 : i32 to index
          %parallel_loop3A_308 = arith.constant 48 : index
          %parallel_loop3A_309 = tpu.vector_load %arg7[%parallel_loop3A_306, %parallel_loop3A_307, %parallel_loop3A_308] {strides = array<i32>} : memref<2x64x128xf32, #tpu.memory_space<vmem>>, vector<1x1x16xf32>,
          %parallel_loop3A_310 = vector.shape_cast %parallel_loop3A_309 : vector<1x1x16xf32> to vector<16xf32>
          %parallel_loop3A_311 = arith.constant 0 : i32
          %parallel_loop3A_312 = arith.index_cast %parallel_loop3A_311 : i32 to index
          %parallel_loop3A_313 = arith.index_cast %parallel_loop3A_195 : i32 to index
          %parallel_loop3A_314 = arith.constant 48 : index
          %parallel_loop3A_315 = tpu.vector_load %arg8[%parallel_loop3A_312, %parallel_loop3A_313, %parallel_loop3A_314] {strides = array<i32>} : memref<2x64x128xf32, #tpu.memory_space<vmem>>, vector<1x1x16xf32>,
          %parallel_loop3A_316 = vector.shape_cast %parallel_loop3A_315 : vector<1x1x16xf32> to vector<16xf32>
          %parallel_loop3A_317 = arith.constant 0.000000e+00 : f32
          %parallel_loop3A_318 = vector.broadcast %parallel_loop3A_317 : f32 to vector<16xf32>
          %parallel_loop3A_319 = arith.select %parallel_loop3A_199, %parallel_loop3A_310, %parallel_loop3A_318 : vector<16xf32>
          %parallel_loop3A_320 = arith.mulf %parallel_loop3A_310, %parallel_loop3A_316 : vector<16xf32>
          %parallel_loop3A_321 = arith.constant 0.000000e+00 : f32
          %parallel_loop3A_322 = vector.broadcast %parallel_loop3A_321 : f32 to vector<16xf32>
          %parallel_loop3A_323 = arith.select %parallel_loop3A_199, %parallel_loop3A_320, %parallel_loop3A_322 : vector<16xf32>
          %parallel_loop3A_324 = arith.constant 48 : i32
          %parallel_loop3A_325 = arith.addi %parallel_loop3A_211, %parallel_loop3A_324 : i32
          %parallel_loop3A_326 = arith.index_cast %parallel_loop3A_325 : i32 to index
          %parallel_loop3A_327 = tpu.vector_load %arg11[%parallel_loop3A_326] {strides = array<i32>} : memref<40960xf32, #tpu.memory_space<vmem>>, vector<16xf32>,
          %parallel_loop3A_328 = vector.shape_cast %parallel_loop3A_327 : vector<16xf32> to vector<16xf32>
          %parallel_loop3A_329 = vector.shape_cast %parallel_loop3A_319 : vector<16xf32> to vector<16xf32>
          tpu.vector_store %arg11[%parallel_loop3A_326], %parallel_loop3A_329 {add = true, strides = array<i32>} : memref<40960xf32, #tpu.memory_space<vmem>>, vector<16xf32>,
          %parallel_loop3A_330 = arith.constant 48 : i32
          %parallel_loop3A_331 = arith.addi %parallel_loop3A_211, %parallel_loop3A_330 : i32
          %parallel_loop3A_332 = arith.index_cast %parallel_loop3A_331 : i32 to index
          %parallel_loop3A_333 = tpu.vector_load %arg10[%parallel_loop3A_332] {strides = array<i32>} : memref<40960xf32, #tpu.memory_space<vmem>>, vector<16xf32>,
          %parallel_loop3A_334 = vector.shape_cast %parallel_loop3A_333 : vector<16xf32> to vector<16xf32>
          %parallel_loop3A_335 = vector.shape_cast %parallel_loop3A_323 : vector<16xf32> to vector<16xf32>
          tpu.vector_store %arg10[%parallel_loop3A_332], %parallel_loop3A_335 {add = true, strides = array<i32>} : memref<40960xf32, #tpu.memory_space<vmem>>, vector<16xf32>,
          %parallel_loop3A_336 = arith.constant 0 : i32
          %parallel_loop3A_337 = arith.index_cast %parallel_loop3A_336 : i32 to index
          %parallel_loop3A_338 = arith.index_cast %parallel_loop3A_195 : i32 to index
          %parallel_loop3A_339 = arith.constant 64 : index
          %parallel_loop3A_340 = tpu.vector_load %arg7[%parallel_loop3A_337, %parallel_loop3A_338, %parallel_loop3A_339] {strides = array<i32>} : memref<2x64x128xf32, #tpu.memory_space<vmem>>, vector<1x1x16xf32>,
          %parallel_loop3A_341 = vector.shape_cast %parallel_loop3A_340 : vector<1x1x16xf32> to vector<16xf32>
          %parallel_loop3A_342 = arith.constant 0 : i32
          %parallel_loop3A_343 = arith.index_cast %parallel_loop3A_342 : i32 to index
          %parallel_loop3A_344 = arith.index_cast %parallel_loop3A_195 : i32 to index
          %parallel_loop3A_345 = arith.constant 64 : index
          %parallel_loop3A_346 = tpu.vector_load %arg8[%parallel_loop3A_343, %parallel_loop3A_344, %parallel_loop3A_345] {strides = array<i32>} : memref<2x64x128xf32, #tpu.memory_space<vmem>>, vector<1x1x16xf32>,
          %parallel_loop3A_347 = vector.shape_cast %parallel_loop3A_346 : vector<1x1x16xf32> to vector<16xf32>
          %parallel_loop3A_348 = arith.constant 0.000000e+00 : f32
          %parallel_loop3A_349 = vector.broadcast %parallel_loop3A_348 : f32 to vector<16xf32>
          %parallel_loop3A_350 = arith.select %parallel_loop3A_199, %parallel_loop3A_341, %parallel_loop3A_349 : vector<16xf32>
          %parallel_loop3A_351 = arith.mulf %parallel_loop3A_341, %parallel_loop3A_347 : vector<16xf32>
          %parallel_loop3A_352 = arith.constant 0.000000e+00 : f32
          %parallel_loop3A_353 = vector.broadcast %parallel_loop3A_352 : f32 to vector<16xf32>
          %parallel_loop3A_354 = arith.select %parallel_loop3A_199, %parallel_loop3A_351, %parallel_loop3A_353 : vector<16xf32>
          %parallel_loop3A_355 = arith.constant 64 : i32
          %parallel_loop3A_356 = arith.addi %parallel_loop3A_211, %parallel_loop3A_355 : i32
          %parallel_loop3A_357 = arith.index_cast %parallel_loop3A_356 : i32 to index
          %parallel_loop3A_358 = tpu.vector_load %arg11[%parallel_loop3A_357] {strides = array<i32>} : memref<40960xf32, #tpu.memory_space<vmem>>, vector<16xf32>,
          %parallel_loop3A_359 = vector.shape_cast %parallel_loop3A_358 : vector<16xf32> to vector<16xf32>
          %parallel_loop3A_360 = vector.shape_cast %parallel_loop3A_350 : vector<16xf32> to vector<16xf32>
          tpu.vector_store %arg11[%parallel_loop3A_357], %parallel_loop3A_360 {add = true, strides = array<i32>} : memref<40960xf32, #tpu.memory_space<vmem>>, vector<16xf32>,
          %parallel_loop3A_361 = arith.constant 64 : i32
          %parallel_loop3A_362 = arith.addi %parallel_loop3A_211, %parallel_loop3A_361 : i32
          %parallel_loop3A_363 = arith.index_cast %parallel_loop3A_362 : i32 to index
          %parallel_loop3A_364 = tpu.vector_load %arg10[%parallel_loop3A_363] {strides = array<i32>} : memref<40960xf32, #tpu.memory_space<vmem>>, vector<16xf32>,
          %parallel_loop3A_365 = vector.shape_cast %parallel_loop3A_364 : vector<16xf32> to vector<16xf32>
          %parallel_loop3A_366 = vector.shape_cast %parallel_loop3A_354 : vector<16xf32> to vector<16xf32>
          tpu.vector_store %arg10[%parallel_loop3A_363], %parallel_loop3A_366 {add = true, strides = array<i32>} : memref<40960xf32, #tpu.memory_space<vmem>>, vector<16xf32>,
          %parallel_loop3A_367 = arith.constant 0 : i32
          %parallel_loop3A_368 = arith.index_cast %parallel_loop3A_367 : i32 to index
          %parallel_loop3A_369 = arith.index_cast %parallel_loop3A_195 : i32 to index
          %parallel_loop3A_370 = arith.constant 80 : index
          %parallel_loop3A_371 = tpu.vector_load %arg7[%parallel_loop3A_368, %parallel_loop3A_369, %parallel_loop3A_370] {strides = array<i32>} : memref<2x64x128xf32, #tpu.memory_space<vmem>>, vector<1x1x16xf32>,
          %parallel_loop3A_372 = vector.shape_cast %parallel_loop3A_371 : vector<1x1x16xf32> to vector<16xf32>
          %parallel_loop3A_373 = arith.constant 0 : i32
          %parallel_loop3A_374 = arith.index_cast %parallel_loop3A_373 : i32 to index
          %parallel_loop3A_375 = arith.index_cast %parallel_loop3A_195 : i32 to index
          %parallel_loop3A_376 = arith.constant 80 : index
          %parallel_loop3A_377 = tpu.vector_load %arg8[%parallel_loop3A_374, %parallel_loop3A_375, %parallel_loop3A_376] {strides = array<i32>} : memref<2x64x128xf32, #tpu.memory_space<vmem>>, vector<1x1x16xf32>,
          %parallel_loop3A_378 = vector.shape_cast %parallel_loop3A_377 : vector<1x1x16xf32> to vector<16xf32>
          %parallel_loop3A_379 = arith.constant 0.000000e+00 : f32
          %parallel_loop3A_380 = vector.broadcast %parallel_loop3A_379 : f32 to vector<16xf32>
          %parallel_loop3A_381 = arith.select %parallel_loop3A_199, %parallel_loop3A_372, %parallel_loop3A_380 : vector<16xf32>
          %parallel_loop3A_382 = arith.mulf %parallel_loop3A_372, %parallel_loop3A_378 : vector<16xf32>
          %parallel_loop3A_383 = arith.constant 0.000000e+00 : f32
          %parallel_loop3A_384 = vector.broadcast %parallel_loop3A_383 : f32 to vector<16xf32>
          %parallel_loop3A_385 = arith.select %parallel_loop3A_199, %parallel_loop3A_382, %parallel_loop3A_384 : vector<16xf32>
          %parallel_loop3A_386 = arith.constant 80 : i32
          %parallel_loop3A_387 = arith.addi %parallel_loop3A_211, %parallel_loop3A_386 : i32
          %parallel_loop3A_388 = arith.index_cast %parallel_loop3A_387 : i32 to index
          %parallel_loop3A_389 = tpu.vector_load %arg11[%parallel_loop3A_388] {strides = array<i32>} : memref<40960xf32, #tpu.memory_space<vmem>>, vector<16xf32>,
          %parallel_loop3A_390 = vector.shape_cast %parallel_loop3A_389 : vector<16xf32> to vector<16xf32>
          %parallel_loop3A_391 = vector.shape_cast %parallel_loop3A_381 : vector<16xf32> to vector<16xf32>
          tpu.vector_store %arg11[%parallel_loop3A_388], %parallel_loop3A_391 {add = true, strides = array<i32>} : memref<40960xf32, #tpu.memory_space<vmem>>, vector<16xf32>,
          %parallel_loop3A_392 = arith.constant 80 : i32
          %parallel_loop3A_393 = arith.addi %parallel_loop3A_211, %parallel_loop3A_392 : i32
          %parallel_loop3A_394 = arith.index_cast %parallel_loop3A_393 : i32 to index
          %parallel_loop3A_395 = tpu.vector_load %arg10[%parallel_loop3A_394] {strides = array<i32>} : memref<40960xf32, #tpu.memory_space<vmem>>, vector<16xf32>,
          %parallel_loop3A_396 = vector.shape_cast %parallel_loop3A_395 : vector<16xf32> to vector<16xf32>
          %parallel_loop3A_397 = vector.shape_cast %parallel_loop3A_385 : vector<16xf32> to vector<16xf32>
          tpu.vector_store %arg10[%parallel_loop3A_394], %parallel_loop3A_397 {add = true, strides = array<i32>} : memref<40960xf32, #tpu.memory_space<vmem>>, vector<16xf32>,
          %parallel_loop3A_398 = arith.constant 0 : i32
          %parallel_loop3A_399 = arith.index_cast %parallel_loop3A_398 : i32 to index
          %parallel_loop3A_400 = arith.index_cast %parallel_loop3A_195 : i32 to index
          %parallel_loop3A_401 = arith.constant 96 : index
          %parallel_loop3A_402 = tpu.vector_load %arg7[%parallel_loop3A_399, %parallel_loop3A_400, %parallel_loop3A_401] {strides = array<i32>} : memref<2x64x128xf32, #tpu.memory_space<vmem>>, vector<1x1x16xf32>,
          %parallel_loop3A_403 = vector.shape_cast %parallel_loop3A_402 : vector<1x1x16xf32> to vector<16xf32>
          %parallel_loop3A_404 = arith.constant 0 : i32
          %parallel_loop3A_405 = arith.index_cast %parallel_loop3A_404 : i32 to index
          %parallel_loop3A_406 = arith.index_cast %parallel_loop3A_195 : i32 to index
          %parallel_loop3A_407 = arith.constant 96 : index
          %parallel_loop3A_408 = tpu.vector_load %arg8[%parallel_loop3A_405, %parallel_loop3A_406, %parallel_loop3A_407] {strides = array<i32>} : memref<2x64x128xf32, #tpu.memory_space<vmem>>, vector<1x1x16xf32>,
          %parallel_loop3A_409 = vector.shape_cast %parallel_loop3A_408 : vector<1x1x16xf32> to vector<16xf32>
          %parallel_loop3A_410 = arith.constant 0.000000e+00 : f32
          %parallel_loop3A_411 = vector.broadcast %parallel_loop3A_410 : f32 to vector<16xf32>
          %parallel_loop3A_412 = arith.select %parallel_loop3A_199, %parallel_loop3A_403, %parallel_loop3A_411 : vector<16xf32>
          %parallel_loop3A_413 = arith.mulf %parallel_loop3A_403, %parallel_loop3A_409 : vector<16xf32>
          %parallel_loop3A_414 = arith.constant 0.000000e+00 : f32
          %parallel_loop3A_415 = vector.broadcast %parallel_loop3A_414 : f32 to vector<16xf32>
          %parallel_loop3A_416 = arith.select %parallel_loop3A_199, %parallel_loop3A_413, %parallel_loop3A_415 : vector<16xf32>
          %parallel_loop3A_417 = arith.constant 96 : i32
          %parallel_loop3A_418 = arith.addi %parallel_loop3A_211, %parallel_loop3A_417 : i32
          %parallel_loop3A_419 = arith.index_cast %parallel_loop3A_418 : i32 to index
          %parallel_loop3A_420 = tpu.vector_load %arg11[%parallel_loop3A_419] {strides = array<i32>} : memref<40960xf32, #tpu.memory_space<vmem>>, vector<16xf32>,
          %parallel_loop3A_421 = vector.shape_cast %parallel_loop3A_420 : vector<16xf32> to vector<16xf32>
          %parallel_loop3A_422 = vector.shape_cast %parallel_loop3A_412 : vector<16xf32> to vector<16xf32>
          tpu.vector_store %arg11[%parallel_loop3A_419], %parallel_loop3A_422 {add = true, strides = array<i32>} : memref<40960xf32, #tpu.memory_space<vmem>>, vector<16xf32>,
          %parallel_loop3A_423 = arith.constant 96 : i32
          %parallel_loop3A_424 = arith.addi %parallel_loop3A_211, %parallel_loop3A_423 : i32
          %parallel_loop3A_425 = arith.index_cast %parallel_loop3A_424 : i32 to index
          %parallel_loop3A_426 = tpu.vector_load %arg10[%parallel_loop3A_425] {strides = array<i32>} : memref<40960xf32, #tpu.memory_space<vmem>>, vector<16xf32>,
          %parallel_loop3A_427 = vector.shape_cast %parallel_loop3A_426 : vector<16xf32> to vector<16xf32>
          %parallel_loop3A_428 = vector.shape_cast %parallel_loop3A_416 : vector<16xf32> to vector<16xf32>
          tpu.vector_store %arg10[%parallel_loop3A_425], %parallel_loop3A_428 {add = true, strides = array<i32>} : memref<40960xf32, #tpu.memory_space<vmem>>, vector<16xf32>,
          %parallel_loop3A_429 = arith.constant 0 : i32
          %parallel_loop3A_430 = arith.index_cast %parallel_loop3A_429 : i32 to index
          %parallel_loop3A_431 = arith.index_cast %parallel_loop3A_195 : i32 to index
          %parallel_loop3A_432 = arith.constant 112 : index
          %parallel_loop3A_433 = tpu.vector_load %arg7[%parallel_loop3A_430, %parallel_loop3A_431, %parallel_loop3A_432] {strides = array<i32>} : memref<2x64x128xf32, #tpu.memory_space<vmem>>, vector<1x1x16xf32>,
          %parallel_loop3A_434 = vector.shape_cast %parallel_loop3A_433 : vector<1x1x16xf32> to vector<16xf32>
          %parallel_loop3A_435 = arith.constant 0 : i32
          %parallel_loop3A_436 = arith.index_cast %parallel_loop3A_435 : i32 to index
          %parallel_loop3A_437 = arith.index_cast %parallel_loop3A_195 : i32 to index
          %parallel_loop3A_438 = arith.constant 112 : index
          %parallel_loop3A_439 = tpu.vector_load %arg8[%parallel_loop3A_436, %parallel_loop3A_437, %parallel_loop3A_438] {strides = array<i32>} : memref<2x64x128xf32, #tpu.memory_space<vmem>>, vector<1x1x16xf32>,
          %parallel_loop3A_440 = vector.shape_cast %parallel_loop3A_439 : vector<1x1x16xf32> to vector<16xf32>
          %parallel_loop3A_441 = arith.constant 0.000000e+00 : f32
          %parallel_loop3A_442 = vector.broadcast %parallel_loop3A_441 : f32 to vector<16xf32>
          %parallel_loop3A_443 = arith.select %parallel_loop3A_199, %parallel_loop3A_434, %parallel_loop3A_442 : vector<16xf32>
          %parallel_loop3A_444 = arith.mulf %parallel_loop3A_434, %parallel_loop3A_440 : vector<16xf32>
          %parallel_loop3A_445 = arith.constant 0.000000e+00 : f32
          %parallel_loop3A_446 = vector.broadcast %parallel_loop3A_445 : f32 to vector<16xf32>
          %parallel_loop3A_447 = arith.select %parallel_loop3A_199, %parallel_loop3A_444, %parallel_loop3A_446 : vector<16xf32>
          %parallel_loop3A_448 = arith.constant 112 : i32
          %parallel_loop3A_449 = arith.addi %parallel_loop3A_211, %parallel_loop3A_448 : i32
          %parallel_loop3A_450 = arith.index_cast %parallel_loop3A_449 : i32 to index
          %parallel_loop3A_451 = tpu.vector_load %arg11[%parallel_loop3A_450] {strides = array<i32>} : memref<40960xf32, #tpu.memory_space<vmem>>, vector<16xf32>,
          %parallel_loop3A_452 = vector.shape_cast %parallel_loop3A_451 : vector<16xf32> to vector<16xf32>
          %parallel_loop3A_453 = vector.shape_cast %parallel_loop3A_443 : vector<16xf32> to vector<16xf32>
          tpu.vector_store %arg11[%parallel_loop3A_450], %parallel_loop3A_453 {add = true, strides = array<i32>} : memref<40960xf32, #tpu.memory_space<vmem>>, vector<16xf32>,
          %parallel_loop3A_454 = arith.constant 112 : i32
          %parallel_loop3A_455 = arith.addi %parallel_loop3A_211, %parallel_loop3A_454 : i32
          %parallel_loop3A_456 = arith.index_cast %parallel_loop3A_455 : i32 to index
          %parallel_loop3A_457 = tpu.vector_load %arg10[%parallel_loop3A_456] {strides = array<i32>} : memref<40960xf32, #tpu.memory_space<vmem>>, vector<16xf32>,
          %parallel_loop3A_458 = vector.shape_cast %parallel_loop3A_457 : vector<16xf32> to vector<16xf32>
          %parallel_loop3A_459 = vector.shape_cast %parallel_loop3A_447 : vector<16xf32> to vector<16xf32>
          tpu.vector_store %arg10[%parallel_loop3A_456], %parallel_loop3A_459 {add = true, strides = array<i32>} : memref<40960xf32, #tpu.memory_space<vmem>>, vector<16xf32>,
        } {sc.loop_unroll_factor = 4 : i64, sc.parallel_access}
        %lt3A_190 = arith.cmpi slt, %add3A_120, %div3A_41 : i32
        %convert_element_type3A_191 = arith.extui %lt3A_190 : i1 to i32
        %cond3A_192 = arith.constant 0 : i32
        %cond3A_193 = arith.cmpi ne, %convert_element_type3A_191, %cond3A_192 : i32
        scf.if %cond3A_193 {
          %mul3A_195 = arith.constant 64 : i32
          %mul3A_196 = arith.muli %add3A_120, %mul3A_195 : i32
          %add3A_197 = arith.addi %multiple_of3A, %mul3A_196 : i32
          %min3A_198 = arith.constant 319936 : i32
          %min3A_199 = arith.minsi %add3A_197, %min3A_198 : i32
          %multiple_of3A_200 = tpu.assume_multiple %min3A_199, 8 : i32
          %dma_wait3A_201 = arith.constant 1 : i32
          %dma_wait3A_202 = arith.constant 1 : i32
          %dma_wait3A_203 = arith.constant 0 : i32
          %dma_wait3A_204 = arith.constant 0 : i32
          %dma_wait3A_205 = tpu.memref_slice %arg7[%dma_wait3A_201, %dma_wait3A_203, %dma_wait3A_204] : memref<2x64x128xf32, #tpu.memory_space<vmem>> -> memref<1x64x128xf32, #tpu.memory_space<vmem>>
          %dma_wait3A_206 = tpu.memref_squeeze %dma_wait3A_205 : memref<1x64x128xf32, #tpu.memory_space<vmem>> -> memref<64x128xf32, #tpu.memory_space<vmem>>
          %dma_wait3A_207 = arith.constant 0 : i32
          %dma_wait3A_208 = tpu.memref_slice %arg2[%multiple_of3A_200, %dma_wait3A_207] : memref<320000x128xf32, #tpu.memory_space<hbm>> -> memref<64x128xf32, #tpu.memory_space<hbm>>
          %dma_wait3A_209 = tpu.memref_slice %arg13[%dma_wait3A_202] : memref<2x!tpu.dma_semaphore, #tpu.memory_space<semaphore_mem>> -> memref<1x!tpu.dma_semaphore, #tpu.memory_space<semaphore_mem>>
          %dma_wait3A_210 = tpu.memref_squeeze %dma_wait3A_209 : memref<1x!tpu.dma_semaphore, #tpu.memory_space<semaphore_mem>> -> memref<!tpu.dma_semaphore, #tpu.memory_space<semaphore_mem>>
          %dma_wait3A_211 = arith.constant 0 : i32
          %dma_wait3A_212 = arith.constant 0 : i32
          %dma_wait3A_213 = tpu.memref_slice %arg7[%dma_wait3A_201, %dma_wait3A_211, %dma_wait3A_212] : memref<2x64x128xf32, #tpu.memory_space<vmem>> -> memref<1x64x128xf32, #tpu.memory_space<vmem>>
          %dma_wait3A_214 = tpu.memref_squeeze %dma_wait3A_213 : memref<1x64x128xf32, #tpu.memory_space<vmem>> -> memref<64x128xf32, #tpu.memory_space<vmem>>
          %dma_wait3A_215 = arith.constant 0 : i32
          %dma_wait3A_216 = tpu.memref_slice %arg2[%multiple_of3A_200, %dma_wait3A_215] : memref<320000x128xf32, #tpu.memory_space<hbm>> -> memref<64x128xf32, #tpu.memory_space<hbm>>
          tpu.wait_dma2 semaphore(%dma_wait3A_210 : memref<!tpu.dma_semaphore, #tpu.memory_space<semaphore_mem>>) src(%dma_wait3A_216 : memref<64x128xf32, #tpu.memory_space<hbm>>) dst(%dma_wait3A_214 : memref<64x128xf32, #tpu.memory_space<vmem>>)
          %dma_wait3A_217 = arith.constant 1 : i32
          %dma_wait3A_218 = arith.constant 1 : i32
          %dma_wait3A_219 = arith.constant 0 : i32
          %dma_wait3A_220 = arith.constant 0 : i32
          %dma_wait3A_221 = tpu.memref_slice %arg8[%dma_wait3A_217, %dma_wait3A_219, %dma_wait3A_220] : memref<2x64x128xf32, #tpu.memory_space<vmem>> -> memref<1x64x128xf32, #tpu.memory_space<vmem>>
          %dma_wait3A_222 = tpu.memref_squeeze %dma_wait3A_221 : memref<1x64x128xf32, #tpu.memory_space<vmem>> -> memref<64x128xf32, #tpu.memory_space<vmem>>
          %dma_wait3A_223 = arith.constant 0 : i32
          %dma_wait3A_224 = tpu.memref_slice %arg3[%multiple_of3A_200, %dma_wait3A_223] : memref<320000x128xf32, #tpu.memory_space<hbm>> -> memref<64x128xf32, #tpu.memory_space<hbm>>
          %dma_wait3A_225 = tpu.memref_slice %arg13[%dma_wait3A_218] : memref<2x!tpu.dma_semaphore, #tpu.memory_space<semaphore_mem>> -> memref<1x!tpu.dma_semaphore, #tpu.memory_space<semaphore_mem>>
          %dma_wait3A_226 = tpu.memref_squeeze %dma_wait3A_225 : memref<1x!tpu.dma_semaphore, #tpu.memory_space<semaphore_mem>> -> memref<!tpu.dma_semaphore, #tpu.memory_space<semaphore_mem>>
          %dma_wait3A_227 = arith.constant 0 : i32
          %dma_wait3A_228 = arith.constant 0 : i32
          %dma_wait3A_229 = tpu.memref_slice %arg8[%dma_wait3A_217, %dma_wait3A_227, %dma_wait3A_228] : memref<2x64x128xf32, #tpu.memory_space<vmem>> -> memref<1x64x128xf32, #tpu.memory_space<vmem>>
          %dma_wait3A_230 = tpu.memref_squeeze %dma_wait3A_229 : memref<1x64x128xf32, #tpu.memory_space<vmem>> -> memref<64x128xf32, #tpu.memory_space<vmem>>
          %dma_wait3A_231 = arith.constant 0 : i32
          %dma_wait3A_232 = tpu.memref_slice %arg3[%multiple_of3A_200, %dma_wait3A_231] : memref<320000x128xf32, #tpu.memory_space<hbm>> -> memref<64x128xf32, #tpu.memory_space<hbm>>
          tpu.wait_dma2 semaphore(%dma_wait3A_226 : memref<!tpu.dma_semaphore, #tpu.memory_space<semaphore_mem>>) src(%dma_wait3A_232 : memref<64x128xf32, #tpu.memory_space<hbm>>) dst(%dma_wait3A_230 : memref<64x128xf32, #tpu.memory_space<vmem>>)
          %dma_wait3A_233 = arith.constant 1 : i32
          %dma_wait3A_234 = arith.constant 1 : i32
          %dma_wait3A_235 = arith.constant 0 : i32
          %dma_wait3A_236 = tpu.memref_slice %arg9[%dma_wait3A_233, %dma_wait3A_235] : memref<2x80xi32, #tpu.memory_space<vmem>> -> memref<1x64xi32, #tpu.memory_space<vmem>>
          %dma_wait3A_237 = tpu.memref_squeeze %dma_wait3A_236 : memref<1x64xi32, #tpu.memory_space<vmem>> -> memref<64xi32, #tpu.memory_space<vmem>>
          %dma_wait3A_238 = tpu.memref_slice %arg4[%multiple_of3A_200] : memref<320000xi32, #tpu.memory_space<hbm>> -> memref<64xi32, #tpu.memory_space<hbm>>
          %dma_wait3A_239 = tpu.memref_slice %arg13[%dma_wait3A_234] : memref<2x!tpu.dma_semaphore, #tpu.memory_space<semaphore_mem>> -> memref<1x!tpu.dma_semaphore, #tpu.memory_space<semaphore_mem>>
          %dma_wait3A_240 = tpu.memref_squeeze %dma_wait3A_239 : memref<1x!tpu.dma_semaphore, #tpu.memory_space<semaphore_mem>> -> memref<!tpu.dma_semaphore, #tpu.memory_space<semaphore_mem>>
          %dma_wait3A_241 = arith.constant 0 : i32
          %dma_wait3A_242 = tpu.memref_slice %arg9[%dma_wait3A_233, %dma_wait3A_241] : memref<2x80xi32, #tpu.memory_space<vmem>> -> memref<1x64xi32, #tpu.memory_space<vmem>>
          %dma_wait3A_243 = tpu.memref_squeeze %dma_wait3A_242 : memref<1x64xi32, #tpu.memory_space<vmem>> -> memref<64xi32, #tpu.memory_space<vmem>>
          %dma_wait3A_244 = tpu.memref_slice %arg4[%multiple_of3A_200] : memref<320000xi32, #tpu.memory_space<hbm>> -> memref<64xi32, #tpu.memory_space<hbm>>
          tpu.wait_dma2 semaphore(%dma_wait3A_240 : memref<!tpu.dma_semaphore, #tpu.memory_space<semaphore_mem>>) src(%dma_wait3A_244 : memref<64xi32, #tpu.memory_space<hbm>>) dst(%dma_wait3A_243 : memref<64xi32, #tpu.memory_space<vmem>>)
          %add3A_245 = arith.constant 1 : i32
          %add3A_246 = arith.addi %add3A_120, %add3A_245 : i32
          %lt3A_247 = arith.cmpi slt, %add3A_246, %div3A_41 : i32
          %convert_element_type3A_248 = arith.extui %lt3A_247 : i1 to i32
          %cond3A_249 = arith.constant 0 : i32
          %cond3A_250 = arith.cmpi ne, %convert_element_type3A_248, %cond3A_249 : i32
          scf.if %cond3A_250 {
            %add3A_270 = arith.constant 1 : i32
            %add3A_271 = arith.addi %add3A_120, %add3A_270 : i32
            %mul3A_272 = arith.constant 64 : i32
            %mul3A_273 = arith.muli %add3A_271, %mul3A_272 : i32
            %add3A_274 = arith.addi %multiple_of3A, %mul3A_273 : i32
            %min3A_275 = arith.constant 319936 : i32
            %min3A_276 = arith.minsi %add3A_274, %min3A_275 : i32
            %multiple_of3A_277 = tpu.assume_multiple %min3A_276, 8 : i32
            %dma_start3A_278 = arith.constant 0 : i32
            %dma_start3A_279 = arith.constant 0 : i32
            %dma_start3A_280 = arith.constant 0 : i32
            %dma_start3A_281 = arith.constant 0 : i32
            %dma_start3A_282 = tpu.memref_slice %arg7[%dma_start3A_278, %dma_start3A_280, %dma_start3A_281] : memref<2x64x128xf32, #tpu.memory_space<vmem>> -> memref<1x64x128xf32, #tpu.memory_space<vmem>>
            %dma_start3A_283 = tpu.memref_squeeze %dma_start3A_282 : memref<1x64x128xf32, #tpu.memory_space<vmem>> -> memref<64x128xf32, #tpu.memory_space<vmem>>
            %dma_start3A_284 = arith.constant 0 : i32
            %dma_start3A_285 = tpu.memref_slice %arg2[%multiple_of3A_277, %dma_start3A_284] : memref<320000x128xf32, #tpu.memory_space<hbm>> -> memref<64x128xf32, #tpu.memory_space<hbm>>
            %dma_start3A_286 = tpu.memref_slice %arg13[%dma_start3A_279] : memref<2x!tpu.dma_semaphore, #tpu.memory_space<semaphore_mem>> -> memref<1x!tpu.dma_semaphore, #tpu.memory_space<semaphore_mem>>
            %dma_start3A_287 = tpu.memref_squeeze %dma_start3A_286 : memref<1x!tpu.dma_semaphore, #tpu.memory_space<semaphore_mem>> -> memref<!tpu.dma_semaphore, #tpu.memory_space<semaphore_mem>>
            %dma_start3A_288 = arith.constant 0 : i32
            %dma_start3A_289 = arith.constant 0 : i32
            %dma_start3A_290 = tpu.memref_slice %arg7[%dma_start3A_278, %dma_start3A_288, %dma_start3A_289] : memref<2x64x128xf32, #tpu.memory_space<vmem>> -> memref<1x64x128xf32, #tpu.memory_space<vmem>>
            %dma_start3A_291 = tpu.memref_squeeze %dma_start3A_290 : memref<1x64x128xf32, #tpu.memory_space<vmem>> -> memref<64x128xf32, #tpu.memory_space<vmem>>
            %dma_start3A_292 = arith.constant 0 : i32
            %dma_start3A_293 = tpu.memref_slice %arg2[%multiple_of3A_277, %dma_start3A_292] : memref<320000x128xf32, #tpu.memory_space<hbm>> -> memref<64x128xf32, #tpu.memory_space<hbm>>
            tpu.enqueue_dma source(%dma_start3A_293 : memref<64x128xf32, #tpu.memory_space<hbm>>) target(%dma_start3A_291 : memref<64x128xf32, #tpu.memory_space<vmem>>) target_semaphore(%dma_start3A_287 : memref<!tpu.dma_semaphore, #tpu.memory_space<semaphore_mem>>)
            %dma_start3A_294 = arith.constant 0 : i32
            %dma_start3A_295 = arith.constant 0 : i32
            %dma_start3A_296 = arith.constant 0 : i32
            %dma_start3A_297 = arith.constant 0 : i32
            %dma_start3A_298 = tpu.memref_slice %arg8[%dma_start3A_294, %dma_start3A_296, %dma_start3A_297] : memref<2x64x128xf32, #tpu.memory_space<vmem>> -> memref<1x64x128xf32, #tpu.memory_space<vmem>>
            %dma_start3A_299 = tpu.memref_squeeze %dma_start3A_298 : memref<1x64x128xf32, #tpu.memory_space<vmem>> -> memref<64x128xf32, #tpu.memory_space<vmem>>
            %dma_start3A_300 = arith.constant 0 : i32
            %dma_start3A_301 = tpu.memref_slice %arg3[%multiple_of3A_277, %dma_start3A_300] : memref<320000x128xf32, #tpu.memory_space<hbm>> -> memref<64x128xf32, #tpu.memory_space<hbm>>
            %dma_start3A_302 = tpu.memref_slice %arg13[%dma_start3A_295] : memref<2x!tpu.dma_semaphore, #tpu.memory_space<semaphore_mem>> -> memref<1x!tpu.dma_semaphore, #tpu.memory_space<semaphore_mem>>
            %dma_start3A_303 = tpu.memref_squeeze %dma_start3A_302 : memref<1x!tpu.dma_semaphore, #tpu.memory_space<semaphore_mem>> -> memref<!tpu.dma_semaphore, #tpu.memory_space<semaphore_mem>>
            %dma_start3A_304 = arith.constant 0 : i32
            %dma_start3A_305 = arith.constant 0 : i32
            %dma_start3A_306 = tpu.memref_slice %arg8[%dma_start3A_294, %dma_start3A_304, %dma_start3A_305] : memref<2x64x128xf32, #tpu.memory_space<vmem>> -> memref<1x64x128xf32, #tpu.memory_space<vmem>>
            %dma_start3A_307 = tpu.memref_squeeze %dma_start3A_306 : memref<1x64x128xf32, #tpu.memory_space<vmem>> -> memref<64x128xf32, #tpu.memory_space<vmem>>
            %dma_start3A_308 = arith.constant 0 : i32
            %dma_start3A_309 = tpu.memref_slice %arg3[%multiple_of3A_277, %dma_start3A_308] : memref<320000x128xf32, #tpu.memory_space<hbm>> -> memref<64x128xf32, #tpu.memory_space<hbm>>
            tpu.enqueue_dma source(%dma_start3A_309 : memref<64x128xf32, #tpu.memory_space<hbm>>) target(%dma_start3A_307 : memref<64x128xf32, #tpu.memory_space<vmem>>) target_semaphore(%dma_start3A_303 : memref<!tpu.dma_semaphore, #tpu.memory_space<semaphore_mem>>)
            %dma_start3A_310 = arith.constant 0 : i32
            %dma_start3A_311 = arith.constant 0 : i32
            %dma_start3A_312 = arith.constant 0 : i32
            %dma_start3A_313 = tpu.memref_slice %arg9[%dma_start3A_310, %dma_start3A_312] : memref<2x80xi32, #tpu.memory_space<vmem>> -> memref<1x64xi32, #tpu.memory_space<vmem>>
            %dma_start3A_314 = tpu.memref_squeeze %dma_start3A_313 : memref<1x64xi32, #tpu.memory_space<vmem>> -> memref<64xi32, #tpu.memory_space<vmem>>
            %dma_start3A_315 = tpu.memref_slice %arg4[%multiple_of3A_277] : memref<320000xi32, #tpu.memory_space<hbm>> -> memref<64xi32, #tpu.memory_space<hbm>>
            %dma_start3A_316 = tpu.memref_slice %arg13[%dma_start3A_311] : memref<2x!tpu.dma_semaphore, #tpu.memory_space<semaphore_mem>> -> memref<1x!tpu.dma_semaphore, #tpu.memory_space<semaphore_mem>>
            %dma_start3A_317 = tpu.memref_squeeze %dma_start3A_316 : memref<1x!tpu.dma_semaphore, #tpu.memory_space<semaphore_mem>> -> memref<!tpu.dma_semaphore, #tpu.memory_space<semaphore_mem>>
            %dma_start3A_318 = arith.constant 0 : i32
            %dma_start3A_319 = tpu.memref_slice %arg9[%dma_start3A_310, %dma_start3A_318] : memref<2x80xi32, #tpu.memory_space<vmem>> -> memref<1x64xi32, #tpu.memory_space<vmem>>
            %dma_start3A_320 = tpu.memref_squeeze %dma_start3A_319 : memref<1x64xi32, #tpu.memory_space<vmem>> -> memref<64xi32, #tpu.memory_space<vmem>>
            %dma_start3A_321 = tpu.memref_slice %arg4[%multiple_of3A_277] : memref<320000xi32, #tpu.memory_space<hbm>> -> memref<64xi32, #tpu.memory_space<hbm>>
            tpu.enqueue_dma source(%dma_start3A_321 : memref<64xi32, #tpu.memory_space<hbm>>) target(%dma_start3A_320 : memref<64xi32, #tpu.memory_space<vmem>>) target_semaphore(%dma_start3A_317 : memref<!tpu.dma_semaphore, #tpu.memory_space<semaphore_mem>>)
          } else {
          }
          %mul3A_251 = arith.constant 64 : i32
          %mul3A_252 = arith.muli %add3A_120, %mul3A_251 : i32
          %add3A_253 = arith.addi %multiple_of3A, %mul3A_252 : i32
          %min3A_254 = arith.constant 319936 : i32
          %min3A_255 = arith.minsi %add3A_253, %min3A_254 : i32
          %multiple_of3A_256 = tpu.assume_multiple %min3A_255, 8 : i32
          %mul3A_257 = arith.constant 64 : i32
          %mul3A_258 = arith.muli %add3A_120, %mul3A_257 : i32
          %add3A_259 = arith.addi %multiple_of3A, %mul3A_258 : i32
          %max3A_260 = arith.maxsi %squeeze3A, %add3A_259 : i32
          %add3A_261 = arith.constant 1 : i32
          %add3A_262 = arith.addi %add3A_120, %add3A_261 : i32
          %mul3A_263 = arith.constant 64 : i32
          %mul3A_264 = arith.muli %add3A_262, %mul3A_263 : i32
          %add3A_265 = arith.addi %multiple_of3A, %mul3A_264 : i32
          %min3A_266 = arith.minsi %squeeze3A_9, %add3A_265 : i32
          %parallel_loop3A_267 = arith.constant 0 : i32
          %parallel_loop3A_268 = arith.constant 64 : i32
          %parallel_loop3A_269 = arith.constant 1 : i32
          scf.for %parallel_loop3A_270 = %parallel_loop3A_267 to %parallel_loop3A_268 step %parallel_loop3A_269  : i32 {
            %parallel_loop3A_271 = arith.addi %multiple_of3A_256, %parallel_loop3A_270 : i32
            %parallel_loop3A_272 = arith.cmpi sge, %parallel_loop3A_271, %max3A_260 : i32
            %parallel_loop3A_273 = arith.cmpi slt, %parallel_loop3A_271, %min3A_266 : i32
            %parallel_loop3A_274 = arith.andi %parallel_loop3A_272, %parallel_loop3A_273 : i1
            %parallel_loop3A_275 = arith.constant 1 : i32
            %parallel_loop3A_276 = arith.index_cast %parallel_loop3A_275 : i32 to index
            %parallel_loop3A_277 = arith.index_cast %parallel_loop3A_270 : i32 to index
            %parallel_loop3A_278 = tpu.vector_load %arg9[%parallel_loop3A_276, %parallel_loop3A_277] {strides = array<i32>} : memref<2x80xi32, #tpu.memory_space<vmem>>, vector<1x16xi32>,
            %parallel_loop3A_279 = vector.shape_cast %parallel_loop3A_278 : vector<1x16xi32> to vector<16xi32>
            %parallel_loop3A_280 = vector.extract_strided_slice %parallel_loop3A_279 {offsets = [0], sizes = [1], strides = [1]} : vector<16xi32> to vector<1xi32>
            %parallel_loop3A_281 = vector.extract %parallel_loop3A_280[0] : i32 from vector<1xi32>
            %parallel_loop3A_282 = arith.subi %parallel_loop3A_281, %mul3A_11 : i32
            %parallel_loop3A_283 = arith.constant 128 : i32
            %parallel_loop3A_284 = arith.muli %parallel_loop3A_282, %parallel_loop3A_283 : i32
            %parallel_loop3A_285 = arith.constant 0 : i32
            %parallel_loop3A_286 = arith.select %parallel_loop3A_274, %parallel_loop3A_284, %parallel_loop3A_285 : i32
            %parallel_loop3A_287 = arith.constant 1 : i32
            %parallel_loop3A_288 = arith.index_cast %parallel_loop3A_287 : i32 to index
            %parallel_loop3A_289 = arith.index_cast %parallel_loop3A_270 : i32 to index
            %parallel_loop3A_290 = arith.constant 0 : index
            %parallel_loop3A_291 = tpu.vector_load %arg7[%parallel_loop3A_288, %parallel_loop3A_289, %parallel_loop3A_290] {strides = array<i32>} : memref<2x64x128xf32, #tpu.memory_space<vmem>>, vector<1x1x16xf32>,
            %parallel_loop3A_292 = vector.shape_cast %parallel_loop3A_291 : vector<1x1x16xf32> to vector<16xf32>
            %parallel_loop3A_293 = arith.constant 1 : i32
            %parallel_loop3A_294 = arith.index_cast %parallel_loop3A_293 : i32 to index
            %parallel_loop3A_295 = arith.index_cast %parallel_loop3A_270 : i32 to index
            %parallel_loop3A_296 = arith.constant 0 : index
            %parallel_loop3A_297 = tpu.vector_load %arg8[%parallel_loop3A_294, %parallel_loop3A_295, %parallel_loop3A_296] {strides = array<i32>} : memref<2x64x128xf32, #tpu.memory_space<vmem>>, vector<1x1x16xf32>,
            %parallel_loop3A_298 = vector.shape_cast %parallel_loop3A_297 : vector<1x1x16xf32> to vector<16xf32>
            %parallel_loop3A_299 = arith.constant 0.000000e+00 : f32
            %parallel_loop3A_300 = vector.broadcast %parallel_loop3A_299 : f32 to vector<16xf32>
            %parallel_loop3A_301 = arith.select %parallel_loop3A_274, %parallel_loop3A_292, %parallel_loop3A_300 : vector<16xf32>
            %parallel_loop3A_302 = arith.mulf %parallel_loop3A_292, %parallel_loop3A_298 : vector<16xf32>
            %parallel_loop3A_303 = arith.constant 0.000000e+00 : f32
            %parallel_loop3A_304 = vector.broadcast %parallel_loop3A_303 : f32 to vector<16xf32>
            %parallel_loop3A_305 = arith.select %parallel_loop3A_274, %parallel_loop3A_302, %parallel_loop3A_304 : vector<16xf32>
            %parallel_loop3A_306 = arith.constant 0 : i32
            %parallel_loop3A_307 = arith.addi %parallel_loop3A_286, %parallel_loop3A_306 : i32
            %parallel_loop3A_308 = arith.index_cast %parallel_loop3A_307 : i32 to index
            %parallel_loop3A_309 = tpu.vector_load %arg11[%parallel_loop3A_308] {strides = array<i32>} : memref<40960xf32, #tpu.memory_space<vmem>>, vector<16xf32>,
            %parallel_loop3A_310 = vector.shape_cast %parallel_loop3A_309 : vector<16xf32> to vector<16xf32>
            %parallel_loop3A_311 = vector.shape_cast %parallel_loop3A_301 : vector<16xf32> to vector<16xf32>
            tpu.vector_store %arg11[%parallel_loop3A_308], %parallel_loop3A_311 {add = true, strides = array<i32>} : memref<40960xf32, #tpu.memory_space<vmem>>, vector<16xf32>,
            %parallel_loop3A_312 = arith.constant 0 : i32
            %parallel_loop3A_313 = arith.addi %parallel_loop3A_286, %parallel_loop3A_312 : i32
            %parallel_loop3A_314 = arith.index_cast %parallel_loop3A_313 : i32 to index
            %parallel_loop3A_315 = tpu.vector_load %arg10[%parallel_loop3A_314] {strides = array<i32>} : memref<40960xf32, #tpu.memory_space<vmem>>, vector<16xf32>,
            %parallel_loop3A_316 = vector.shape_cast %parallel_loop3A_315 : vector<16xf32> to vector<16xf32>
            %parallel_loop3A_317 = vector.shape_cast %parallel_loop3A_305 : vector<16xf32> to vector<16xf32>
            tpu.vector_store %arg10[%parallel_loop3A_314], %parallel_loop3A_317 {add = true, strides = array<i32>} : memref<40960xf32, #tpu.memory_space<vmem>>, vector<16xf32>,
            %parallel_loop3A_318 = arith.constant 1 : i32
            %parallel_loop3A_319 = arith.index_cast %parallel_loop3A_318 : i32 to index
            %parallel_loop3A_320 = arith.index_cast %parallel_loop3A_270 : i32 to index
            %parallel_loop3A_321 = arith.constant 16 : index
            %parallel_loop3A_322 = tpu.vector_load %arg7[%parallel_loop3A_319, %parallel_loop3A_320, %parallel_loop3A_321] {strides = array<i32>} : memref<2x64x128xf32, #tpu.memory_space<vmem>>, vector<1x1x16xf32>,
            %parallel_loop3A_323 = vector.shape_cast %parallel_loop3A_322 : vector<1x1x16xf32> to vector<16xf32>
            %parallel_loop3A_324 = arith.constant 1 : i32
            %parallel_loop3A_325 = arith.index_cast %parallel_loop3A_324 : i32 to index
            %parallel_loop3A_326 = arith.index_cast %parallel_loop3A_270 : i32 to index
            %parallel_loop3A_327 = arith.constant 16 : index
            %parallel_loop3A_328 = tpu.vector_load %arg8[%parallel_loop3A_325, %parallel_loop3A_326, %parallel_loop3A_327] {strides = array<i32>} : memref<2x64x128xf32, #tpu.memory_space<vmem>>, vector<1x1x16xf32>,
            %parallel_loop3A_329 = vector.shape_cast %parallel_loop3A_328 : vector<1x1x16xf32> to vector<16xf32>
            %parallel_loop3A_330 = arith.constant 0.000000e+00 : f32
            %parallel_loop3A_331 = vector.broadcast %parallel_loop3A_330 : f32 to vector<16xf32>
            %parallel_loop3A_332 = arith.select %parallel_loop3A_274, %parallel_loop3A_323, %parallel_loop3A_331 : vector<16xf32>
            %parallel_loop3A_333 = arith.mulf %parallel_loop3A_323, %parallel_loop3A_329 : vector<16xf32>
            %parallel_loop3A_334 = arith.constant 0.000000e+00 : f32
            %parallel_loop3A_335 = vector.broadcast %parallel_loop3A_334 : f32 to vector<16xf32>
            %parallel_loop3A_336 = arith.select %parallel_loop3A_274, %parallel_loop3A_333, %parallel_loop3A_335 : vector<16xf32>
            %parallel_loop3A_337 = arith.constant 16 : i32
            %parallel_loop3A_338 = arith.addi %parallel_loop3A_286, %parallel_loop3A_337 : i32
            %parallel_loop3A_339 = arith.index_cast %parallel_loop3A_338 : i32 to index
            %parallel_loop3A_340 = tpu.vector_load %arg11[%parallel_loop3A_339] {strides = array<i32>} : memref<40960xf32, #tpu.memory_space<vmem>>, vector<16xf32>,
            %parallel_loop3A_341 = vector.shape_cast %parallel_loop3A_340 : vector<16xf32> to vector<16xf32>
            %parallel_loop3A_342 = vector.shape_cast %parallel_loop3A_332 : vector<16xf32> to vector<16xf32>
            tpu.vector_store %arg11[%parallel_loop3A_339], %parallel_loop3A_342 {add = true, strides = array<i32>} : memref<40960xf32, #tpu.memory_space<vmem>>, vector<16xf32>,
            %parallel_loop3A_343 = arith.constant 16 : i32
            %parallel_loop3A_344 = arith.addi %parallel_loop3A_286, %parallel_loop3A_343 : i32
            %parallel_loop3A_345 = arith.index_cast %parallel_loop3A_344 : i32 to index
            %parallel_loop3A_346 = tpu.vector_load %arg10[%parallel_loop3A_345] {strides = array<i32>} : memref<40960xf32, #tpu.memory_space<vmem>>, vector<16xf32>,
            %parallel_loop3A_347 = vector.shape_cast %parallel_loop3A_346 : vector<16xf32> to vector<16xf32>
            %parallel_loop3A_348 = vector.shape_cast %parallel_loop3A_336 : vector<16xf32> to vector<16xf32>
            tpu.vector_store %arg10[%parallel_loop3A_345], %parallel_loop3A_348 {add = true, strides = array<i32>} : memref<40960xf32, #tpu.memory_space<vmem>>, vector<16xf32>,
            %parallel_loop3A_349 = arith.constant 1 : i32
            %parallel_loop3A_350 = arith.index_cast %parallel_loop3A_349 : i32 to index
            %parallel_loop3A_351 = arith.index_cast %parallel_loop3A_270 : i32 to index
            %parallel_loop3A_352 = arith.constant 32 : index
            %parallel_loop3A_353 = tpu.vector_load %arg7[%parallel_loop3A_350, %parallel_loop3A_351, %parallel_loop3A_352] {strides = array<i32>} : memref<2x64x128xf32, #tpu.memory_space<vmem>>, vector<1x1x16xf32>,
            %parallel_loop3A_354 = vector.shape_cast %parallel_loop3A_353 : vector<1x1x16xf32> to vector<16xf32>
            %parallel_loop3A_355 = arith.constant 1 : i32
            %parallel_loop3A_356 = arith.index_cast %parallel_loop3A_355 : i32 to index
            %parallel_loop3A_357 = arith.index_cast %parallel_loop3A_270 : i32 to index
            %parallel_loop3A_358 = arith.constant 32 : index
            %parallel_loop3A_359 = tpu.vector_load %arg8[%parallel_loop3A_356, %parallel_loop3A_357, %parallel_loop3A_358] {strides = array<i32>} : memref<2x64x128xf32, #tpu.memory_space<vmem>>, vector<1x1x16xf32>,
            %parallel_loop3A_360 = vector.shape_cast %parallel_loop3A_359 : vector<1x1x16xf32> to vector<16xf32>
            %parallel_loop3A_361 = arith.constant 0.000000e+00 : f32
            %parallel_loop3A_362 = vector.broadcast %parallel_loop3A_361 : f32 to vector<16xf32>
            %parallel_loop3A_363 = arith.select %parallel_loop3A_274, %parallel_loop3A_354, %parallel_loop3A_362 : vector<16xf32>
            %parallel_loop3A_364 = arith.mulf %parallel_loop3A_354, %parallel_loop3A_360 : vector<16xf32>
            %parallel_loop3A_365 = arith.constant 0.000000e+00 : f32
            %parallel_loop3A_366 = vector.broadcast %parallel_loop3A_365 : f32 to vector<16xf32>
            %parallel_loop3A_367 = arith.select %parallel_loop3A_274, %parallel_loop3A_364, %parallel_loop3A_366 : vector<16xf32>
            %parallel_loop3A_368 = arith.constant 32 : i32
            %parallel_loop3A_369 = arith.addi %parallel_loop3A_286, %parallel_loop3A_368 : i32
            %parallel_loop3A_370 = arith.index_cast %parallel_loop3A_369 : i32 to index
            %parallel_loop3A_371 = tpu.vector_load %arg11[%parallel_loop3A_370] {strides = array<i32>} : memref<40960xf32, #tpu.memory_space<vmem>>, vector<16xf32>,
            %parallel_loop3A_372 = vector.shape_cast %parallel_loop3A_371 : vector<16xf32> to vector<16xf32>
            %parallel_loop3A_373 = vector.shape_cast %parallel_loop3A_363 : vector<16xf32> to vector<16xf32>
            tpu.vector_store %arg11[%parallel_loop3A_370], %parallel_loop3A_373 {add = true, strides = array<i32>} : memref<40960xf32, #tpu.memory_space<vmem>>, vector<16xf32>,
            %parallel_loop3A_374 = arith.constant 32 : i32
            %parallel_loop3A_375 = arith.addi %parallel_loop3A_286, %parallel_loop3A_374 : i32
            %parallel_loop3A_376 = arith.index_cast %parallel_loop3A_375 : i32 to index
            %parallel_loop3A_377 = tpu.vector_load %arg10[%parallel_loop3A_376] {strides = array<i32>} : memref<40960xf32, #tpu.memory_space<vmem>>, vector<16xf32>,
            %parallel_loop3A_378 = vector.shape_cast %parallel_loop3A_377 : vector<16xf32> to vector<16xf32>
            %parallel_loop3A_379 = vector.shape_cast %parallel_loop3A_367 : vector<16xf32> to vector<16xf32>
            tpu.vector_store %arg10[%parallel_loop3A_376], %parallel_loop3A_379 {add = true, strides = array<i32>} : memref<40960xf32, #tpu.memory_space<vmem>>, vector<16xf32>,
            %parallel_loop3A_380 = arith.constant 1 : i32
            %parallel_loop3A_381 = arith.index_cast %parallel_loop3A_380 : i32 to index
            %parallel_loop3A_382 = arith.index_cast %parallel_loop3A_270 : i32 to index
            %parallel_loop3A_383 = arith.constant 48 : index
            %parallel_loop3A_384 = tpu.vector_load %arg7[%parallel_loop3A_381, %parallel_loop3A_382, %parallel_loop3A_383] {strides = array<i32>} : memref<2x64x128xf32, #tpu.memory_space<vmem>>, vector<1x1x16xf32>,
            %parallel_loop3A_385 = vector.shape_cast %parallel_loop3A_384 : vector<1x1x16xf32> to vector<16xf32>
            %parallel_loop3A_386 = arith.constant 1 : i32
            %parallel_loop3A_387 = arith.index_cast %parallel_loop3A_386 : i32 to index
            %parallel_loop3A_388 = arith.index_cast %parallel_loop3A_270 : i32 to index
            %parallel_loop3A_389 = arith.constant 48 : index
            %parallel_loop3A_390 = tpu.vector_load %arg8[%parallel_loop3A_387, %parallel_loop3A_388, %parallel_loop3A_389] {strides = array<i32>} : memref<2x64x128xf32, #tpu.memory_space<vmem>>, vector<1x1x16xf32>,
            %parallel_loop3A_391 = vector.shape_cast %parallel_loop3A_390 : vector<1x1x16xf32> to vector<16xf32>
            %parallel_loop3A_392 = arith.constant 0.000000e+00 : f32
            %parallel_loop3A_393 = vector.broadcast %parallel_loop3A_392 : f32 to vector<16xf32>
            %parallel_loop3A_394 = arith.select %parallel_loop3A_274, %parallel_loop3A_385, %parallel_loop3A_393 : vector<16xf32>
            %parallel_loop3A_395 = arith.mulf %parallel_loop3A_385, %parallel_loop3A_391 : vector<16xf32>
            %parallel_loop3A_396 = arith.constant 0.000000e+00 : f32
            %parallel_loop3A_397 = vector.broadcast %parallel_loop3A_396 : f32 to vector<16xf32>
            %parallel_loop3A_398 = arith.select %parallel_loop3A_274, %parallel_loop3A_395, %parallel_loop3A_397 : vector<16xf32>
            %parallel_loop3A_399 = arith.constant 48 : i32
            %parallel_loop3A_400 = arith.addi %parallel_loop3A_286, %parallel_loop3A_399 : i32
            %parallel_loop3A_401 = arith.index_cast %parallel_loop3A_400 : i32 to index
            %parallel_loop3A_402 = tpu.vector_load %arg11[%parallel_loop3A_401] {strides = array<i32>} : memref<40960xf32, #tpu.memory_space<vmem>>, vector<16xf32>,
            %parallel_loop3A_403 = vector.shape_cast %parallel_loop3A_402 : vector<16xf32> to vector<16xf32>
            %parallel_loop3A_404 = vector.shape_cast %parallel_loop3A_394 : vector<16xf32> to vector<16xf32>
            tpu.vector_store %arg11[%parallel_loop3A_401], %parallel_loop3A_404 {add = true, strides = array<i32>} : memref<40960xf32, #tpu.memory_space<vmem>>, vector<16xf32>,
            %parallel_loop3A_405 = arith.constant 48 : i32
            %parallel_loop3A_406 = arith.addi %parallel_loop3A_286, %parallel_loop3A_405 : i32
            %parallel_loop3A_407 = arith.index_cast %parallel_loop3A_406 : i32 to index
            %parallel_loop3A_408 = tpu.vector_load %arg10[%parallel_loop3A_407] {strides = array<i32>} : memref<40960xf32, #tpu.memory_space<vmem>>, vector<16xf32>,
            %parallel_loop3A_409 = vector.shape_cast %parallel_loop3A_408 : vector<16xf32> to vector<16xf32>
            %parallel_loop3A_410 = vector.shape_cast %parallel_loop3A_398 : vector<16xf32> to vector<16xf32>
            tpu.vector_store %arg10[%parallel_loop3A_407], %parallel_loop3A_410 {add = true, strides = array<i32>} : memref<40960xf32, #tpu.memory_space<vmem>>, vector<16xf32>,
            %parallel_loop3A_411 = arith.constant 1 : i32
            %parallel_loop3A_412 = arith.index_cast %parallel_loop3A_411 : i32 to index
            %parallel_loop3A_413 = arith.index_cast %parallel_loop3A_270 : i32 to index
            %parallel_loop3A_414 = arith.constant 64 : index
            %parallel_loop3A_415 = tpu.vector_load %arg7[%parallel_loop3A_412, %parallel_loop3A_413, %parallel_loop3A_414] {strides = array<i32>} : memref<2x64x128xf32, #tpu.memory_space<vmem>>, vector<1x1x16xf32>,
            %parallel_loop3A_416 = vector.shape_cast %parallel_loop3A_415 : vector<1x1x16xf32> to vector<16xf32>
            %parallel_loop3A_417 = arith.constant 1 : i32
            %parallel_loop3A_418 = arith.index_cast %parallel_loop3A_417 : i32 to index
            %parallel_loop3A_419 = arith.index_cast %parallel_loop3A_270 : i32 to index
            %parallel_loop3A_420 = arith.constant 64 : index
            %parallel_loop3A_421 = tpu.vector_load %arg8[%parallel_loop3A_418, %parallel_loop3A_419, %parallel_loop3A_420] {strides = array<i32>} : memref<2x64x128xf32, #tpu.memory_space<vmem>>, vector<1x1x16xf32>,
            %parallel_loop3A_422 = vector.shape_cast %parallel_loop3A_421 : vector<1x1x16xf32> to vector<16xf32>
            %parallel_loop3A_423 = arith.constant 0.000000e+00 : f32
            %parallel_loop3A_424 = vector.broadcast %parallel_loop3A_423 : f32 to vector<16xf32>
            %parallel_loop3A_425 = arith.select %parallel_loop3A_274, %parallel_loop3A_416, %parallel_loop3A_424 : vector<16xf32>
            %parallel_loop3A_426 = arith.mulf %parallel_loop3A_416, %parallel_loop3A_422 : vector<16xf32>
            %parallel_loop3A_427 = arith.constant 0.000000e+00 : f32
            %parallel_loop3A_428 = vector.broadcast %parallel_loop3A_427 : f32 to vector<16xf32>
            %parallel_loop3A_429 = arith.select %parallel_loop3A_274, %parallel_loop3A_426, %parallel_loop3A_428 : vector<16xf32>
            %parallel_loop3A_430 = arith.constant 64 : i32
            %parallel_loop3A_431 = arith.addi %parallel_loop3A_286, %parallel_loop3A_430 : i32
            %parallel_loop3A_432 = arith.index_cast %parallel_loop3A_431 : i32 to index
            %parallel_loop3A_433 = tpu.vector_load %arg11[%parallel_loop3A_432] {strides = array<i32>} : memref<40960xf32, #tpu.memory_space<vmem>>, vector<16xf32>,
            %parallel_loop3A_434 = vector.shape_cast %parallel_loop3A_433 : vector<16xf32> to vector<16xf32>
            %parallel_loop3A_435 = vector.shape_cast %parallel_loop3A_425 : vector<16xf32> to vector<16xf32>
            tpu.vector_store %arg11[%parallel_loop3A_432], %parallel_loop3A_435 {add = true, strides = array<i32>} : memref<40960xf32, #tpu.memory_space<vmem>>, vector<16xf32>,
            %parallel_loop3A_436 = arith.constant 64 : i32
            %parallel_loop3A_437 = arith.addi %parallel_loop3A_286, %parallel_loop3A_436 : i32
            %parallel_loop3A_438 = arith.index_cast %parallel_loop3A_437 : i32 to index
            %parallel_loop3A_439 = tpu.vector_load %arg10[%parallel_loop3A_438] {strides = array<i32>} : memref<40960xf32, #tpu.memory_space<vmem>>, vector<16xf32>,
            %parallel_loop3A_440 = vector.shape_cast %parallel_loop3A_439 : vector<16xf32> to vector<16xf32>
            %parallel_loop3A_441 = vector.shape_cast %parallel_loop3A_429 : vector<16xf32> to vector<16xf32>
            tpu.vector_store %arg10[%parallel_loop3A_438], %parallel_loop3A_441 {add = true, strides = array<i32>} : memref<40960xf32, #tpu.memory_space<vmem>>, vector<16xf32>,
            %parallel_loop3A_442 = arith.constant 1 : i32
            %parallel_loop3A_443 = arith.index_cast %parallel_loop3A_442 : i32 to index
            %parallel_loop3A_444 = arith.index_cast %parallel_loop3A_270 : i32 to index
            %parallel_loop3A_445 = arith.constant 80 : index
            %parallel_loop3A_446 = tpu.vector_load %arg7[%parallel_loop3A_443, %parallel_loop3A_444, %parallel_loop3A_445] {strides = array<i32>} : memref<2x64x128xf32, #tpu.memory_space<vmem>>, vector<1x1x16xf32>,
            %parallel_loop3A_447 = vector.shape_cast %parallel_loop3A_446 : vector<1x1x16xf32> to vector<16xf32>
            %parallel_loop3A_448 = arith.constant 1 : i32
            %parallel_loop3A_449 = arith.index_cast %parallel_loop3A_448 : i32 to index
            %parallel_loop3A_450 = arith.index_cast %parallel_loop3A_270 : i32 to index
            %parallel_loop3A_451 = arith.constant 80 : index
            %parallel_loop3A_452 = tpu.vector_load %arg8[%parallel_loop3A_449, %parallel_loop3A_450, %parallel_loop3A_451] {strides = array<i32>} : memref<2x64x128xf32, #tpu.memory_space<vmem>>, vector<1x1x16xf32>,
            %parallel_loop3A_453 = vector.shape_cast %parallel_loop3A_452 : vector<1x1x16xf32> to vector<16xf32>
            %parallel_loop3A_454 = arith.constant 0.000000e+00 : f32
            %parallel_loop3A_455 = vector.broadcast %parallel_loop3A_454 : f32 to vector<16xf32>
            %parallel_loop3A_456 = arith.select %parallel_loop3A_274, %parallel_loop3A_447, %parallel_loop3A_455 : vector<16xf32>
            %parallel_loop3A_457 = arith.mulf %parallel_loop3A_447, %parallel_loop3A_453 : vector<16xf32>
            %parallel_loop3A_458 = arith.constant 0.000000e+00 : f32
            %parallel_loop3A_459 = vector.broadcast %parallel_loop3A_458 : f32 to vector<16xf32>
            %parallel_loop3A_460 = arith.select %parallel_loop3A_274, %parallel_loop3A_457, %parallel_loop3A_459 : vector<16xf32>
            %parallel_loop3A_461 = arith.constant 80 : i32
            %parallel_loop3A_462 = arith.addi %parallel_loop3A_286, %parallel_loop3A_461 : i32
            %parallel_loop3A_463 = arith.index_cast %parallel_loop3A_462 : i32 to index
            %parallel_loop3A_464 = tpu.vector_load %arg11[%parallel_loop3A_463] {strides = array<i32>} : memref<40960xf32, #tpu.memory_space<vmem>>, vector<16xf32>,
            %parallel_loop3A_465 = vector.shape_cast %parallel_loop3A_464 : vector<16xf32> to vector<16xf32>
            %parallel_loop3A_466 = vector.shape_cast %parallel_loop3A_456 : vector<16xf32> to vector<16xf32>
            tpu.vector_store %arg11[%parallel_loop3A_463], %parallel_loop3A_466 {add = true, strides = array<i32>} : memref<40960xf32, #tpu.memory_space<vmem>>, vector<16xf32>,
            %parallel_loop3A_467 = arith.constant 80 : i32
            %parallel_loop3A_468 = arith.addi %parallel_loop3A_286, %parallel_loop3A_467 : i32
            %parallel_loop3A_469 = arith.index_cast %parallel_loop3A_468 : i32 to index
            %parallel_loop3A_470 = tpu.vector_load %arg10[%parallel_loop3A_469] {strides = array<i32>} : memref<40960xf32, #tpu.memory_space<vmem>>, vector<16xf32>,
            %parallel_loop3A_471 = vector.shape_cast %parallel_loop3A_470 : vector<16xf32> to vector<16xf32>
            %parallel_loop3A_472 = vector.shape_cast %parallel_loop3A_460 : vector<16xf32> to vector<16xf32>
            tpu.vector_store %arg10[%parallel_loop3A_469], %parallel_loop3A_472 {add = true, strides = array<i32>} : memref<40960xf32, #tpu.memory_space<vmem>>, vector<16xf32>,
            %parallel_loop3A_473 = arith.constant 1 : i32
            %parallel_loop3A_474 = arith.index_cast %parallel_loop3A_473 : i32 to index
            %parallel_loop3A_475 = arith.index_cast %parallel_loop3A_270 : i32 to index
            %parallel_loop3A_476 = arith.constant 96 : index
            %parallel_loop3A_477 = tpu.vector_load %arg7[%parallel_loop3A_474, %parallel_loop3A_475, %parallel_loop3A_476] {strides = array<i32>} : memref<2x64x128xf32, #tpu.memory_space<vmem>>, vector<1x1x16xf32>,
            %parallel_loop3A_478 = vector.shape_cast %parallel_loop3A_477 : vector<1x1x16xf32> to vector<16xf32>
            %parallel_loop3A_479 = arith.constant 1 : i32
            %parallel_loop3A_480 = arith.index_cast %parallel_loop3A_479 : i32 to index
            %parallel_loop3A_481 = arith.index_cast %parallel_loop3A_270 : i32 to index
            %parallel_loop3A_482 = arith.constant 96 : index
            %parallel_loop3A_483 = tpu.vector_load %arg8[%parallel_loop3A_480, %parallel_loop3A_481, %parallel_loop3A_482] {strides = array<i32>} : memref<2x64x128xf32, #tpu.memory_space<vmem>>, vector<1x1x16xf32>,
            %parallel_loop3A_484 = vector.shape_cast %parallel_loop3A_483 : vector<1x1x16xf32> to vector<16xf32>
            %parallel_loop3A_485 = arith.constant 0.000000e+00 : f32
            %parallel_loop3A_486 = vector.broadcast %parallel_loop3A_485 : f32 to vector<16xf32>
            %parallel_loop3A_487 = arith.select %parallel_loop3A_274, %parallel_loop3A_478, %parallel_loop3A_486 : vector<16xf32>
            %parallel_loop3A_488 = arith.mulf %parallel_loop3A_478, %parallel_loop3A_484 : vector<16xf32>
            %parallel_loop3A_489 = arith.constant 0.000000e+00 : f32
            %parallel_loop3A_490 = vector.broadcast %parallel_loop3A_489 : f32 to vector<16xf32>
            %parallel_loop3A_491 = arith.select %parallel_loop3A_274, %parallel_loop3A_488, %parallel_loop3A_490 : vector<16xf32>
            %parallel_loop3A_492 = arith.constant 96 : i32
            %parallel_loop3A_493 = arith.addi %parallel_loop3A_286, %parallel_loop3A_492 : i32
            %parallel_loop3A_494 = arith.index_cast %parallel_loop3A_493 : i32 to index
            %parallel_loop3A_495 = tpu.vector_load %arg11[%parallel_loop3A_494] {strides = array<i32>} : memref<40960xf32, #tpu.memory_space<vmem>>, vector<16xf32>,
            %parallel_loop3A_496 = vector.shape_cast %parallel_loop3A_495 : vector<16xf32> to vector<16xf32>
            %parallel_loop3A_497 = vector.shape_cast %parallel_loop3A_487 : vector<16xf32> to vector<16xf32>
            tpu.vector_store %arg11[%parallel_loop3A_494], %parallel_loop3A_497 {add = true, strides = array<i32>} : memref<40960xf32, #tpu.memory_space<vmem>>, vector<16xf32>,
            %parallel_loop3A_498 = arith.constant 96 : i32
            %parallel_loop3A_499 = arith.addi %parallel_loop3A_286, %parallel_loop3A_498 : i32
            %parallel_loop3A_500 = arith.index_cast %parallel_loop3A_499 : i32 to index
            %parallel_loop3A_501 = tpu.vector_load %arg10[%parallel_loop3A_500] {strides = array<i32>} : memref<40960xf32, #tpu.memory_space<vmem>>, vector<16xf32>,
            %parallel_loop3A_502 = vector.shape_cast %parallel_loop3A_501 : vector<16xf32> to vector<16xf32>
            %parallel_loop3A_503 = vector.shape_cast %parallel_loop3A_491 : vector<16xf32> to vector<16xf32>
            tpu.vector_store %arg10[%parallel_loop3A_500], %parallel_loop3A_503 {add = true, strides = array<i32>} : memref<40960xf32, #tpu.memory_space<vmem>>, vector<16xf32>,
            %parallel_loop3A_504 = arith.constant 1 : i32
            %parallel_loop3A_505 = arith.index_cast %parallel_loop3A_504 : i32 to index
            %parallel_loop3A_506 = arith.index_cast %parallel_loop3A_270 : i32 to index
            %parallel_loop3A_507 = arith.constant 112 : index
            %parallel_loop3A_508 = tpu.vector_load %arg7[%parallel_loop3A_505, %parallel_loop3A_506, %parallel_loop3A_507] {strides = array<i32>} : memref<2x64x128xf32, #tpu.memory_space<vmem>>, vector<1x1x16xf32>,
            %parallel_loop3A_509 = vector.shape_cast %parallel_loop3A_508 : vector<1x1x16xf32> to vector<16xf32>
            %parallel_loop3A_510 = arith.constant 1 : i32
            %parallel_loop3A_511 = arith.index_cast %parallel_loop3A_510 : i32 to index
            %parallel_loop3A_512 = arith.index_cast %parallel_loop3A_270 : i32 to index
            %parallel_loop3A_513 = arith.constant 112 : index
            %parallel_loop3A_514 = tpu.vector_load %arg8[%parallel_loop3A_511, %parallel_loop3A_512, %parallel_loop3A_513] {strides = array<i32>} : memref<2x64x128xf32, #tpu.memory_space<vmem>>, vector<1x1x16xf32>,
            %parallel_loop3A_515 = vector.shape_cast %parallel_loop3A_514 : vector<1x1x16xf32> to vector<16xf32>
            %parallel_loop3A_516 = arith.constant 0.000000e+00 : f32
            %parallel_loop3A_517 = vector.broadcast %parallel_loop3A_516 : f32 to vector<16xf32>
            %parallel_loop3A_518 = arith.select %parallel_loop3A_274, %parallel_loop3A_509, %parallel_loop3A_517 : vector<16xf32>
            %parallel_loop3A_519 = arith.mulf %parallel_loop3A_509, %parallel_loop3A_515 : vector<16xf32>
            %parallel_loop3A_520 = arith.constant 0.000000e+00 : f32
            %parallel_loop3A_521 = vector.broadcast %parallel_loop3A_520 : f32 to vector<16xf32>
            %parallel_loop3A_522 = arith.select %parallel_loop3A_274, %parallel_loop3A_519, %parallel_loop3A_521 : vector<16xf32>
            %parallel_loop3A_523 = arith.constant 112 : i32
            %parallel_loop3A_524 = arith.addi %parallel_loop3A_286, %parallel_loop3A_523 : i32
            %parallel_loop3A_525 = arith.index_cast %parallel_loop3A_524 : i32 to index
            %parallel_loop3A_526 = tpu.vector_load %arg11[%parallel_loop3A_525] {strides = array<i32>} : memref<40960xf32, #tpu.memory_space<vmem>>, vector<16xf32>,
            %parallel_loop3A_527 = vector.shape_cast %parallel_loop3A_526 : vector<16xf32> to vector<16xf32>
            %parallel_loop3A_528 = vector.shape_cast %parallel_loop3A_518 : vector<16xf32> to vector<16xf32>
            tpu.vector_store %arg11[%parallel_loop3A_525], %parallel_loop3A_528 {add = true, strides = array<i32>} : memref<40960xf32, #tpu.memory_space<vmem>>, vector<16xf32>,
            %parallel_loop3A_529 = arith.constant 112 : i32
            %parallel_loop3A_530 = arith.addi %parallel_loop3A_286, %parallel_loop3A_529 : i32
            %parallel_loop3A_531 = arith.index_cast %parallel_loop3A_530 : i32 to index
            %parallel_loop3A_532 = tpu.vector_load %arg10[%parallel_loop3A_531] {strides = array<i32>} : memref<40960xf32, #tpu.memory_space<vmem>>, vector<16xf32>,
            %parallel_loop3A_533 = vector.shape_cast %parallel_loop3A_532 : vector<16xf32> to vector<16xf32>
            %parallel_loop3A_534 = vector.shape_cast %parallel_loop3A_522 : vector<16xf32> to vector<16xf32>
            tpu.vector_store %arg10[%parallel_loop3A_531], %parallel_loop3A_534 {add = true, strides = array<i32>} : memref<40960xf32, #tpu.memory_space<vmem>>, vector<16xf32>,
          } {sc.loop_unroll_factor = 4 : i64, sc.parallel_access}
        } else {
        }
        %while3A_194 = arith.constant 0 : i32
        scf.yield %while3A_194 : i32
      }
      %while3A_113 = arith.constant 1 : i32
      %while3A_114 = scf.for %while3A_115 = %while3A_110 to %while3A_106 step %while3A_113 iter_args(%while3A_116 = %while3A_112) -> (i32)  : i32 {
        %mul3A_117 = arith.constant 2 : i32
        %mul3A_118 = arith.muli %mul3A_117, %while3A_115 : i32
        %add3A_119 = arith.constant 1 : i32
        %add3A_120 = arith.addi %mul3A_118, %add3A_119 : i32
        %mul3A_121 = arith.constant 64 : i32
        %mul3A_122 = arith.muli %mul3A_118, %mul3A_121 : i32
        %add3A_123 = arith.addi %multiple_of3A, %mul3A_122 : i32
        %min3A_124 = arith.constant 319936 : i32
        %min3A_125 = arith.minsi %add3A_123, %min3A_124 : i32
        %multiple_of3A_126 = tpu.assume_multiple %min3A_125, 8 : i32
        %dma_wait3A = arith.constant 0 : i32
        %dma_wait3A_127 = arith.constant 0 : i32
        %dma_wait3A_128 = arith.constant 0 : i32
        %dma_wait3A_129 = arith.constant 0 : i32
        %dma_wait3A_130 = tpu.memref_slice %arg7[%dma_wait3A, %dma_wait3A_128, %dma_wait3A_129] : memref<2x64x128xf32, #tpu.memory_space<vmem>> -> memref<1x64x128xf32, #tpu.memory_space<vmem>>
        %dma_wait3A_131 = tpu.memref_squeeze %dma_wait3A_130 : memref<1x64x128xf32, #tpu.memory_space<vmem>> -> memref<64x128xf32, #tpu.memory_space<vmem>>
        %dma_wait3A_132 = arith.constant 0 : i32
        %dma_wait3A_133 = tpu.memref_slice %arg2[%multiple_of3A_126, %dma_wait3A_132] : memref<320000x128xf32, #tpu.memory_space<hbm>> -> memref<64x128xf32, #tpu.memory_space<hbm>>
        %dma_wait3A_134 = tpu.memref_slice %arg13[%dma_wait3A_127] : memref<2x!tpu.dma_semaphore, #tpu.memory_space<semaphore_mem>> -> memref<1x!tpu.dma_semaphore, #tpu.memory_space<semaphore_mem>>
        %dma_wait3A_135 = tpu.memref_squeeze %dma_wait3A_134 : memref<1x!tpu.dma_semaphore, #tpu.memory_space<semaphore_mem>> -> memref<!tpu.dma_semaphore, #tpu.memory_space<semaphore_mem>>
        %dma_wait3A_136 = arith.constant 0 : i32
        %dma_wait3A_137 = arith.constant 0 : i32
        %dma_wait3A_138 = tpu.memref_slice %arg7[%dma_wait3A, %dma_wait3A_136, %dma_wait3A_137] : memref<2x64x128xf32, #tpu.memory_space<vmem>> -> memref<1x64x128xf32, #tpu.memory_space<vmem>>
        %dma_wait3A_139 = tpu.memref_squeeze %dma_wait3A_138 : memref<1x64x128xf32, #tpu.memory_space<vmem>> -> memref<64x128xf32, #tpu.memory_space<vmem>>
        %dma_wait3A_140 = arith.constant 0 : i32
        %dma_wait3A_141 = tpu.memref_slice %arg2[%multiple_of3A_126, %dma_wait3A_140] : memref<320000x128xf32, #tpu.memory_space<hbm>> -> memref<64x128xf32, #tpu.memory_space<hbm>>
        tpu.wait_dma2 semaphore(%dma_wait3A_135 : memref<!tpu.dma_semaphore, #tpu.memory_space<semaphore_mem>>) src(%dma_wait3A_141 : memref<64x128xf32, #tpu.memory_space<hbm>>) dst(%dma_wait3A_139 : memref<64x128xf32, #tpu.memory_space<vmem>>)
        %dma_wait3A_142 = arith.constant 0 : i32
        %dma_wait3A_143 = arith.constant 0 : i32
        %dma_wait3A_144 = arith.constant 0 : i32
        %dma_wait3A_145 = arith.constant 0 : i32
        %dma_wait3A_146 = tpu.memref_slice %arg8[%dma_wait3A_142, %dma_wait3A_144, %dma_wait3A_145] : memref<2x64x128xf32, #tpu.memory_space<vmem>> -> memref<1x64x128xf32, #tpu.memory_space<vmem>>
        %dma_wait3A_147 = tpu.memref_squeeze %dma_wait3A_146 : memref<1x64x128xf32, #tpu.memory_space<vmem>> -> memref<64x128xf32, #tpu.memory_space<vmem>>
        %dma_wait3A_148 = arith.constant 0 : i32
        %dma_wait3A_149 = tpu.memref_slice %arg3[%multiple_of3A_126, %dma_wait3A_148] : memref<320000x128xf32, #tpu.memory_space<hbm>> -> memref<64x128xf32, #tpu.memory_space<hbm>>
        %dma_wait3A_150 = tpu.memref_slice %arg13[%dma_wait3A_143] : memref<2x!tpu.dma_semaphore, #tpu.memory_space<semaphore_mem>> -> memref<1x!tpu.dma_semaphore, #tpu.memory_space<semaphore_mem>>
        %dma_wait3A_151 = tpu.memref_squeeze %dma_wait3A_150 : memref<1x!tpu.dma_semaphore, #tpu.memory_space<semaphore_mem>> -> memref<!tpu.dma_semaphore, #tpu.memory_space<semaphore_mem>>
        %dma_wait3A_152 = arith.constant 0 : i32
        %dma_wait3A_153 = arith.constant 0 : i32
        %dma_wait3A_154 = tpu.memref_slice %arg8[%dma_wait3A_142, %dma_wait3A_152, %dma_wait3A_153] : memref<2x64x128xf32, #tpu.memory_space<vmem>> -> memref<1x64x128xf32, #tpu.memory_space<vmem>>
        %dma_wait3A_155 = tpu.memref_squeeze %dma_wait3A_154 : memref<1x64x128xf32, #tpu.memory_space<vmem>> -> memref<64x128xf32, #tpu.memory_space<vmem>>
        %dma_wait3A_156 = arith.constant 0 : i32
        %dma_wait3A_157 = tpu.memref_slice %arg3[%multiple_of3A_126, %dma_wait3A_156] : memref<320000x128xf32, #tpu.memory_space<hbm>> -> memref<64x128xf32, #tpu.memory_space<hbm>>
        tpu.wait_dma2 semaphore(%dma_wait3A_151 : memref<!tpu.dma_semaphore, #tpu.memory_space<semaphore_mem>>) src(%dma_wait3A_157 : memref<64x128xf32, #tpu.memory_space<hbm>>) dst(%dma_wait3A_155 : memref<64x128xf32, #tpu.memory_space<vmem>>)
        %dma_wait3A_158 = arith.constant 0 : i32
        %dma_wait3A_159 = arith.constant 0 : i32
        %dma_wait3A_160 = arith.constant 0 : i32
        %dma_wait3A_161 = tpu.memref_slice %arg9[%dma_wait3A_158, %dma_wait3A_160] : memref<2x80xi32, #tpu.memory_space<vmem>> -> memref<1x64xi32, #tpu.memory_space<vmem>>
        %dma_wait3A_162 = tpu.memref_squeeze %dma_wait3A_161 : memref<1x64xi32, #tpu.memory_space<vmem>> -> memref<64xi32, #tpu.memory_space<vmem>>
        %dma_wait3A_163 = tpu.memref_slice %arg4[%multiple_of3A_126] : memref<320000xi32, #tpu.memory_space<hbm>> -> memref<64xi32, #tpu.memory_space<hbm>>
        %dma_wait3A_164 = tpu.memref_slice %arg13[%dma_wait3A_159] : memref<2x!tpu.dma_semaphore, #tpu.memory_space<semaphore_mem>> -> memref<1x!tpu.dma_semaphore, #tpu.memory_space<semaphore_mem>>
        %dma_wait3A_165 = tpu.memref_squeeze %dma_wait3A_164 : memref<1x!tpu.dma_semaphore, #tpu.memory_space<semaphore_mem>> -> memref<!tpu.dma_semaphore, #tpu.memory_space<semaphore_mem>>
        %dma_wait3A_166 = arith.constant 0 : i32
        %dma_wait3A_167 = tpu.memref_slice %arg9[%dma_wait3A_158, %dma_wait3A_166] : memref<2x80xi32, #tpu.memory_space<vmem>> -> memref<1x64xi32, #tpu.memory_space<vmem>>
        %dma_wait3A_168 = tpu.memref_squeeze %dma_wait3A_167 : memref<1x64xi32, #tpu.memory_space<vmem>> -> memref<64xi32, #tpu.memory_space<vmem>>
        %dma_wait3A_169 = tpu.memref_slice %arg4[%multiple_of3A_126] : memref<320000xi32, #tpu.memory_space<hbm>> -> memref<64xi32, #tpu.memory_space<hbm>>
        tpu.wait_dma2 semaphore(%dma_wait3A_165 : memref<!tpu.dma_semaphore, #tpu.memory_space<semaphore_mem>>) src(%dma_wait3A_169 : memref<64xi32, #tpu.memory_space<hbm>>) dst(%dma_wait3A_168 : memref<64xi32, #tpu.memory_space<vmem>>)
        %lt3A = arith.cmpi slt, %add3A_120, %div3A_41 : i32
        %convert_element_type3A_170 = arith.extui %lt3A : i1 to i32
        %cond3A_171 = arith.constant 0 : i32
        %cond3A_172 = arith.cmpi ne, %convert_element_type3A_170, %cond3A_171 : i32
        scf.if %cond3A_172 {
          %mul3A_195 = arith.constant 64 : i32
          %mul3A_196 = arith.muli %add3A_120, %mul3A_195 : i32
          %add3A_197 = arith.addi %multiple_of3A, %mul3A_196 : i32
          %min3A_198 = arith.constant 319936 : i32
          %min3A_199 = arith.minsi %add3A_197, %min3A_198 : i32
          %multiple_of3A_200 = tpu.assume_multiple %min3A_199, 8 : i32
          %dma_start3A_201 = arith.constant 1 : i32
          %dma_start3A_202 = arith.constant 1 : i32
          %dma_start3A_203 = arith.constant 0 : i32
          %dma_start3A_204 = arith.constant 0 : i32
          %dma_start3A_205 = tpu.memref_slice %arg7[%dma_start3A_201, %dma_start3A_203, %dma_start3A_204] : memref<2x64x128xf32, #tpu.memory_space<vmem>> -> memref<1x64x128xf32, #tpu.memory_space<vmem>>
          %dma_start3A_206 = tpu.memref_squeeze %dma_start3A_205 : memref<1x64x128xf32, #tpu.memory_space<vmem>> -> memref<64x128xf32, #tpu.memory_space<vmem>>
          %dma_start3A_207 = arith.constant 0 : i32
          %dma_start3A_208 = tpu.memref_slice %arg2[%multiple_of3A_200, %dma_start3A_207] : memref<320000x128xf32, #tpu.memory_space<hbm>> -> memref<64x128xf32, #tpu.memory_space<hbm>>
          %dma_start3A_209 = tpu.memref_slice %arg13[%dma_start3A_202] : memref<2x!tpu.dma_semaphore, #tpu.memory_space<semaphore_mem>> -> memref<1x!tpu.dma_semaphore, #tpu.memory_space<semaphore_mem>>
          %dma_start3A_210 = tpu.memref_squeeze %dma_start3A_209 : memref<1x!tpu.dma_semaphore, #tpu.memory_space<semaphore_mem>> -> memref<!tpu.dma_semaphore, #tpu.memory_space<semaphore_mem>>
          %dma_start3A_211 = arith.constant 0 : i32
          %dma_start3A_212 = arith.constant 0 : i32
          %dma_start3A_213 = tpu.memref_slice %arg7[%dma_start3A_201, %dma_start3A_211, %dma_start3A_212] : memref<2x64x128xf32, #tpu.memory_space<vmem>> -> memref<1x64x128xf32, #tpu.memory_space<vmem>>
          %dma_start3A_214 = tpu.memref_squeeze %dma_start3A_213 : memref<1x64x128xf32, #tpu.memory_space<vmem>> -> memref<64x128xf32, #tpu.memory_space<vmem>>
          %dma_start3A_215 = arith.constant 0 : i32
          %dma_start3A_216 = tpu.memref_slice %arg2[%multiple_of3A_200, %dma_start3A_215] : memref<320000x128xf32, #tpu.memory_space<hbm>> -> memref<64x128xf32, #tpu.memory_space<hbm>>
          tpu.enqueue_dma source(%dma_start3A_216 : memref<64x128xf32, #tpu.memory_space<hbm>>) target(%dma_start3A_214 : memref<64x128xf32, #tpu.memory_space<vmem>>) target_semaphore(%dma_start3A_210 : memref<!tpu.dma_semaphore, #tpu.memory_space<semaphore_mem>>)
          %dma_start3A_217 = arith.constant 1 : i32
          %dma_start3A_218 = arith.constant 1 : i32
          %dma_start3A_219 = arith.constant 0 : i32
          %dma_start3A_220 = arith.constant 0 : i32
          %dma_start3A_221 = tpu.memref_slice %arg8[%dma_start3A_217, %dma_start3A_219, %dma_start3A_220] : memref<2x64x128xf32, #tpu.memory_space<vmem>> -> memref<1x64x128xf32, #tpu.memory_space<vmem>>
          %dma_start3A_222 = tpu.memref_squeeze %dma_start3A_221 : memref<1x64x128xf32, #tpu.memory_space<vmem>> -> memref<64x128xf32, #tpu.memory_space<vmem>>
          %dma_start3A_223 = arith.constant 0 : i32
          %dma_start3A_224 = tpu.memref_slice %arg3[%multiple_of3A_200, %dma_start3A_223] : memref<320000x128xf32, #tpu.memory_space<hbm>> -> memref<64x128xf32, #tpu.memory_space<hbm>>
          %dma_start3A_225 = tpu.memref_slice %arg13[%dma_start3A_218] : memref<2x!tpu.dma_semaphore, #tpu.memory_space<semaphore_mem>> -> memref<1x!tpu.dma_semaphore, #tpu.memory_space<semaphore_mem>>
          %dma_start3A_226 = tpu.memref_squeeze %dma_start3A_225 : memref<1x!tpu.dma_semaphore, #tpu.memory_space<semaphore_mem>> -> memref<!tpu.dma_semaphore, #tpu.memory_space<semaphore_mem>>
          %dma_start3A_227 = arith.constant 0 : i32
          %dma_start3A_228 = arith.constant 0 : i32
          %dma_start3A_229 = tpu.memref_slice %arg8[%dma_start3A_217, %dma_start3A_227, %dma_start3A_228] : memref<2x64x128xf32, #tpu.memory_space<vmem>> -> memref<1x64x128xf32, #tpu.memory_space<vmem>>
          %dma_start3A_230 = tpu.memref_squeeze %dma_start3A_229 : memref<1x64x128xf32, #tpu.memory_space<vmem>> -> memref<64x128xf32, #tpu.memory_space<vmem>>
          %dma_start3A_231 = arith.constant 0 : i32
          %dma_start3A_232 = tpu.memref_slice %arg3[%multiple_of3A_200, %dma_start3A_231] : memref<320000x128xf32, #tpu.memory_space<hbm>> -> memref<64x128xf32, #tpu.memory_space<hbm>>
          tpu.enqueue_dma source(%dma_start3A_232 : memref<64x128xf32, #tpu.memory_space<hbm>>) target(%dma_start3A_230 : memref<64x128xf32, #tpu.memory_space<vmem>>) target_semaphore(%dma_start3A_226 : memref<!tpu.dma_semaphore, #tpu.memory_space<semaphore_mem>>)
          %dma_start3A_233 = arith.constant 1 : i32
          %dma_start3A_234 = arith.constant 1 : i32
          %dma_start3A_235 = arith.constant 0 : i32
          %dma_start3A_236 = tpu.memref_slice %arg9[%dma_start3A_233, %dma_start3A_235] : memref<2x80xi32, #tpu.memory_space<vmem>> -> memref<1x64xi32, #tpu.memory_space<vmem>>
          %dma_start3A_237 = tpu.memref_squeeze %dma_start3A_236 : memref<1x64xi32, #tpu.memory_space<vmem>> -> memref<64xi32, #tpu.memory_space<vmem>>
          %dma_start3A_238 = tpu.memref_slice %arg4[%multiple_of3A_200] : memref<320000xi32, #tpu.memory_space<hbm>> -> memref<64xi32, #tpu.memory_space<hbm>>
          %dma_start3A_239 = tpu.memref_slice %arg13[%dma_start3A_234] : memref<2x!tpu.dma_semaphore, #tpu.memory_space<semaphore_mem>> -> memref<1x!tpu.dma_semaphore, #tpu.memory_space<semaphore_mem>>
          %dma_start3A_240 = tpu.memref_squeeze %dma_start3A_239 : memref<1x!tpu.dma_semaphore, #tpu.memory_space<semaphore_mem>> -> memref<!tpu.dma_semaphore, #tpu.memory_space<semaphore_mem>>
          %dma_start3A_241 = arith.constant 0 : i32
          %dma_start3A_242 = tpu.memref_slice %arg9[%dma_start3A_233, %dma_start3A_241] : memref<2x80xi32, #tpu.memory_space<vmem>> -> memref<1x64xi32, #tpu.memory_space<vmem>>
          %dma_start3A_243 = tpu.memref_squeeze %dma_start3A_242 : memref<1x64xi32, #tpu.memory_space<vmem>> -> memref<64xi32, #tpu.memory_space<vmem>>
          %dma_start3A_244 = tpu.memref_slice %arg4[%multiple_of3A_200] : memref<320000xi32, #tpu.memory_space<hbm>> -> memref<64xi32, #tpu.memory_space<hbm>>
          tpu.enqueue_dma source(%dma_start3A_244 : memref<64xi32, #tpu.memory_space<hbm>>) target(%dma_start3A_243 : memref<64xi32, #tpu.memory_space<vmem>>) target_semaphore(%dma_start3A_240 : memref<!tpu.dma_semaphore, #tpu.memory_space<semaphore_mem>>)
        } else {
        }
        %mul3A_173 = arith.constant 64 : i32
        %mul3A_174 = arith.muli %mul3A_118, %mul3A_173 : i32
        %add3A_175 = arith.addi %multiple_of3A, %mul3A_174 : i32
        %min3A_176 = arith.constant 319936 : i32
        %min3A_177 = arith.minsi %add3A_175, %min3A_176 : i32
        %multiple_of3A_178 = tpu.assume_multiple %min3A_177, 8 : i32
        %mul3A_179 = arith.constant 64 : i32
        %mul3A_180 = arith.muli %mul3A_118, %mul3A_179 : i32
        %add3A_181 = arith.addi %multiple_of3A, %mul3A_180 : i32
        %max3A = arith.maxsi %squeeze3A, %add3A_181 : i32
        %add3A_182 = arith.constant 1 : i32
        %add3A_183 = arith.addi %mul3A_118, %add3A_182 : i32
        %mul3A_184 = arith.constant 64 : i32
        %mul3A_185 = arith.muli %add3A_183, %mul3A_184 : i32
        %add3A_186 = arith.addi %multiple_of3A, %mul3A_185 : i32
        %min3A_187 = arith.minsi %squeeze3A_9, %add3A_186 : i32
        %parallel_loop3A = arith.constant 0 : i32
        %parallel_loop3A_188 = arith.constant 64 : i32
        %parallel_loop3A_189 = arith.constant 1 : i32
        scf.for %parallel_loop3A_195 = %parallel_loop3A to %parallel_loop3A_188 step %parallel_loop3A_189  : i32 {
          %parallel_loop3A_196 = arith.addi %multiple_of3A_178, %parallel_loop3A_195 : i32
          %parallel_loop3A_197 = arith.cmpi sge, %parallel_loop3A_196, %max3A : i32
          %parallel_loop3A_198 = arith.cmpi slt, %parallel_loop3A_196, %min3A_187 : i32
          %parallel_loop3A_199 = arith.andi %parallel_loop3A_197, %parallel_loop3A_198 : i1
          %parallel_loop3A_200 = arith.constant 0 : i32
          %parallel_loop3A_201 = arith.index_cast %parallel_loop3A_200 : i32 to index
          %parallel_loop3A_202 = arith.index_cast %parallel_loop3A_195 : i32 to index
          %parallel_loop3A_203 = tpu.vector_load %arg9[%parallel_loop3A_201, %parallel_loop3A_202] {strides = array<i32>} : memref<2x80xi32, #tpu.memory_space<vmem>>, vector<1x16xi32>,
          %parallel_loop3A_204 = vector.shape_cast %parallel_loop3A_203 : vector<1x16xi32> to vector<16xi32>
          %parallel_loop3A_205 = vector.extract_strided_slice %parallel_loop3A_204 {offsets = [0], sizes = [1], strides = [1]} : vector<16xi32> to vector<1xi32>
          %parallel_loop3A_206 = vector.extract %parallel_loop3A_205[0] : i32 from vector<1xi32>
          %parallel_loop3A_207 = arith.subi %parallel_loop3A_206, %mul3A_11 : i32
          %parallel_loop3A_208 = arith.constant 128 : i32
          %parallel_loop3A_209 = arith.muli %parallel_loop3A_207, %parallel_loop3A_208 : i32
          %parallel_loop3A_210 = arith.constant 0 : i32
          %parallel_loop3A_211 = arith.select %parallel_loop3A_199, %parallel_loop3A_209, %parallel_loop3A_210 : i32
          %parallel_loop3A_212 = arith.constant 0 : i32
          %parallel_loop3A_213 = arith.index_cast %parallel_loop3A_212 : i32 to index
          %parallel_loop3A_214 = arith.index_cast %parallel_loop3A_195 : i32 to index
          %parallel_loop3A_215 = arith.constant 0 : index
          %parallel_loop3A_216 = tpu.vector_load %arg7[%parallel_loop3A_213, %parallel_loop3A_214, %parallel_loop3A_215] {strides = array<i32>} : memref<2x64x128xf32, #tpu.memory_space<vmem>>, vector<1x1x16xf32>,
          %parallel_loop3A_217 = vector.shape_cast %parallel_loop3A_216 : vector<1x1x16xf32> to vector<16xf32>
          %parallel_loop3A_218 = arith.constant 0 : i32
          %parallel_loop3A_219 = arith.index_cast %parallel_loop3A_218 : i32 to index
          %parallel_loop3A_220 = arith.index_cast %parallel_loop3A_195 : i32 to index
          %parallel_loop3A_221 = arith.constant 0 : index
          %parallel_loop3A_222 = tpu.vector_load %arg8[%parallel_loop3A_219, %parallel_loop3A_220, %parallel_loop3A_221] {strides = array<i32>} : memref<2x64x128xf32, #tpu.memory_space<vmem>>, vector<1x1x16xf32>,
          %parallel_loop3A_223 = vector.shape_cast %parallel_loop3A_222 : vector<1x1x16xf32> to vector<16xf32>
          %parallel_loop3A_224 = arith.constant 0.000000e+00 : f32
          %parallel_loop3A_225 = vector.broadcast %parallel_loop3A_224 : f32 to vector<16xf32>
          %parallel_loop3A_226 = arith.select %parallel_loop3A_199, %parallel_loop3A_217, %parallel_loop3A_225 : vector<16xf32>
          %parallel_loop3A_227 = arith.mulf %parallel_loop3A_217, %parallel_loop3A_223 : vector<16xf32>
          %parallel_loop3A_228 = arith.constant 0.000000e+00 : f32
          %parallel_loop3A_229 = vector.broadcast %parallel_loop3A_228 : f32 to vector<16xf32>
          %parallel_loop3A_230 = arith.select %parallel_loop3A_199, %parallel_loop3A_227, %parallel_loop3A_229 : vector<16xf32>
          %parallel_loop3A_231 = arith.constant 0 : i32
          %parallel_loop3A_232 = arith.addi %parallel_loop3A_211, %parallel_loop3A_231 : i32
          %parallel_loop3A_233 = arith.index_cast %parallel_loop3A_232 : i32 to index
          %parallel_loop3A_234 = tpu.vector_load %arg11[%parallel_loop3A_233] {strides = array<i32>} : memref<40960xf32, #tpu.memory_space<vmem>>, vector<16xf32>,
          %parallel_loop3A_235 = vector.shape_cast %parallel_loop3A_234 : vector<16xf32> to vector<16xf32>
          %parallel_loop3A_236 = vector.shape_cast %parallel_loop3A_226 : vector<16xf32> to vector<16xf32>
          tpu.vector_store %arg11[%parallel_loop3A_233], %parallel_loop3A_236 {add = true, strides = array<i32>} : memref<40960xf32, #tpu.memory_space<vmem>>, vector<16xf32>,
          %parallel_loop3A_237 = arith.constant 0 : i32
          %parallel_loop3A_238 = arith.addi %parallel_loop3A_211, %parallel_loop3A_237 : i32
          %parallel_loop3A_239 = arith.index_cast %parallel_loop3A_238 : i32 to index
          %parallel_loop3A_240 = tpu.vector_load %arg10[%parallel_loop3A_239] {strides = array<i32>} : memref<40960xf32, #tpu.memory_space<vmem>>, vector<16xf32>,
          %parallel_loop3A_241 = vector.shape_cast %parallel_loop3A_240 : vector<16xf32> to vector<16xf32>
          %parallel_loop3A_242 = vector.shape_cast %parallel_loop3A_230 : vector<16xf32> to vector<16xf32>
          tpu.vector_store %arg10[%parallel_loop3A_239], %parallel_loop3A_242 {add = true, strides = array<i32>} : memref<40960xf32, #tpu.memory_space<vmem>>, vector<16xf32>,
          %parallel_loop3A_243 = arith.constant 0 : i32
          %parallel_loop3A_244 = arith.index_cast %parallel_loop3A_243 : i32 to index
          %parallel_loop3A_245 = arith.index_cast %parallel_loop3A_195 : i32 to index
          %parallel_loop3A_246 = arith.constant 16 : index
          %parallel_loop3A_247 = tpu.vector_load %arg7[%parallel_loop3A_244, %parallel_loop3A_245, %parallel_loop3A_246] {strides = array<i32>} : memref<2x64x128xf32, #tpu.memory_space<vmem>>, vector<1x1x16xf32>,
          %parallel_loop3A_248 = vector.shape_cast %parallel_loop3A_247 : vector<1x1x16xf32> to vector<16xf32>
          %parallel_loop3A_249 = arith.constant 0 : i32
          %parallel_loop3A_250 = arith.index_cast %parallel_loop3A_249 : i32 to index
          %parallel_loop3A_251 = arith.index_cast %parallel_loop3A_195 : i32 to index
          %parallel_loop3A_252 = arith.constant 16 : index
          %parallel_loop3A_253 = tpu.vector_load %arg8[%parallel_loop3A_250, %parallel_loop3A_251, %parallel_loop3A_252] {strides = array<i32>} : memref<2x64x128xf32, #tpu.memory_space<vmem>>, vector<1x1x16xf32>,
          %parallel_loop3A_254 = vector.shape_cast %parallel_loop3A_253 : vector<1x1x16xf32> to vector<16xf32>
          %parallel_loop3A_255 = arith.constant 0.000000e+00 : f32
          %parallel_loop3A_256 = vector.broadcast %parallel_loop3A_255 : f32 to vector<16xf32>
          %parallel_loop3A_257 = arith.select %parallel_loop3A_199, %parallel_loop3A_248, %parallel_loop3A_256 : vector<16xf32>
          %parallel_loop3A_258 = arith.mulf %parallel_loop3A_248, %parallel_loop3A_254 : vector<16xf32>
          %parallel_loop3A_259 = arith.constant 0.000000e+00 : f32
          %parallel_loop3A_260 = vector.broadcast %parallel_loop3A_259 : f32 to vector<16xf32>
          %parallel_loop3A_261 = arith.select %parallel_loop3A_199, %parallel_loop3A_258, %parallel_loop3A_260 : vector<16xf32>
          %parallel_loop3A_262 = arith.constant 16 : i32
          %parallel_loop3A_263 = arith.addi %parallel_loop3A_211, %parallel_loop3A_262 : i32
          %parallel_loop3A_264 = arith.index_cast %parallel_loop3A_263 : i32 to index
          %parallel_loop3A_265 = tpu.vector_load %arg11[%parallel_loop3A_264] {strides = array<i32>} : memref<40960xf32, #tpu.memory_space<vmem>>, vector<16xf32>,
          %parallel_loop3A_266 = vector.shape_cast %parallel_loop3A_265 : vector<16xf32> to vector<16xf32>
          %parallel_loop3A_267 = vector.shape_cast %parallel_loop3A_257 : vector<16xf32> to vector<16xf32>
          tpu.vector_store %arg11[%parallel_loop3A_264], %parallel_loop3A_267 {add = true, strides = array<i32>} : memref<40960xf32, #tpu.memory_space<vmem>>, vector<16xf32>,
          %parallel_loop3A_268 = arith.constant 16 : i32
          %parallel_loop3A_269 = arith.addi %parallel_loop3A_211, %parallel_loop3A_268 : i32
          %parallel_loop3A_270 = arith.index_cast %parallel_loop3A_269 : i32 to index
          %parallel_loop3A_271 = tpu.vector_load %arg10[%parallel_loop3A_270] {strides = array<i32>} : memref<40960xf32, #tpu.memory_space<vmem>>, vector<16xf32>,
          %parallel_loop3A_272 = vector.shape_cast %parallel_loop3A_271 : vector<16xf32> to vector<16xf32>
          %parallel_loop3A_273 = vector.shape_cast %parallel_loop3A_261 : vector<16xf32> to vector<16xf32>
          tpu.vector_store %arg10[%parallel_loop3A_270], %parallel_loop3A_273 {add = true, strides = array<i32>} : memref<40960xf32, #tpu.memory_space<vmem>>, vector<16xf32>,
          %parallel_loop3A_274 = arith.constant 0 : i32
          %parallel_loop3A_275 = arith.index_cast %parallel_loop3A_274 : i32 to index
          %parallel_loop3A_276 = arith.index_cast %parallel_loop3A_195 : i32 to index
          %parallel_loop3A_277 = arith.constant 32 : index
          %parallel_loop3A_278 = tpu.vector_load %arg7[%parallel_loop3A_275, %parallel_loop3A_276, %parallel_loop3A_277] {strides = array<i32>} : memref<2x64x128xf32, #tpu.memory_space<vmem>>, vector<1x1x16xf32>,
          %parallel_loop3A_279 = vector.shape_cast %parallel_loop3A_278 : vector<1x1x16xf32> to vector<16xf32>
          %parallel_loop3A_280 = arith.constant 0 : i32
          %parallel_loop3A_281 = arith.index_cast %parallel_loop3A_280 : i32 to index
          %parallel_loop3A_282 = arith.index_cast %parallel_loop3A_195 : i32 to index
          %parallel_loop3A_283 = arith.constant 32 : index
          %parallel_loop3A_284 = tpu.vector_load %arg8[%parallel_loop3A_281, %parallel_loop3A_282, %parallel_loop3A_283] {strides = array<i32>} : memref<2x64x128xf32, #tpu.memory_space<vmem>>, vector<1x1x16xf32>,
          %parallel_loop3A_285 = vector.shape_cast %parallel_loop3A_284 : vector<1x1x16xf32> to vector<16xf32>
          %parallel_loop3A_286 = arith.constant 0.000000e+00 : f32
          %parallel_loop3A_287 = vector.broadcast %parallel_loop3A_286 : f32 to vector<16xf32>
          %parallel_loop3A_288 = arith.select %parallel_loop3A_199, %parallel_loop3A_279, %parallel_loop3A_287 : vector<16xf32>
          %parallel_loop3A_289 = arith.mulf %parallel_loop3A_279, %parallel_loop3A_285 : vector<16xf32>
          %parallel_loop3A_290 = arith.constant 0.000000e+00 : f32
          %parallel_loop3A_291 = vector.broadcast %parallel_loop3A_290 : f32 to vector<16xf32>
          %parallel_loop3A_292 = arith.select %parallel_loop3A_199, %parallel_loop3A_289, %parallel_loop3A_291 : vector<16xf32>
          %parallel_loop3A_293 = arith.constant 32 : i32
          %parallel_loop3A_294 = arith.addi %parallel_loop3A_211, %parallel_loop3A_293 : i32
          %parallel_loop3A_295 = arith.index_cast %parallel_loop3A_294 : i32 to index
          %parallel_loop3A_296 = tpu.vector_load %arg11[%parallel_loop3A_295] {strides = array<i32>} : memref<40960xf32, #tpu.memory_space<vmem>>, vector<16xf32>,
          %parallel_loop3A_297 = vector.shape_cast %parallel_loop3A_296 : vector<16xf32> to vector<16xf32>
          %parallel_loop3A_298 = vector.shape_cast %parallel_loop3A_288 : vector<16xf32> to vector<16xf32>
          tpu.vector_store %arg11[%parallel_loop3A_295], %parallel_loop3A_298 {add = true, strides = array<i32>} : memref<40960xf32, #tpu.memory_space<vmem>>, vector<16xf32>,
          %parallel_loop3A_299 = arith.constant 32 : i32
          %parallel_loop3A_300 = arith.addi %parallel_loop3A_211, %parallel_loop3A_299 : i32
          %parallel_loop3A_301 = arith.index_cast %parallel_loop3A_300 : i32 to index
          %parallel_loop3A_302 = tpu.vector_load %arg10[%parallel_loop3A_301] {strides = array<i32>} : memref<40960xf32, #tpu.memory_space<vmem>>, vector<16xf32>,
          %parallel_loop3A_303 = vector.shape_cast %parallel_loop3A_302 : vector<16xf32> to vector<16xf32>
          %parallel_loop3A_304 = vector.shape_cast %parallel_loop3A_292 : vector<16xf32> to vector<16xf32>
          tpu.vector_store %arg10[%parallel_loop3A_301], %parallel_loop3A_304 {add = true, strides = array<i32>} : memref<40960xf32, #tpu.memory_space<vmem>>, vector<16xf32>,
          %parallel_loop3A_305 = arith.constant 0 : i32
          %parallel_loop3A_306 = arith.index_cast %parallel_loop3A_305 : i32 to index
          %parallel_loop3A_307 = arith.index_cast %parallel_loop3A_195 : i32 to index
          %parallel_loop3A_308 = arith.constant 48 : index
          %parallel_loop3A_309 = tpu.vector_load %arg7[%parallel_loop3A_306, %parallel_loop3A_307, %parallel_loop3A_308] {strides = array<i32>} : memref<2x64x128xf32, #tpu.memory_space<vmem>>, vector<1x1x16xf32>,
          %parallel_loop3A_310 = vector.shape_cast %parallel_loop3A_309 : vector<1x1x16xf32> to vector<16xf32>
          %parallel_loop3A_311 = arith.constant 0 : i32
          %parallel_loop3A_312 = arith.index_cast %parallel_loop3A_311 : i32 to index
          %parallel_loop3A_313 = arith.index_cast %parallel_loop3A_195 : i32 to index
          %parallel_loop3A_314 = arith.constant 48 : index
          %parallel_loop3A_315 = tpu.vector_load %arg8[%parallel_loop3A_312, %parallel_loop3A_313, %parallel_loop3A_314] {strides = array<i32>} : memref<2x64x128xf32, #tpu.memory_space<vmem>>, vector<1x1x16xf32>,
          %parallel_loop3A_316 = vector.shape_cast %parallel_loop3A_315 : vector<1x1x16xf32> to vector<16xf32>
          %parallel_loop3A_317 = arith.constant 0.000000e+00 : f32
          %parallel_loop3A_318 = vector.broadcast %parallel_loop3A_317 : f32 to vector<16xf32>
          %parallel_loop3A_319 = arith.select %parallel_loop3A_199, %parallel_loop3A_310, %parallel_loop3A_318 : vector<16xf32>
          %parallel_loop3A_320 = arith.mulf %parallel_loop3A_310, %parallel_loop3A_316 : vector<16xf32>
          %parallel_loop3A_321 = arith.constant 0.000000e+00 : f32
          %parallel_loop3A_322 = vector.broadcast %parallel_loop3A_321 : f32 to vector<16xf32>
          %parallel_loop3A_323 = arith.select %parallel_loop3A_199, %parallel_loop3A_320, %parallel_loop3A_322 : vector<16xf32>
          %parallel_loop3A_324 = arith.constant 48 : i32
          %parallel_loop3A_325 = arith.addi %parallel_loop3A_211, %parallel_loop3A_324 : i32
          %parallel_loop3A_326 = arith.index_cast %parallel_loop3A_325 : i32 to index
          %parallel_loop3A_327 = tpu.vector_load %arg11[%parallel_loop3A_326] {strides = array<i32>} : memref<40960xf32, #tpu.memory_space<vmem>>, vector<16xf32>,
          %parallel_loop3A_328 = vector.shape_cast %parallel_loop3A_327 : vector<16xf32> to vector<16xf32>
          %parallel_loop3A_329 = vector.shape_cast %parallel_loop3A_319 : vector<16xf32> to vector<16xf32>
          tpu.vector_store %arg11[%parallel_loop3A_326], %parallel_loop3A_329 {add = true, strides = array<i32>} : memref<40960xf32, #tpu.memory_space<vmem>>, vector<16xf32>,
          %parallel_loop3A_330 = arith.constant 48 : i32
          %parallel_loop3A_331 = arith.addi %parallel_loop3A_211, %parallel_loop3A_330 : i32
          %parallel_loop3A_332 = arith.index_cast %parallel_loop3A_331 : i32 to index
          %parallel_loop3A_333 = tpu.vector_load %arg10[%parallel_loop3A_332] {strides = array<i32>} : memref<40960xf32, #tpu.memory_space<vmem>>, vector<16xf32>,
          %parallel_loop3A_334 = vector.shape_cast %parallel_loop3A_333 : vector<16xf32> to vector<16xf32>
          %parallel_loop3A_335 = vector.shape_cast %parallel_loop3A_323 : vector<16xf32> to vector<16xf32>
          tpu.vector_store %arg10[%parallel_loop3A_332], %parallel_loop3A_335 {add = true, strides = array<i32>} : memref<40960xf32, #tpu.memory_space<vmem>>, vector<16xf32>,
          %parallel_loop3A_336 = arith.constant 0 : i32
          %parallel_loop3A_337 = arith.index_cast %parallel_loop3A_336 : i32 to index
          %parallel_loop3A_338 = arith.index_cast %parallel_loop3A_195 : i32 to index
          %parallel_loop3A_339 = arith.constant 64 : index
          %parallel_loop3A_340 = tpu.vector_load %arg7[%parallel_loop3A_337, %parallel_loop3A_338, %parallel_loop3A_339] {strides = array<i32>} : memref<2x64x128xf32, #tpu.memory_space<vmem>>, vector<1x1x16xf32>,
          %parallel_loop3A_341 = vector.shape_cast %parallel_loop3A_340 : vector<1x1x16xf32> to vector<16xf32>
          %parallel_loop3A_342 = arith.constant 0 : i32
          %parallel_loop3A_343 = arith.index_cast %parallel_loop3A_342 : i32 to index
          %parallel_loop3A_344 = arith.index_cast %parallel_loop3A_195 : i32 to index
          %parallel_loop3A_345 = arith.constant 64 : index
          %parallel_loop3A_346 = tpu.vector_load %arg8[%parallel_loop3A_343, %parallel_loop3A_344, %parallel_loop3A_345] {strides = array<i32>} : memref<2x64x128xf32, #tpu.memory_space<vmem>>, vector<1x1x16xf32>,
          %parallel_loop3A_347 = vector.shape_cast %parallel_loop3A_346 : vector<1x1x16xf32> to vector<16xf32>
          %parallel_loop3A_348 = arith.constant 0.000000e+00 : f32
          %parallel_loop3A_349 = vector.broadcast %parallel_loop3A_348 : f32 to vector<16xf32>
          %parallel_loop3A_350 = arith.select %parallel_loop3A_199, %parallel_loop3A_341, %parallel_loop3A_349 : vector<16xf32>
          %parallel_loop3A_351 = arith.mulf %parallel_loop3A_341, %parallel_loop3A_347 : vector<16xf32>
          %parallel_loop3A_352 = arith.constant 0.000000e+00 : f32
          %parallel_loop3A_353 = vector.broadcast %parallel_loop3A_352 : f32 to vector<16xf32>
          %parallel_loop3A_354 = arith.select %parallel_loop3A_199, %parallel_loop3A_351, %parallel_loop3A_353 : vector<16xf32>
          %parallel_loop3A_355 = arith.constant 64 : i32
          %parallel_loop3A_356 = arith.addi %parallel_loop3A_211, %parallel_loop3A_355 : i32
          %parallel_loop3A_357 = arith.index_cast %parallel_loop3A_356 : i32 to index
          %parallel_loop3A_358 = tpu.vector_load %arg11[%parallel_loop3A_357] {strides = array<i32>} : memref<40960xf32, #tpu.memory_space<vmem>>, vector<16xf32>,
          %parallel_loop3A_359 = vector.shape_cast %parallel_loop3A_358 : vector<16xf32> to vector<16xf32>
          %parallel_loop3A_360 = vector.shape_cast %parallel_loop3A_350 : vector<16xf32> to vector<16xf32>
          tpu.vector_store %arg11[%parallel_loop3A_357], %parallel_loop3A_360 {add = true, strides = array<i32>} : memref<40960xf32, #tpu.memory_space<vmem>>, vector<16xf32>,
          %parallel_loop3A_361 = arith.constant 64 : i32
          %parallel_loop3A_362 = arith.addi %parallel_loop3A_211, %parallel_loop3A_361 : i32
          %parallel_loop3A_363 = arith.index_cast %parallel_loop3A_362 : i32 to index
          %parallel_loop3A_364 = tpu.vector_load %arg10[%parallel_loop3A_363] {strides = array<i32>} : memref<40960xf32, #tpu.memory_space<vmem>>, vector<16xf32>,
          %parallel_loop3A_365 = vector.shape_cast %parallel_loop3A_364 : vector<16xf32> to vector<16xf32>
          %parallel_loop3A_366 = vector.shape_cast %parallel_loop3A_354 : vector<16xf32> to vector<16xf32>
          tpu.vector_store %arg10[%parallel_loop3A_363], %parallel_loop3A_366 {add = true, strides = array<i32>} : memref<40960xf32, #tpu.memory_space<vmem>>, vector<16xf32>,
          %parallel_loop3A_367 = arith.constant 0 : i32
          %parallel_loop3A_368 = arith.index_cast %parallel_loop3A_367 : i32 to index
          %parallel_loop3A_369 = arith.index_cast %parallel_loop3A_195 : i32 to index
          %parallel_loop3A_370 = arith.constant 80 : index
          %parallel_loop3A_371 = tpu.vector_load %arg7[%parallel_loop3A_368, %parallel_loop3A_369, %parallel_loop3A_370] {strides = array<i32>} : memref<2x64x128xf32, #tpu.memory_space<vmem>>, vector<1x1x16xf32>,
          %parallel_loop3A_372 = vector.shape_cast %parallel_loop3A_371 : vector<1x1x16xf32> to vector<16xf32>
          %parallel_loop3A_373 = arith.constant 0 : i32
          %parallel_loop3A_374 = arith.index_cast %parallel_loop3A_373 : i32 to index
          %parallel_loop3A_375 = arith.index_cast %parallel_loop3A_195 : i32 to index
          %parallel_loop3A_376 = arith.constant 80 : index
          %parallel_loop3A_377 = tpu.vector_load %arg8[%parallel_loop3A_374, %parallel_loop3A_375, %parallel_loop3A_376] {strides = array<i32>} : memref<2x64x128xf32, #tpu.memory_space<vmem>>, vector<1x1x16xf32>,
          %parallel_loop3A_378 = vector.shape_cast %parallel_loop3A_377 : vector<1x1x16xf32> to vector<16xf32>
          %parallel_loop3A_379 = arith.constant 0.000000e+00 : f32
          %parallel_loop3A_380 = vector.broadcast %parallel_loop3A_379 : f32 to vector<16xf32>
          %parallel_loop3A_381 = arith.select %parallel_loop3A_199, %parallel_loop3A_372, %parallel_loop3A_380 : vector<16xf32>
          %parallel_loop3A_382 = arith.mulf %parallel_loop3A_372, %parallel_loop3A_378 : vector<16xf32>
          %parallel_loop3A_383 = arith.constant 0.000000e+00 : f32
          %parallel_loop3A_384 = vector.broadcast %parallel_loop3A_383 : f32 to vector<16xf32>
          %parallel_loop3A_385 = arith.select %parallel_loop3A_199, %parallel_loop3A_382, %parallel_loop3A_384 : vector<16xf32>
          %parallel_loop3A_386 = arith.constant 80 : i32
          %parallel_loop3A_387 = arith.addi %parallel_loop3A_211, %parallel_loop3A_386 : i32
          %parallel_loop3A_388 = arith.index_cast %parallel_loop3A_387 : i32 to index
          %parallel_loop3A_389 = tpu.vector_load %arg11[%parallel_loop3A_388] {strides = array<i32>} : memref<40960xf32, #tpu.memory_space<vmem>>, vector<16xf32>,
          %parallel_loop3A_390 = vector.shape_cast %parallel_loop3A_389 : vector<16xf32> to vector<16xf32>
          %parallel_loop3A_391 = vector.shape_cast %parallel_loop3A_381 : vector<16xf32> to vector<16xf32>
          tpu.vector_store %arg11[%parallel_loop3A_388], %parallel_loop3A_391 {add = true, strides = array<i32>} : memref<40960xf32, #tpu.memory_space<vmem>>, vector<16xf32>,
          %parallel_loop3A_392 = arith.constant 80 : i32
          %parallel_loop3A_393 = arith.addi %parallel_loop3A_211, %parallel_loop3A_392 : i32
          %parallel_loop3A_394 = arith.index_cast %parallel_loop3A_393 : i32 to index
          %parallel_loop3A_395 = tpu.vector_load %arg10[%parallel_loop3A_394] {strides = array<i32>} : memref<40960xf32, #tpu.memory_space<vmem>>, vector<16xf32>,
          %parallel_loop3A_396 = vector.shape_cast %parallel_loop3A_395 : vector<16xf32> to vector<16xf32>
          %parallel_loop3A_397 = vector.shape_cast %parallel_loop3A_385 : vector<16xf32> to vector<16xf32>
          tpu.vector_store %arg10[%parallel_loop3A_394], %parallel_loop3A_397 {add = true, strides = array<i32>} : memref<40960xf32, #tpu.memory_space<vmem>>, vector<16xf32>,
          %parallel_loop3A_398 = arith.constant 0 : i32
          %parallel_loop3A_399 = arith.index_cast %parallel_loop3A_398 : i32 to index
          %parallel_loop3A_400 = arith.index_cast %parallel_loop3A_195 : i32 to index
          %parallel_loop3A_401 = arith.constant 96 : index
          %parallel_loop3A_402 = tpu.vector_load %arg7[%parallel_loop3A_399, %parallel_loop3A_400, %parallel_loop3A_401] {strides = array<i32>} : memref<2x64x128xf32, #tpu.memory_space<vmem>>, vector<1x1x16xf32>,
          %parallel_loop3A_403 = vector.shape_cast %parallel_loop3A_402 : vector<1x1x16xf32> to vector<16xf32>
          %parallel_loop3A_404 = arith.constant 0 : i32
          %parallel_loop3A_405 = arith.index_cast %parallel_loop3A_404 : i32 to index
          %parallel_loop3A_406 = arith.index_cast %parallel_loop3A_195 : i32 to index
          %parallel_loop3A_407 = arith.constant 96 : index
          %parallel_loop3A_408 = tpu.vector_load %arg8[%parallel_loop3A_405, %parallel_loop3A_406, %parallel_loop3A_407] {strides = array<i32>} : memref<2x64x128xf32, #tpu.memory_space<vmem>>, vector<1x1x16xf32>,
          %parallel_loop3A_409 = vector.shape_cast %parallel_loop3A_408 : vector<1x1x16xf32> to vector<16xf32>
          %parallel_loop3A_410 = arith.constant 0.000000e+00 : f32
          %parallel_loop3A_411 = vector.broadcast %parallel_loop3A_410 : f32 to vector<16xf32>
          %parallel_loop3A_412 = arith.select %parallel_loop3A_199, %parallel_loop3A_403, %parallel_loop3A_411 : vector<16xf32>
          %parallel_loop3A_413 = arith.mulf %parallel_loop3A_403, %parallel_loop3A_409 : vector<16xf32>
          %parallel_loop3A_414 = arith.constant 0.000000e+00 : f32
          %parallel_loop3A_415 = vector.broadcast %parallel_loop3A_414 : f32 to vector<16xf32>
          %parallel_loop3A_416 = arith.select %parallel_loop3A_199, %parallel_loop3A_413, %parallel_loop3A_415 : vector<16xf32>
          %parallel_loop3A_417 = arith.constant 96 : i32
          %parallel_loop3A_418 = arith.addi %parallel_loop3A_211, %parallel_loop3A_417 : i32
          %parallel_loop3A_419 = arith.index_cast %parallel_loop3A_418 : i32 to index
          %parallel_loop3A_420 = tpu.vector_load %arg11[%parallel_loop3A_419] {strides = array<i32>} : memref<40960xf32, #tpu.memory_space<vmem>>, vector<16xf32>,
          %parallel_loop3A_421 = vector.shape_cast %parallel_loop3A_420 : vector<16xf32> to vector<16xf32>
          %parallel_loop3A_422 = vector.shape_cast %parallel_loop3A_412 : vector<16xf32> to vector<16xf32>
          tpu.vector_store %arg11[%parallel_loop3A_419], %parallel_loop3A_422 {add = true, strides = array<i32>} : memref<40960xf32, #tpu.memory_space<vmem>>, vector<16xf32>,
          %parallel_loop3A_423 = arith.constant 96 : i32
          %parallel_loop3A_424 = arith.addi %parallel_loop3A_211, %parallel_loop3A_423 : i32
          %parallel_loop3A_425 = arith.index_cast %parallel_loop3A_424 : i32 to index
          %parallel_loop3A_426 = tpu.vector_load %arg10[%parallel_loop3A_425] {strides = array<i32>} : memref<40960xf32, #tpu.memory_space<vmem>>, vector<16xf32>,
          %parallel_loop3A_427 = vector.shape_cast %parallel_loop3A_426 : vector<16xf32> to vector<16xf32>
          %parallel_loop3A_428 = vector.shape_cast %parallel_loop3A_416 : vector<16xf32> to vector<16xf32>
          tpu.vector_store %arg10[%parallel_loop3A_425], %parallel_loop3A_428 {add = true, strides = array<i32>} : memref<40960xf32, #tpu.memory_space<vmem>>, vector<16xf32>,
          %parallel_loop3A_429 = arith.constant 0 : i32
          %parallel_loop3A_430 = arith.index_cast %parallel_loop3A_429 : i32 to index
          %parallel_loop3A_431 = arith.index_cast %parallel_loop3A_195 : i32 to index
          %parallel_loop3A_432 = arith.constant 112 : index
          %parallel_loop3A_433 = tpu.vector_load %arg7[%parallel_loop3A_430, %parallel_loop3A_431, %parallel_loop3A_432] {strides = array<i32>} : memref<2x64x128xf32, #tpu.memory_space<vmem>>, vector<1x1x16xf32>,
          %parallel_loop3A_434 = vector.shape_cast %parallel_loop3A_433 : vector<1x1x16xf32> to vector<16xf32>
          %parallel_loop3A_435 = arith.constant 0 : i32
          %parallel_loop3A_436 = arith.index_cast %parallel_loop3A_435 : i32 to index
          %parallel_loop3A_437 = arith.index_cast %parallel_loop3A_195 : i32 to index
          %parallel_loop3A_438 = arith.constant 112 : index
          %parallel_loop3A_439 = tpu.vector_load %arg8[%parallel_loop3A_436, %parallel_loop3A_437, %parallel_loop3A_438] {strides = array<i32>} : memref<2x64x128xf32, #tpu.memory_space<vmem>>, vector<1x1x16xf32>,
          %parallel_loop3A_440 = vector.shape_cast %parallel_loop3A_439 : vector<1x1x16xf32> to vector<16xf32>
          %parallel_loop3A_441 = arith.constant 0.000000e+00 : f32
          %parallel_loop3A_442 = vector.broadcast %parallel_loop3A_441 : f32 to vector<16xf32>
          %parallel_loop3A_443 = arith.select %parallel_loop3A_199, %parallel_loop3A_434, %parallel_loop3A_442 : vector<16xf32>
          %parallel_loop3A_444 = arith.mulf %parallel_loop3A_434, %parallel_loop3A_440 : vector<16xf32>
          %parallel_loop3A_445 = arith.constant 0.000000e+00 : f32
          %parallel_loop3A_446 = vector.broadcast %parallel_loop3A_445 : f32 to vector<16xf32>
          %parallel_loop3A_447 = arith.select %parallel_loop3A_199, %parallel_loop3A_444, %parallel_loop3A_446 : vector<16xf32>
          %parallel_loop3A_448 = arith.constant 112 : i32
          %parallel_loop3A_449 = arith.addi %parallel_loop3A_211, %parallel_loop3A_448 : i32
          %parallel_loop3A_450 = arith.index_cast %parallel_loop3A_449 : i32 to index
          %parallel_loop3A_451 = tpu.vector_load %arg11[%parallel_loop3A_450] {strides = array<i32>} : memref<40960xf32, #tpu.memory_space<vmem>>, vector<16xf32>,
          %parallel_loop3A_452 = vector.shape_cast %parallel_loop3A_451 : vector<16xf32> to vector<16xf32>
          %parallel_loop3A_453 = vector.shape_cast %parallel_loop3A_443 : vector<16xf32> to vector<16xf32>
          tpu.vector_store %arg11[%parallel_loop3A_450], %parallel_loop3A_453 {add = true, strides = array<i32>} : memref<40960xf32, #tpu.memory_space<vmem>>, vector<16xf32>,
          %parallel_loop3A_454 = arith.constant 112 : i32
          %parallel_loop3A_455 = arith.addi %parallel_loop3A_211, %parallel_loop3A_454 : i32
          %parallel_loop3A_456 = arith.index_cast %parallel_loop3A_455 : i32 to index
          %parallel_loop3A_457 = tpu.vector_load %arg10[%parallel_loop3A_456] {strides = array<i32>} : memref<40960xf32, #tpu.memory_space<vmem>>, vector<16xf32>,
          %parallel_loop3A_458 = vector.shape_cast %parallel_loop3A_457 : vector<16xf32> to vector<16xf32>
          %parallel_loop3A_459 = vector.shape_cast %parallel_loop3A_447 : vector<16xf32> to vector<16xf32>
          tpu.vector_store %arg10[%parallel_loop3A_456], %parallel_loop3A_459 {add = true, strides = array<i32>} : memref<40960xf32, #tpu.memory_space<vmem>>, vector<16xf32>,
        } {sc.loop_unroll_factor = 4 : i64, sc.parallel_access}
        %lt3A_190 = arith.cmpi slt, %add3A_120, %div3A_41 : i32
        %convert_element_type3A_191 = arith.extui %lt3A_190 : i1 to i32
        %cond3A_192 = arith.constant 0 : i32
        %cond3A_193 = arith.cmpi ne, %convert_element_type3A_191, %cond3A_192 : i32
        scf.if %cond3A_193 {
          %mul3A_195 = arith.constant 64 : i32
          %mul3A_196 = arith.muli %add3A_120, %mul3A_195 : i32
          %add3A_197 = arith.addi %multiple_of3A, %mul3A_196 : i32
          %min3A_198 = arith.constant 319936 : i32
          %min3A_199 = arith.minsi %add3A_197, %min3A_198 : i32
          %multiple_of3A_200 = tpu.assume_multiple %min3A_199, 8 : i32
          %dma_wait3A_201 = arith.constant 1 : i32
          %dma_wait3A_202 = arith.constant 1 : i32
          %dma_wait3A_203 = arith.constant 0 : i32
          %dma_wait3A_204 = arith.constant 0 : i32
          %dma_wait3A_205 = tpu.memref_slice %arg7[%dma_wait3A_201, %dma_wait3A_203, %dma_wait3A_204] : memref<2x64x128xf32, #tpu.memory_space<vmem>> -> memref<1x64x128xf32, #tpu.memory_space<vmem>>
          %dma_wait3A_206 = tpu.memref_squeeze %dma_wait3A_205 : memref<1x64x128xf32, #tpu.memory_space<vmem>> -> memref<64x128xf32, #tpu.memory_space<vmem>>
          %dma_wait3A_207 = arith.constant 0 : i32
          %dma_wait3A_208 = tpu.memref_slice %arg2[%multiple_of3A_200, %dma_wait3A_207] : memref<320000x128xf32, #tpu.memory_space<hbm>> -> memref<64x128xf32, #tpu.memory_space<hbm>>
          %dma_wait3A_209 = tpu.memref_slice %arg13[%dma_wait3A_202] : memref<2x!tpu.dma_semaphore, #tpu.memory_space<semaphore_mem>> -> memref<1x!tpu.dma_semaphore, #tpu.memory_space<semaphore_mem>>
          %dma_wait3A_210 = tpu.memref_squeeze %dma_wait3A_209 : memref<1x!tpu.dma_semaphore, #tpu.memory_space<semaphore_mem>> -> memref<!tpu.dma_semaphore, #tpu.memory_space<semaphore_mem>>
          %dma_wait3A_211 = arith.constant 0 : i32
          %dma_wait3A_212 = arith.constant 0 : i32
          %dma_wait3A_213 = tpu.memref_slice %arg7[%dma_wait3A_201, %dma_wait3A_211, %dma_wait3A_212] : memref<2x64x128xf32, #tpu.memory_space<vmem>> -> memref<1x64x128xf32, #tpu.memory_space<vmem>>
          %dma_wait3A_214 = tpu.memref_squeeze %dma_wait3A_213 : memref<1x64x128xf32, #tpu.memory_space<vmem>> -> memref<64x128xf32, #tpu.memory_space<vmem>>
          %dma_wait3A_215 = arith.constant 0 : i32
          %dma_wait3A_216 = tpu.memref_slice %arg2[%multiple_of3A_200, %dma_wait3A_215] : memref<320000x128xf32, #tpu.memory_space<hbm>> -> memref<64x128xf32, #tpu.memory_space<hbm>>
          tpu.wait_dma2 semaphore(%dma_wait3A_210 : memref<!tpu.dma_semaphore, #tpu.memory_space<semaphore_mem>>) src(%dma_wait3A_216 : memref<64x128xf32, #tpu.memory_space<hbm>>) dst(%dma_wait3A_214 : memref<64x128xf32, #tpu.memory_space<vmem>>)
          %dma_wait3A_217 = arith.constant 1 : i32
          %dma_wait3A_218 = arith.constant 1 : i32
          %dma_wait3A_219 = arith.constant 0 : i32
          %dma_wait3A_220 = arith.constant 0 : i32
          %dma_wait3A_221 = tpu.memref_slice %arg8[%dma_wait3A_217, %dma_wait3A_219, %dma_wait3A_220] : memref<2x64x128xf32, #tpu.memory_space<vmem>> -> memref<1x64x128xf32, #tpu.memory_space<vmem>>
          %dma_wait3A_222 = tpu.memref_squeeze %dma_wait3A_221 : memref<1x64x128xf32, #tpu.memory_space<vmem>> -> memref<64x128xf32, #tpu.memory_space<vmem>>
          %dma_wait3A_223 = arith.constant 0 : i32
          %dma_wait3A_224 = tpu.memref_slice %arg3[%multiple_of3A_200, %dma_wait3A_223] : memref<320000x128xf32, #tpu.memory_space<hbm>> -> memref<64x128xf32, #tpu.memory_space<hbm>>
          %dma_wait3A_225 = tpu.memref_slice %arg13[%dma_wait3A_218] : memref<2x!tpu.dma_semaphore, #tpu.memory_space<semaphore_mem>> -> memref<1x!tpu.dma_semaphore, #tpu.memory_space<semaphore_mem>>
          %dma_wait3A_226 = tpu.memref_squeeze %dma_wait3A_225 : memref<1x!tpu.dma_semaphore, #tpu.memory_space<semaphore_mem>> -> memref<!tpu.dma_semaphore, #tpu.memory_space<semaphore_mem>>
          %dma_wait3A_227 = arith.constant 0 : i32
          %dma_wait3A_228 = arith.constant 0 : i32
          %dma_wait3A_229 = tpu.memref_slice %arg8[%dma_wait3A_217, %dma_wait3A_227, %dma_wait3A_228] : memref<2x64x128xf32, #tpu.memory_space<vmem>> -> memref<1x64x128xf32, #tpu.memory_space<vmem>>
          %dma_wait3A_230 = tpu.memref_squeeze %dma_wait3A_229 : memref<1x64x128xf32, #tpu.memory_space<vmem>> -> memref<64x128xf32, #tpu.memory_space<vmem>>
          %dma_wait3A_231 = arith.constant 0 : i32
          %dma_wait3A_232 = tpu.memref_slice %arg3[%multiple_of3A_200, %dma_wait3A_231] : memref<320000x128xf32, #tpu.memory_space<hbm>> -> memref<64x128xf32, #tpu.memory_space<hbm>>
          tpu.wait_dma2 semaphore(%dma_wait3A_226 : memref<!tpu.dma_semaphore, #tpu.memory_space<semaphore_mem>>) src(%dma_wait3A_232 : memref<64x128xf32, #tpu.memory_space<hbm>>) dst(%dma_wait3A_230 : memref<64x128xf32, #tpu.memory_space<vmem>>)
          %dma_wait3A_233 = arith.constant 1 : i32
          %dma_wait3A_234 = arith.constant 1 : i32
          %dma_wait3A_235 = arith.constant 0 : i32
          %dma_wait3A_236 = tpu.memref_slice %arg9[%dma_wait3A_233, %dma_wait3A_235] : memref<2x80xi32, #tpu.memory_space<vmem>> -> memref<1x64xi32, #tpu.memory_space<vmem>>
          %dma_wait3A_237 = tpu.memref_squeeze %dma_wait3A_236 : memref<1x64xi32, #tpu.memory_space<vmem>> -> memref<64xi32, #tpu.memory_space<vmem>>
          %dma_wait3A_238 = tpu.memref_slice %arg4[%multiple_of3A_200] : memref<320000xi32, #tpu.memory_space<hbm>> -> memref<64xi32, #tpu.memory_space<hbm>>
          %dma_wait3A_239 = tpu.memref_slice %arg13[%dma_wait3A_234] : memref<2x!tpu.dma_semaphore, #tpu.memory_space<semaphore_mem>> -> memref<1x!tpu.dma_semaphore, #tpu.memory_space<semaphore_mem>>
          %dma_wait3A_240 = tpu.memref_squeeze %dma_wait3A_239 : memref<1x!tpu.dma_semaphore, #tpu.memory_space<semaphore_mem>> -> memref<!tpu.dma_semaphore, #tpu.memory_space<semaphore_mem>>
          %dma_wait3A_241 = arith.constant 0 : i32
          %dma_wait3A_242 = tpu.memref_slice %arg9[%dma_wait3A_233, %dma_wait3A_241] : memref<2x80xi32, #tpu.memory_space<vmem>> -> memref<1x64xi32, #tpu.memory_space<vmem>>
          %dma_wait3A_243 = tpu.memref_squeeze %dma_wait3A_242 : memref<1x64xi32, #tpu.memory_space<vmem>> -> memref<64xi32, #tpu.memory_space<vmem>>
          %dma_wait3A_244 = tpu.memref_slice %arg4[%multiple_of3A_200] : memref<320000xi32, #tpu.memory_space<hbm>> -> memref<64xi32, #tpu.memory_space<hbm>>
          tpu.wait_dma2 semaphore(%dma_wait3A_240 : memref<!tpu.dma_semaphore, #tpu.memory_space<semaphore_mem>>) src(%dma_wait3A_244 : memref<64xi32, #tpu.memory_space<hbm>>) dst(%dma_wait3A_243 : memref<64xi32, #tpu.memory_space<vmem>>)
          %add3A_245 = arith.constant 1 : i32
          %add3A_246 = arith.addi %add3A_120, %add3A_245 : i32
          %lt3A_247 = arith.cmpi slt, %add3A_246, %div3A_41 : i32
          %convert_element_type3A_248 = arith.extui %lt3A_247 : i1 to i32
          %cond3A_249 = arith.constant 0 : i32
          %cond3A_250 = arith.cmpi ne, %convert_element_type3A_248, %cond3A_249 : i32
          scf.if %cond3A_250 {
            %add3A_270 = arith.constant 1 : i32
            %add3A_271 = arith.addi %add3A_120, %add3A_270 : i32
            %mul3A_272 = arith.constant 64 : i32
            %mul3A_273 = arith.muli %add3A_271, %mul3A_272 : i32
            %add3A_274 = arith.addi %multiple_of3A, %mul3A_273 : i32
            %min3A_275 = arith.constant 319936 : i32
            %min3A_276 = arith.minsi %add3A_274, %min3A_275 : i32
            %multiple_of3A_277 = tpu.assume_multiple %min3A_276, 8 : i32
            %dma_start3A_278 = arith.constant 0 : i32
            %dma_start3A_279 = arith.constant 0 : i32
            %dma_start3A_280 = arith.constant 0 : i32
            %dma_start3A_281 = arith.constant 0 : i32
            %dma_start3A_282 = tpu.memref_slice %arg7[%dma_start3A_278, %dma_start3A_280, %dma_start3A_281] : memref<2x64x128xf32, #tpu.memory_space<vmem>> -> memref<1x64x128xf32, #tpu.memory_space<vmem>>
            %dma_start3A_283 = tpu.memref_squeeze %dma_start3A_282 : memref<1x64x128xf32, #tpu.memory_space<vmem>> -> memref<64x128xf32, #tpu.memory_space<vmem>>
            %dma_start3A_284 = arith.constant 0 : i32
            %dma_start3A_285 = tpu.memref_slice %arg2[%multiple_of3A_277, %dma_start3A_284] : memref<320000x128xf32, #tpu.memory_space<hbm>> -> memref<64x128xf32, #tpu.memory_space<hbm>>
            %dma_start3A_286 = tpu.memref_slice %arg13[%dma_start3A_279] : memref<2x!tpu.dma_semaphore, #tpu.memory_space<semaphore_mem>> -> memref<1x!tpu.dma_semaphore, #tpu.memory_space<semaphore_mem>>
            %dma_start3A_287 = tpu.memref_squeeze %dma_start3A_286 : memref<1x!tpu.dma_semaphore, #tpu.memory_space<semaphore_mem>> -> memref<!tpu.dma_semaphore, #tpu.memory_space<semaphore_mem>>
            %dma_start3A_288 = arith.constant 0 : i32
            %dma_start3A_289 = arith.constant 0 : i32
            %dma_start3A_290 = tpu.memref_slice %arg7[%dma_start3A_278, %dma_start3A_288, %dma_start3A_289] : memref<2x64x128xf32, #tpu.memory_space<vmem>> -> memref<1x64x128xf32, #tpu.memory_space<vmem>>
            %dma_start3A_291 = tpu.memref_squeeze %dma_start3A_290 : memref<1x64x128xf32, #tpu.memory_space<vmem>> -> memref<64x128xf32, #tpu.memory_space<vmem>>
            %dma_start3A_292 = arith.constant 0 : i32
            %dma_start3A_293 = tpu.memref_slice %arg2[%multiple_of3A_277, %dma_start3A_292] : memref<320000x128xf32, #tpu.memory_space<hbm>> -> memref<64x128xf32, #tpu.memory_space<hbm>>
            tpu.enqueue_dma source(%dma_start3A_293 : memref<64x128xf32, #tpu.memory_space<hbm>>) target(%dma_start3A_291 : memref<64x128xf32, #tpu.memory_space<vmem>>) target_semaphore(%dma_start3A_287 : memref<!tpu.dma_semaphore, #tpu.memory_space<semaphore_mem>>)
            %dma_start3A_294 = arith.constant 0 : i32
            %dma_start3A_295 = arith.constant 0 : i32
            %dma_start3A_296 = arith.constant 0 : i32
            %dma_start3A_297 = arith.constant 0 : i32
            %dma_start3A_298 = tpu.memref_slice %arg8[%dma_start3A_294, %dma_start3A_296, %dma_start3A_297] : memref<2x64x128xf32, #tpu.memory_space<vmem>> -> memref<1x64x128xf32, #tpu.memory_space<vmem>>
            %dma_start3A_299 = tpu.memref_squeeze %dma_start3A_298 : memref<1x64x128xf32, #tpu.memory_space<vmem>> -> memref<64x128xf32, #tpu.memory_space<vmem>>
            %dma_start3A_300 = arith.constant 0 : i32
            %dma_start3A_301 = tpu.memref_slice %arg3[%multiple_of3A_277, %dma_start3A_300] : memref<320000x128xf32, #tpu.memory_space<hbm>> -> memref<64x128xf32, #tpu.memory_space<hbm>>
            %dma_start3A_302 = tpu.memref_slice %arg13[%dma_start3A_295] : memref<2x!tpu.dma_semaphore, #tpu.memory_space<semaphore_mem>> -> memref<1x!tpu.dma_semaphore, #tpu.memory_space<semaphore_mem>>
            %dma_start3A_303 = tpu.memref_squeeze %dma_start3A_302 : memref<1x!tpu.dma_semaphore, #tpu.memory_space<semaphore_mem>> -> memref<!tpu.dma_semaphore, #tpu.memory_space<semaphore_mem>>
            %dma_start3A_304 = arith.constant 0 : i32
            %dma_start3A_305 = arith.constant 0 : i32
            %dma_start3A_306 = tpu.memref_slice %arg8[%dma_start3A_294, %dma_start3A_304, %dma_start3A_305] : memref<2x64x128xf32, #tpu.memory_space<vmem>> -> memref<1x64x128xf32, #tpu.memory_space<vmem>>
            %dma_start3A_307 = tpu.memref_squeeze %dma_start3A_306 : memref<1x64x128xf32, #tpu.memory_space<vmem>> -> memref<64x128xf32, #tpu.memory_space<vmem>>
            %dma_start3A_308 = arith.constant 0 : i32
            %dma_start3A_309 = tpu.memref_slice %arg3[%multiple_of3A_277, %dma_start3A_308] : memref<320000x128xf32, #tpu.memory_space<hbm>> -> memref<64x128xf32, #tpu.memory_space<hbm>>
            tpu.enqueue_dma source(%dma_start3A_309 : memref<64x128xf32, #tpu.memory_space<hbm>>) target(%dma_start3A_307 : memref<64x128xf32, #tpu.memory_space<vmem>>) target_semaphore(%dma_start3A_303 : memref<!tpu.dma_semaphore, #tpu.memory_space<semaphore_mem>>)
            %dma_start3A_310 = arith.constant 0 : i32
            %dma_start3A_311 = arith.constant 0 : i32
            %dma_start3A_312 = arith.constant 0 : i32
            %dma_start3A_313 = tpu.memref_slice %arg9[%dma_start3A_310, %dma_start3A_312] : memref<2x80xi32, #tpu.memory_space<vmem>> -> memref<1x64xi32, #tpu.memory_space<vmem>>
            %dma_start3A_314 = tpu.memref_squeeze %dma_start3A_313 : memref<1x64xi32, #tpu.memory_space<vmem>> -> memref<64xi32, #tpu.memory_space<vmem>>
            %dma_start3A_315 = tpu.memref_slice %arg4[%multiple_of3A_277] : memref<320000xi32, #tpu.memory_space<hbm>> -> memref<64xi32, #tpu.memory_space<hbm>>
            %dma_start3A_316 = tpu.memref_slice %arg13[%dma_start3A_311] : memref<2x!tpu.dma_semaphore, #tpu.memory_space<semaphore_mem>> -> memref<1x!tpu.dma_semaphore, #tpu.memory_space<semaphore_mem>>
            %dma_start3A_317 = tpu.memref_squeeze %dma_start3A_316 : memref<1x!tpu.dma_semaphore, #tpu.memory_space<semaphore_mem>> -> memref<!tpu.dma_semaphore, #tpu.memory_space<semaphore_mem>>
            %dma_start3A_318 = arith.constant 0 : i32
            %dma_start3A_319 = tpu.memref_slice %arg9[%dma_start3A_310, %dma_start3A_318] : memref<2x80xi32, #tpu.memory_space<vmem>> -> memref<1x64xi32, #tpu.memory_space<vmem>>
            %dma_start3A_320 = tpu.memref_squeeze %dma_start3A_319 : memref<1x64xi32, #tpu.memory_space<vmem>> -> memref<64xi32, #tpu.memory_space<vmem>>
            %dma_start3A_321 = tpu.memref_slice %arg4[%multiple_of3A_277] : memref<320000xi32, #tpu.memory_space<hbm>> -> memref<64xi32, #tpu.memory_space<hbm>>
            tpu.enqueue_dma source(%dma_start3A_321 : memref<64xi32, #tpu.memory_space<hbm>>) target(%dma_start3A_320 : memref<64xi32, #tpu.memory_space<vmem>>) target_semaphore(%dma_start3A_317 : memref<!tpu.dma_semaphore, #tpu.memory_space<semaphore_mem>>)
          } else {
          }
          %mul3A_251 = arith.constant 64 : i32
          %mul3A_252 = arith.muli %add3A_120, %mul3A_251 : i32
          %add3A_253 = arith.addi %multiple_of3A, %mul3A_252 : i32
          %min3A_254 = arith.constant 319936 : i32
          %min3A_255 = arith.minsi %add3A_253, %min3A_254 : i32
          %multiple_of3A_256 = tpu.assume_multiple %min3A_255, 8 : i32
          %mul3A_257 = arith.constant 64 : i32
          %mul3A_258 = arith.muli %add3A_120, %mul3A_257 : i32
          %add3A_259 = arith.addi %multiple_of3A, %mul3A_258 : i32
          %max3A_260 = arith.maxsi %squeeze3A, %add3A_259 : i32
          %add3A_261 = arith.constant 1 : i32
          %add3A_262 = arith.addi %add3A_120, %add3A_261 : i32
          %mul3A_263 = arith.constant 64 : i32
          %mul3A_264 = arith.muli %add3A_262, %mul3A_263 : i32
          %add3A_265 = arith.addi %multiple_of3A, %mul3A_264 : i32
          %min3A_266 = arith.minsi %squeeze3A_9, %add3A_265 : i32
          %parallel_loop3A_267 = arith.constant 0 : i32
          %parallel_loop3A_268 = arith.constant 64 : i32
          %parallel_loop3A_269 = arith.constant 1 : i32
          scf.for %parallel_loop3A_270 = %parallel_loop3A_267 to %parallel_loop3A_268 step %parallel_loop3A_269  : i32 {
            %parallel_loop3A_271 = arith.addi %multiple_of3A_256, %parallel_loop3A_270 : i32
            %parallel_loop3A_272 = arith.cmpi sge, %parallel_loop3A_271, %max3A_260 : i32
            %parallel_loop3A_273 = arith.cmpi slt, %parallel_loop3A_271, %min3A_266 : i32
            %parallel_loop3A_274 = arith.andi %parallel_loop3A_272, %parallel_loop3A_273 : i1
            %parallel_loop3A_275 = arith.constant 1 : i32
            %parallel_loop3A_276 = arith.index_cast %parallel_loop3A_275 : i32 to index
            %parallel_loop3A_277 = arith.index_cast %parallel_loop3A_270 : i32 to index
            %parallel_loop3A_278 = tpu.vector_load %arg9[%parallel_loop3A_276, %parallel_loop3A_277] {strides = array<i32>} : memref<2x80xi32, #tpu.memory_space<vmem>>, vector<1x16xi32>,
            %parallel_loop3A_279 = vector.shape_cast %parallel_loop3A_278 : vector<1x16xi32> to vector<16xi32>
            %parallel_loop3A_280 = vector.extract_strided_slice %parallel_loop3A_279 {offsets = [0], sizes = [1], strides = [1]} : vector<16xi32> to vector<1xi32>
            %parallel_loop3A_281 = vector.extract %parallel_loop3A_280[0] : i32 from vector<1xi32>
            %parallel_loop3A_282 = arith.subi %parallel_loop3A_281, %mul3A_11 : i32
            %parallel_loop3A_283 = arith.constant 128 : i32
            %parallel_loop3A_284 = arith.muli %parallel_loop3A_282, %parallel_loop3A_283 : i32
            %parallel_loop3A_285 = arith.constant 0 : i32
            %parallel_loop3A_286 = arith.select %parallel_loop3A_274, %parallel_loop3A_284, %parallel_loop3A_285 : i32
            %parallel_loop3A_287 = arith.constant 1 : i32
            %parallel_loop3A_288 = arith.index_cast %parallel_loop3A_287 : i32 to index
            %parallel_loop3A_289 = arith.index_cast %parallel_loop3A_270 : i32 to index
            %parallel_loop3A_290 = arith.constant 0 : index
            %parallel_loop3A_291 = tpu.vector_load %arg7[%parallel_loop3A_288, %parallel_loop3A_289, %parallel_loop3A_290] {strides = array<i32>} : memref<2x64x128xf32, #tpu.memory_space<vmem>>, vector<1x1x16xf32>,
            %parallel_loop3A_292 = vector.shape_cast %parallel_loop3A_291 : vector<1x1x16xf32> to vector<16xf32>
            %parallel_loop3A_293 = arith.constant 1 : i32
            %parallel_loop3A_294 = arith.index_cast %parallel_loop3A_293 : i32 to index
            %parallel_loop3A_295 = arith.index_cast %parallel_loop3A_270 : i32 to index
            %parallel_loop3A_296 = arith.constant 0 : index
            %parallel_loop3A_297 = tpu.vector_load %arg8[%parallel_loop3A_294, %parallel_loop3A_295, %parallel_loop3A_296] {strides = array<i32>} : memref<2x64x128xf32, #tpu.memory_space<vmem>>, vector<1x1x16xf32>,
            %parallel_loop3A_298 = vector.shape_cast %parallel_loop3A_297 : vector<1x1x16xf32> to vector<16xf32>
            %parallel_loop3A_299 = arith.constant 0.000000e+00 : f32
            %parallel_loop3A_300 = vector.broadcast %parallel_loop3A_299 : f32 to vector<16xf32>
            %parallel_loop3A_301 = arith.select %parallel_loop3A_274, %parallel_loop3A_292, %parallel_loop3A_300 : vector<16xf32>
            %parallel_loop3A_302 = arith.mulf %parallel_loop3A_292, %parallel_loop3A_298 : vector<16xf32>
            %parallel_loop3A_303 = arith.constant 0.000000e+00 : f32
            %parallel_loop3A_304 = vector.broadcast %parallel_loop3A_303 : f32 to vector<16xf32>
            %parallel_loop3A_305 = arith.select %parallel_loop3A_274, %parallel_loop3A_302, %parallel_loop3A_304 : vector<16xf32>
            %parallel_loop3A_306 = arith.constant 0 : i32
            %parallel_loop3A_307 = arith.addi %parallel_loop3A_286, %parallel_loop3A_306 : i32
            %parallel_loop3A_308 = arith.index_cast %parallel_loop3A_307 : i32 to index
            %parallel_loop3A_309 = tpu.vector_load %arg11[%parallel_loop3A_308] {strides = array<i32>} : memref<40960xf32, #tpu.memory_space<vmem>>, vector<16xf32>,
            %parallel_loop3A_310 = vector.shape_cast %parallel_loop3A_309 : vector<16xf32> to vector<16xf32>
            %parallel_loop3A_311 = vector.shape_cast %parallel_loop3A_301 : vector<16xf32> to vector<16xf32>
            tpu.vector_store %arg11[%parallel_loop3A_308], %parallel_loop3A_311 {add = true, strides = array<i32>} : memref<40960xf32, #tpu.memory_space<vmem>>, vector<16xf32>,
            %parallel_loop3A_312 = arith.constant 0 : i32
            %parallel_loop3A_313 = arith.addi %parallel_loop3A_286, %parallel_loop3A_312 : i32
            %parallel_loop3A_314 = arith.index_cast %parallel_loop3A_313 : i32 to index
            %parallel_loop3A_315 = tpu.vector_load %arg10[%parallel_loop3A_314] {strides = array<i32>} : memref<40960xf32, #tpu.memory_space<vmem>>, vector<16xf32>,
            %parallel_loop3A_316 = vector.shape_cast %parallel_loop3A_315 : vector<16xf32> to vector<16xf32>
            %parallel_loop3A_317 = vector.shape_cast %parallel_loop3A_305 : vector<16xf32> to vector<16xf32>
            tpu.vector_store %arg10[%parallel_loop3A_314], %parallel_loop3A_317 {add = true, strides = array<i32>} : memref<40960xf32, #tpu.memory_space<vmem>>, vector<16xf32>,
            %parallel_loop3A_318 = arith.constant 1 : i32
            %parallel_loop3A_319 = arith.index_cast %parallel_loop3A_318 : i32 to index
            %parallel_loop3A_320 = arith.index_cast %parallel_loop3A_270 : i32 to index
            %parallel_loop3A_321 = arith.constant 16 : index
            %parallel_loop3A_322 = tpu.vector_load %arg7[%parallel_loop3A_319, %parallel_loop3A_320, %parallel_loop3A_321] {strides = array<i32>} : memref<2x64x128xf32, #tpu.memory_space<vmem>>, vector<1x1x16xf32>,
            %parallel_loop3A_323 = vector.shape_cast %parallel_loop3A_322 : vector<1x1x16xf32> to vector<16xf32>
            %parallel_loop3A_324 = arith.constant 1 : i32
            %parallel_loop3A_325 = arith.index_cast %parallel_loop3A_324 : i32 to index
            %parallel_loop3A_326 = arith.index_cast %parallel_loop3A_270 : i32 to index
            %parallel_loop3A_327 = arith.constant 16 : index
            %parallel_loop3A_328 = tpu.vector_load %arg8[%parallel_loop3A_325, %parallel_loop3A_326, %parallel_loop3A_327] {strides = array<i32>} : memref<2x64x128xf32, #tpu.memory_space<vmem>>, vector<1x1x16xf32>,
            %parallel_loop3A_329 = vector.shape_cast %parallel_loop3A_328 : vector<1x1x16xf32> to vector<16xf32>
            %parallel_loop3A_330 = arith.constant 0.000000e+00 : f32
            %parallel_loop3A_331 = vector.broadcast %parallel_loop3A_330 : f32 to vector<16xf32>
            %parallel_loop3A_332 = arith.select %parallel_loop3A_274, %parallel_loop3A_323, %parallel_loop3A_331 : vector<16xf32>
            %parallel_loop3A_333 = arith.mulf %parallel_loop3A_323, %parallel_loop3A_329 : vector<16xf32>
            %parallel_loop3A_334 = arith.constant 0.000000e+00 : f32
            %parallel_loop3A_335 = vector.broadcast %parallel_loop3A_334 : f32 to vector<16xf32>
            %parallel_loop3A_336 = arith.select %parallel_loop3A_274, %parallel_loop3A_333, %parallel_loop3A_335 : vector<16xf32>
            %parallel_loop3A_337 = arith.constant 16 : i32
            %parallel_loop3A_338 = arith.addi %parallel_loop3A_286, %parallel_loop3A_337 : i32
            %parallel_loop3A_339 = arith.index_cast %parallel_loop3A_338 : i32 to index
            %parallel_loop3A_340 = tpu.vector_load %arg11[%parallel_loop3A_339] {strides = array<i32>} : memref<40960xf32, #tpu.memory_space<vmem>>, vector<16xf32>,
            %parallel_loop3A_341 = vector.shape_cast %parallel_loop3A_340 : vector<16xf32> to vector<16xf32>
            %parallel_loop3A_342 = vector.shape_cast %parallel_loop3A_332 : vector<16xf32> to vector<16xf32>
            tpu.vector_store %arg11[%parallel_loop3A_339], %parallel_loop3A_342 {add = true, strides = array<i32>} : memref<40960xf32, #tpu.memory_space<vmem>>, vector<16xf32>,
            %parallel_loop3A_343 = arith.constant 16 : i32
            %parallel_loop3A_344 = arith.addi %parallel_loop3A_286, %parallel_loop3A_343 : i32
            %parallel_loop3A_345 = arith.index_cast %parallel_loop3A_344 : i32 to index
            %parallel_loop3A_346 = tpu.vector_load %arg10[%parallel_loop3A_345] {strides = array<i32>} : memref<40960xf32, #tpu.memory_space<vmem>>, vector<16xf32>,
            %parallel_loop3A_347 = vector.shape_cast %parallel_loop3A_346 : vector<16xf32> to vector<16xf32>
            %parallel_loop3A_348 = vector.shape_cast %parallel_loop3A_336 : vector<16xf32> to vector<16xf32>
            tpu.vector_store %arg10[%parallel_loop3A_345], %parallel_loop3A_348 {add = true, strides = array<i32>} : memref<40960xf32, #tpu.memory_space<vmem>>, vector<16xf32>,
            %parallel_loop3A_349 = arith.constant 1 : i32
            %parallel_loop3A_350 = arith.index_cast %parallel_loop3A_349 : i32 to index
            %parallel_loop3A_351 = arith.index_cast %parallel_loop3A_270 : i32 to index
            %parallel_loop3A_352 = arith.constant 32 : index
            %parallel_loop3A_353 = tpu.vector_load %arg7[%parallel_loop3A_350, %parallel_loop3A_351, %parallel_loop3A_352] {strides = array<i32>} : memref<2x64x128xf32, #tpu.memory_space<vmem>>, vector<1x1x16xf32>,
            %parallel_loop3A_354 = vector.shape_cast %parallel_loop3A_353 : vector<1x1x16xf32> to vector<16xf32>
            %parallel_loop3A_355 = arith.constant 1 : i32
            %parallel_loop3A_356 = arith.index_cast %parallel_loop3A_355 : i32 to index
            %parallel_loop3A_357 = arith.index_cast %parallel_loop3A_270 : i32 to index
            %parallel_loop3A_358 = arith.constant 32 : index
            %parallel_loop3A_359 = tpu.vector_load %arg8[%parallel_loop3A_356, %parallel_loop3A_357, %parallel_loop3A_358] {strides = array<i32>} : memref<2x64x128xf32, #tpu.memory_space<vmem>>, vector<1x1x16xf32>,
            %parallel_loop3A_360 = vector.shape_cast %parallel_loop3A_359 : vector<1x1x16xf32> to vector<16xf32>
            %parallel_loop3A_361 = arith.constant 0.000000e+00 : f32
            %parallel_loop3A_362 = vector.broadcast %parallel_loop3A_361 : f32 to vector<16xf32>
            %parallel_loop3A_363 = arith.select %parallel_loop3A_274, %parallel_loop3A_354, %parallel_loop3A_362 : vector<16xf32>
            %parallel_loop3A_364 = arith.mulf %parallel_loop3A_354, %parallel_loop3A_360 : vector<16xf32>
            %parallel_loop3A_365 = arith.constant 0.000000e+00 : f32
            %parallel_loop3A_366 = vector.broadcast %parallel_loop3A_365 : f32 to vector<16xf32>
            %parallel_loop3A_367 = arith.select %parallel_loop3A_274, %parallel_loop3A_364, %parallel_loop3A_366 : vector<16xf32>
            %parallel_loop3A_368 = arith.constant 32 : i32
            %parallel_loop3A_369 = arith.addi %parallel_loop3A_286, %parallel_loop3A_368 : i32
            %parallel_loop3A_370 = arith.index_cast %parallel_loop3A_369 : i32 to index
            %parallel_loop3A_371 = tpu.vector_load %arg11[%parallel_loop3A_370] {strides = array<i32>} : memref<40960xf32, #tpu.memory_space<vmem>>, vector<16xf32>,
            %parallel_loop3A_372 = vector.shape_cast %parallel_loop3A_371 : vector<16xf32> to vector<16xf32>
            %parallel_loop3A_373 = vector.shape_cast %parallel_loop3A_363 : vector<16xf32> to vector<16xf32>
            tpu.vector_store %arg11[%parallel_loop3A_370], %parallel_loop3A_373 {add = true, strides = array<i32>} : memref<40960xf32, #tpu.memory_space<vmem>>, vector<16xf32>,
            %parallel_loop3A_374 = arith.constant 32 : i32
            %parallel_loop3A_375 = arith.addi %parallel_loop3A_286, %parallel_loop3A_374 : i32
            %parallel_loop3A_376 = arith.index_cast %parallel_loop3A_375 : i32 to index
            %parallel_loop3A_377 = tpu.vector_load %arg10[%parallel_loop3A_376] {strides = array<i32>} : memref<40960xf32, #tpu.memory_space<vmem>>, vector<16xf32>,
            %parallel_loop3A_378 = vector.shape_cast %parallel_loop3A_377 : vector<16xf32> to vector<16xf32>
            %parallel_loop3A_379 = vector.shape_cast %parallel_loop3A_367 : vector<16xf32> to vector<16xf32>
            tpu.vector_store %arg10[%parallel_loop3A_376], %parallel_loop3A_379 {add = true, strides = array<i32>} : memref<40960xf32, #tpu.memory_space<vmem>>, vector<16xf32>,
            %parallel_loop3A_380 = arith.constant 1 : i32
            %parallel_loop3A_381 = arith.index_cast %parallel_loop3A_380 : i32 to index
            %parallel_loop3A_382 = arith.index_cast %parallel_loop3A_270 : i32 to index
            %parallel_loop3A_383 = arith.constant 48 : index
            %parallel_loop3A_384 = tpu.vector_load %arg7[%parallel_loop3A_381, %parallel_loop3A_382, %parallel_loop3A_383] {strides = array<i32>} : memref<2x64x128xf32, #tpu.memory_space<vmem>>, vector<1x1x16xf32>,
            %parallel_loop3A_385 = vector.shape_cast %parallel_loop3A_384 : vector<1x1x16xf32> to vector<16xf32>
            %parallel_loop3A_386 = arith.constant 1 : i32
            %parallel_loop3A_387 = arith.index_cast %parallel_loop3A_386 : i32 to index
            %parallel_loop3A_388 = arith.index_cast %parallel_loop3A_270 : i32 to index
            %parallel_loop3A_389 = arith.constant 48 : index
            %parallel_loop3A_390 = tpu.vector_load %arg8[%parallel_loop3A_387, %parallel_loop3A_388, %parallel_loop3A_389] {strides = array<i32>} : memref<2x64x128xf32, #tpu.memory_space<vmem>>, vector<1x1x16xf32>,
            %parallel_loop3A_391 = vector.shape_cast %parallel_loop3A_390 : vector<1x1x16xf32> to vector<16xf32>
            %parallel_loop3A_392 = arith.constant 0.000000e+00 : f32
            %parallel_loop3A_393 = vector.broadcast %parallel_loop3A_392 : f32 to vector<16xf32>
            %parallel_loop3A_394 = arith.select %parallel_loop3A_274, %parallel_loop3A_385, %parallel_loop3A_393 : vector<16xf32>
            %parallel_loop3A_395 = arith.mulf %parallel_loop3A_385, %parallel_loop3A_391 : vector<16xf32>
            %parallel_loop3A_396 = arith.constant 0.000000e+00 : f32
            %parallel_loop3A_397 = vector.broadcast %parallel_loop3A_396 : f32 to vector<16xf32>
            %parallel_loop3A_398 = arith.select %parallel_loop3A_274, %parallel_loop3A_395, %parallel_loop3A_397 : vector<16xf32>
            %parallel_loop3A_399 = arith.constant 48 : i32
            %parallel_loop3A_400 = arith.addi %parallel_loop3A_286, %parallel_loop3A_399 : i32
            %parallel_loop3A_401 = arith.index_cast %parallel_loop3A_400 : i32 to index
            %parallel_loop3A_402 = tpu.vector_load %arg11[%parallel_loop3A_401] {strides = array<i32>} : memref<40960xf32, #tpu.memory_space<vmem>>, vector<16xf32>,
            %parallel_loop3A_403 = vector.shape_cast %parallel_loop3A_402 : vector<16xf32> to vector<16xf32>
            %parallel_loop3A_404 = vector.shape_cast %parallel_loop3A_394 : vector<16xf32> to vector<16xf32>
            tpu.vector_store %arg11[%parallel_loop3A_401], %parallel_loop3A_404 {add = true, strides = array<i32>} : memref<40960xf32, #tpu.memory_space<vmem>>, vector<16xf32>,
            %parallel_loop3A_405 = arith.constant 48 : i32
            %parallel_loop3A_406 = arith.addi %parallel_loop3A_286, %parallel_loop3A_405 : i32
            %parallel_loop3A_407 = arith.index_cast %parallel_loop3A_406 : i32 to index
            %parallel_loop3A_408 = tpu.vector_load %arg10[%parallel_loop3A_407] {strides = array<i32>} : memref<40960xf32, #tpu.memory_space<vmem>>, vector<16xf32>,
            %parallel_loop3A_409 = vector.shape_cast %parallel_loop3A_408 : vector<16xf32> to vector<16xf32>
            %parallel_loop3A_410 = vector.shape_cast %parallel_loop3A_398 : vector<16xf32> to vector<16xf32>
            tpu.vector_store %arg10[%parallel_loop3A_407], %parallel_loop3A_410 {add = true, strides = array<i32>} : memref<40960xf32, #tpu.memory_space<vmem>>, vector<16xf32>,
            %parallel_loop3A_411 = arith.constant 1 : i32
            %parallel_loop3A_412 = arith.index_cast %parallel_loop3A_411 : i32 to index
            %parallel_loop3A_413 = arith.index_cast %parallel_loop3A_270 : i32 to index
            %parallel_loop3A_414 = arith.constant 64 : index
            %parallel_loop3A_415 = tpu.vector_load %arg7[%parallel_loop3A_412, %parallel_loop3A_413, %parallel_loop3A_414] {strides = array<i32>} : memref<2x64x128xf32, #tpu.memory_space<vmem>>, vector<1x1x16xf32>,
            %parallel_loop3A_416 = vector.shape_cast %parallel_loop3A_415 : vector<1x1x16xf32> to vector<16xf32>
            %parallel_loop3A_417 = arith.constant 1 : i32
            %parallel_loop3A_418 = arith.index_cast %parallel_loop3A_417 : i32 to index
            %parallel_loop3A_419 = arith.index_cast %parallel_loop3A_270 : i32 to index
            %parallel_loop3A_420 = arith.constant 64 : index
            %parallel_loop3A_421 = tpu.vector_load %arg8[%parallel_loop3A_418, %parallel_loop3A_419, %parallel_loop3A_420] {strides = array<i32>} : memref<2x64x128xf32, #tpu.memory_space<vmem>>, vector<1x1x16xf32>,
            %parallel_loop3A_422 = vector.shape_cast %parallel_loop3A_421 : vector<1x1x16xf32> to vector<16xf32>
            %parallel_loop3A_423 = arith.constant 0.000000e+00 : f32
            %parallel_loop3A_424 = vector.broadcast %parallel_loop3A_423 : f32 to vector<16xf32>
            %parallel_loop3A_425 = arith.select %parallel_loop3A_274, %parallel_loop3A_416, %parallel_loop3A_424 : vector<16xf32>
            %parallel_loop3A_426 = arith.mulf %parallel_loop3A_416, %parallel_loop3A_422 : vector<16xf32>
            %parallel_loop3A_427 = arith.constant 0.000000e+00 : f32
            %parallel_loop3A_428 = vector.broadcast %parallel_loop3A_427 : f32 to vector<16xf32>
            %parallel_loop3A_429 = arith.select %parallel_loop3A_274, %parallel_loop3A_426, %parallel_loop3A_428 : vector<16xf32>
            %parallel_loop3A_430 = arith.constant 64 : i32
            %parallel_loop3A_431 = arith.addi %parallel_loop3A_286, %parallel_loop3A_430 : i32
            %parallel_loop3A_432 = arith.index_cast %parallel_loop3A_431 : i32 to index
            %parallel_loop3A_433 = tpu.vector_load %arg11[%parallel_loop3A_432] {strides = array<i32>} : memref<40960xf32, #tpu.memory_space<vmem>>, vector<16xf32>,
            %parallel_loop3A_434 = vector.shape_cast %parallel_loop3A_433 : vector<16xf32> to vector<16xf32>
            %parallel_loop3A_435 = vector.shape_cast %parallel_loop3A_425 : vector<16xf32> to vector<16xf32>
            tpu.vector_store %arg11[%parallel_loop3A_432], %parallel_loop3A_435 {add = true, strides = array<i32>} : memref<40960xf32, #tpu.memory_space<vmem>>, vector<16xf32>,
            %parallel_loop3A_436 = arith.constant 64 : i32
            %parallel_loop3A_437 = arith.addi %parallel_loop3A_286, %parallel_loop3A_436 : i32
            %parallel_loop3A_438 = arith.index_cast %parallel_loop3A_437 : i32 to index
            %parallel_loop3A_439 = tpu.vector_load %arg10[%parallel_loop3A_438] {strides = array<i32>} : memref<40960xf32, #tpu.memory_space<vmem>>, vector<16xf32>,
            %parallel_loop3A_440 = vector.shape_cast %parallel_loop3A_439 : vector<16xf32> to vector<16xf32>
            %parallel_loop3A_441 = vector.shape_cast %parallel_loop3A_429 : vector<16xf32> to vector<16xf32>
            tpu.vector_store %arg10[%parallel_loop3A_438], %parallel_loop3A_441 {add = true, strides = array<i32>} : memref<40960xf32, #tpu.memory_space<vmem>>, vector<16xf32>,
            %parallel_loop3A_442 = arith.constant 1 : i32
            %parallel_loop3A_443 = arith.index_cast %parallel_loop3A_442 : i32 to index
            %parallel_loop3A_444 = arith.index_cast %parallel_loop3A_270 : i32 to index
            %parallel_loop3A_445 = arith.constant 80 : index
            %parallel_loop3A_446 = tpu.vector_load %arg7[%parallel_loop3A_443, %parallel_loop3A_444, %parallel_loop3A_445] {strides = array<i32>} : memref<2x64x128xf32, #tpu.memory_space<vmem>>, vector<1x1x16xf32>,
            %parallel_loop3A_447 = vector.shape_cast %parallel_loop3A_446 : vector<1x1x16xf32> to vector<16xf32>
            %parallel_loop3A_448 = arith.constant 1 : i32
            %parallel_loop3A_449 = arith.index_cast %parallel_loop3A_448 : i32 to index
            %parallel_loop3A_450 = arith.index_cast %parallel_loop3A_270 : i32 to index
            %parallel_loop3A_451 = arith.constant 80 : index
            %parallel_loop3A_452 = tpu.vector_load %arg8[%parallel_loop3A_449, %parallel_loop3A_450, %parallel_loop3A_451] {strides = array<i32>} : memref<2x64x128xf32, #tpu.memory_space<vmem>>, vector<1x1x16xf32>,
            %parallel_loop3A_453 = vector.shape_cast %parallel_loop3A_452 : vector<1x1x16xf32> to vector<16xf32>
            %parallel_loop3A_454 = arith.constant 0.000000e+00 : f32
            %parallel_loop3A_455 = vector.broadcast %parallel_loop3A_454 : f32 to vector<16xf32>
            %parallel_loop3A_456 = arith.select %parallel_loop3A_274, %parallel_loop3A_447, %parallel_loop3A_455 : vector<16xf32>
            %parallel_loop3A_457 = arith.mulf %parallel_loop3A_447, %parallel_loop3A_453 : vector<16xf32>
            %parallel_loop3A_458 = arith.constant 0.000000e+00 : f32
            %parallel_loop3A_459 = vector.broadcast %parallel_loop3A_458 : f32 to vector<16xf32>
            %parallel_loop3A_460 = arith.select %parallel_loop3A_274, %parallel_loop3A_457, %parallel_loop3A_459 : vector<16xf32>
            %parallel_loop3A_461 = arith.constant 80 : i32
            %parallel_loop3A_462 = arith.addi %parallel_loop3A_286, %parallel_loop3A_461 : i32
            %parallel_loop3A_463 = arith.index_cast %parallel_loop3A_462 : i32 to index
            %parallel_loop3A_464 = tpu.vector_load %arg11[%parallel_loop3A_463] {strides = array<i32>} : memref<40960xf32, #tpu.memory_space<vmem>>, vector<16xf32>,
            %parallel_loop3A_465 = vector.shape_cast %parallel_loop3A_464 : vector<16xf32> to vector<16xf32>
            %parallel_loop3A_466 = vector.shape_cast %parallel_loop3A_456 : vector<16xf32> to vector<16xf32>
            tpu.vector_store %arg11[%parallel_loop3A_463], %parallel_loop3A_466 {add = true, strides = array<i32>} : memref<40960xf32, #tpu.memory_space<vmem>>, vector<16xf32>,
            %parallel_loop3A_467 = arith.constant 80 : i32
            %parallel_loop3A_468 = arith.addi %parallel_loop3A_286, %parallel_loop3A_467 : i32
            %parallel_loop3A_469 = arith.index_cast %parallel_loop3A_468 : i32 to index
            %parallel_loop3A_470 = tpu.vector_load %arg10[%parallel_loop3A_469] {strides = array<i32>} : memref<40960xf32, #tpu.memory_space<vmem>>, vector<16xf32>,
            %parallel_loop3A_471 = vector.shape_cast %parallel_loop3A_470 : vector<16xf32> to vector<16xf32>
            %parallel_loop3A_472 = vector.shape_cast %parallel_loop3A_460 : vector<16xf32> to vector<16xf32>
            tpu.vector_store %arg10[%parallel_loop3A_469], %parallel_loop3A_472 {add = true, strides = array<i32>} : memref<40960xf32, #tpu.memory_space<vmem>>, vector<16xf32>,
            %parallel_loop3A_473 = arith.constant 1 : i32
            %parallel_loop3A_474 = arith.index_cast %parallel_loop3A_473 : i32 to index
            %parallel_loop3A_475 = arith.index_cast %parallel_loop3A_270 : i32 to index
            %parallel_loop3A_476 = arith.constant 96 : index
            %parallel_loop3A_477 = tpu.vector_load %arg7[%parallel_loop3A_474, %parallel_loop3A_475, %parallel_loop3A_476] {strides = array<i32>} : memref<2x64x128xf32, #tpu.memory_space<vmem>>, vector<1x1x16xf32>,
            %parallel_loop3A_478 = vector.shape_cast %parallel_loop3A_477 : vector<1x1x16xf32> to vector<16xf32>
            %parallel_loop3A_479 = arith.constant 1 : i32
            %parallel_loop3A_480 = arith.index_cast %parallel_loop3A_479 : i32 to index
            %parallel_loop3A_481 = arith.index_cast %parallel_loop3A_270 : i32 to index
            %parallel_loop3A_482 = arith.constant 96 : index
            %parallel_loop3A_483 = tpu.vector_load %arg8[%parallel_loop3A_480, %parallel_loop3A_481, %parallel_loop3A_482] {strides = array<i32>} : memref<2x64x128xf32, #tpu.memory_space<vmem>>, vector<1x1x16xf32>,
            %parallel_loop3A_484 = vector.shape_cast %parallel_loop3A_483 : vector<1x1x16xf32> to vector<16xf32>
            %parallel_loop3A_485 = arith.constant 0.000000e+00 : f32
            %parallel_loop3A_486 = vector.broadcast %parallel_loop3A_485 : f32 to vector<16xf32>
            %parallel_loop3A_487 = arith.select %parallel_loop3A_274, %parallel_loop3A_478, %parallel_loop3A_486 : vector<16xf32>
            %parallel_loop3A_488 = arith.mulf %parallel_loop3A_478, %parallel_loop3A_484 : vector<16xf32>
            %parallel_loop3A_489 = arith.constant 0.000000e+00 : f32
            %parallel_loop3A_490 = vector.broadcast %parallel_loop3A_489 : f32 to vector<16xf32>
            %parallel_loop3A_491 = arith.select %parallel_loop3A_274, %parallel_loop3A_488, %parallel_loop3A_490 : vector<16xf32>
            %parallel_loop3A_492 = arith.constant 96 : i32
            %parallel_loop3A_493 = arith.addi %parallel_loop3A_286, %parallel_loop3A_492 : i32
            %parallel_loop3A_494 = arith.index_cast %parallel_loop3A_493 : i32 to index
            %parallel_loop3A_495 = tpu.vector_load %arg11[%parallel_loop3A_494] {strides = array<i32>} : memref<40960xf32, #tpu.memory_space<vmem>>, vector<16xf32>,
            %parallel_loop3A_496 = vector.shape_cast %parallel_loop3A_495 : vector<16xf32> to vector<16xf32>
            %parallel_loop3A_497 = vector.shape_cast %parallel_loop3A_487 : vector<16xf32> to vector<16xf32>
            tpu.vector_store %arg11[%parallel_loop3A_494], %parallel_loop3A_497 {add = true, strides = array<i32>} : memref<40960xf32, #tpu.memory_space<vmem>>, vector<16xf32>,
            %parallel_loop3A_498 = arith.constant 96 : i32
            %parallel_loop3A_499 = arith.addi %parallel_loop3A_286, %parallel_loop3A_498 : i32
            %parallel_loop3A_500 = arith.index_cast %parallel_loop3A_499 : i32 to index
            %parallel_loop3A_501 = tpu.vector_load %arg10[%parallel_loop3A_500] {strides = array<i32>} : memref<40960xf32, #tpu.memory_space<vmem>>, vector<16xf32>,
            %parallel_loop3A_502 = vector.shape_cast %parallel_loop3A_501 : vector<16xf32> to vector<16xf32>
            %parallel_loop3A_503 = vector.shape_cast %parallel_loop3A_491 : vector<16xf32> to vector<16xf32>
            tpu.vector_store %arg10[%parallel_loop3A_500], %parallel_loop3A_503 {add = true, strides = array<i32>} : memref<40960xf32, #tpu.memory_space<vmem>>, vector<16xf32>,
            %parallel_loop3A_504 = arith.constant 1 : i32
            %parallel_loop3A_505 = arith.index_cast %parallel_loop3A_504 : i32 to index
            %parallel_loop3A_506 = arith.index_cast %parallel_loop3A_270 : i32 to index
            %parallel_loop3A_507 = arith.constant 112 : index
            %parallel_loop3A_508 = tpu.vector_load %arg7[%parallel_loop3A_505, %parallel_loop3A_506, %parallel_loop3A_507] {strides = array<i32>} : memref<2x64x128xf32, #tpu.memory_space<vmem>>, vector<1x1x16xf32>,
            %parallel_loop3A_509 = vector.shape_cast %parallel_loop3A_508 : vector<1x1x16xf32> to vector<16xf32>
            %parallel_loop3A_510 = arith.constant 1 : i32
            %parallel_loop3A_511 = arith.index_cast %parallel_loop3A_510 : i32 to index
            %parallel_loop3A_512 = arith.index_cast %parallel_loop3A_270 : i32 to index
            %parallel_loop3A_513 = arith.constant 112 : index
            %parallel_loop3A_514 = tpu.vector_load %arg8[%parallel_loop3A_511, %parallel_loop3A_512, %parallel_loop3A_513] {strides = array<i32>} : memref<2x64x128xf32, #tpu.memory_space<vmem>>, vector<1x1x16xf32>,
            %parallel_loop3A_515 = vector.shape_cast %parallel_loop3A_514 : vector<1x1x16xf32> to vector<16xf32>
            %parallel_loop3A_516 = arith.constant 0.000000e+00 : f32
            %parallel_loop3A_517 = vector.broadcast %parallel_loop3A_516 : f32 to vector<16xf32>
            %parallel_loop3A_518 = arith.select %parallel_loop3A_274, %parallel_loop3A_509, %parallel_loop3A_517 : vector<16xf32>
            %parallel_loop3A_519 = arith.mulf %parallel_loop3A_509, %parallel_loop3A_515 : vector<16xf32>
            %parallel_loop3A_520 = arith.constant 0.000000e+00 : f32
            %parallel_loop3A_521 = vector.broadcast %parallel_loop3A_520 : f32 to vector<16xf32>
            %parallel_loop3A_522 = arith.select %parallel_loop3A_274, %parallel_loop3A_519, %parallel_loop3A_521 : vector<16xf32>
            %parallel_loop3A_523 = arith.constant 112 : i32
            %parallel_loop3A_524 = arith.addi %parallel_loop3A_286, %parallel_loop3A_523 : i32
            %parallel_loop3A_525 = arith.index_cast %parallel_loop3A_524 : i32 to index
            %parallel_loop3A_526 = tpu.vector_load %arg11[%parallel_loop3A_525] {strides = array<i32>} : memref<40960xf32, #tpu.memory_space<vmem>>, vector<16xf32>,
            %parallel_loop3A_527 = vector.shape_cast %parallel_loop3A_526 : vector<16xf32> to vector<16xf32>
            %parallel_loop3A_528 = vector.shape_cast %parallel_loop3A_518 : vector<16xf32> to vector<16xf32>
            tpu.vector_store %arg11[%parallel_loop3A_525], %parallel_loop3A_528 {add = true, strides = array<i32>} : memref<40960xf32, #tpu.memory_space<vmem>>, vector<16xf32>,
            %parallel_loop3A_529 = arith.constant 112 : i32
            %parallel_loop3A_530 = arith.addi %parallel_loop3A_286, %parallel_loop3A_529 : i32
            %parallel_loop3A_531 = arith.index_cast %parallel_loop3A_530 : i32 to index
            %parallel_loop3A_532 = tpu.vector_load %arg10[%parallel_loop3A_531] {strides = array<i32>} : memref<40960xf32, #tpu.memory_space<vmem>>, vector<16xf32>,
            %parallel_loop3A_533 = vector.shape_cast %parallel_loop3A_532 : vector<16xf32> to vector<16xf32>
            %parallel_loop3A_534 = vector.shape_cast %parallel_loop3A_522 : vector<16xf32> to vector<16xf32>
            tpu.vector_store %arg10[%parallel_loop3A_531], %parallel_loop3A_534 {add = true, strides = array<i32>} : memref<40960xf32, #tpu.memory_space<vmem>>, vector<16xf32>,
          } {sc.loop_unroll_factor = 4 : i64, sc.parallel_access}
        } else {
        }
        %while3A_194 = arith.constant 0 : i32
        scf.yield %while3A_194 : i32
      }
    } else {
    }
    %scan3A_44 = arith.constant 0 : i32
    %scan3A_45 = arith.constant 0 : i32
    %scan3A_46 = arith.constant 2560 : i32
    %scan3A_47 = arith.addi %scan3A_45, %scan3A_46 : i32
    %scan3A_48 = arith.constant 4 : i32
    %scan3A_49 = scf.for %scan3A_53 = %scan3A_45 to %scan3A_47 step %scan3A_48 iter_args(%scan3A_54 = %scan3A_44) -> (i32)  : i32 {
      %mul3A_55 = arith.constant 16 : i32
      %mul3A_56 = arith.muli %scan3A_53, %mul3A_55 : i32
      %get3A_57 = arith.index_cast %mul3A_56 : i32 to index
      %get3A_58 = tpu.vector_load %arg10[%get3A_57] {strides = array<i32>} : memref<40960xf32, #tpu.memory_space<vmem>>, vector<16xf32>,
      %get3A_59 = vector.shape_cast %get3A_58 : vector<16xf32> to vector<16xf32>
      %mul3A_60 = arith.constant 16 : i32
      %mul3A_61 = arith.muli %scan3A_53, %mul3A_60 : i32
      %get3A_62 = arith.index_cast %mul3A_61 : i32 to index
      %get3A_63 = tpu.vector_load %arg11[%get3A_62] {strides = array<i32>} : memref<40960xf32, #tpu.memory_space<vmem>>, vector<16xf32>,
      %get3A_64 = vector.shape_cast %get3A_63 : vector<16xf32> to vector<16xf32>
      %add3A_65 = arith.constant 1.000000e-16 : f32
      %add3A_66 = vector.broadcast %add3A_65 : f32 to vector<16xf32>
      %add3A_67 = arith.addf %get3A_64, %add3A_66 : vector<16xf32>
      %div3A_68 = arith.divf %get3A_59, %add3A_67 : vector<16xf32>
      %mul3A_69 = arith.constant 16 : i32
      %mul3A_70 = arith.muli %scan3A_53, %mul3A_69 : i32
      %swap3A = arith.index_cast %mul3A_70 : i32 to index
      %swap3A_71 = tpu.vector_load %arg10[%swap3A] {strides = array<i32>} : memref<40960xf32, #tpu.memory_space<vmem>>, vector<16xf32>,
      %swap3A_72 = vector.shape_cast %swap3A_71 : vector<16xf32> to vector<16xf32>
      %swap3A_73 = vector.shape_cast %div3A_68 : vector<16xf32> to vector<16xf32>
      tpu.vector_store %arg10[%swap3A], %swap3A_73 {strides = array<i32>} : memref<40960xf32, #tpu.memory_space<vmem>>, vector<16xf32>,
      %scan3A_74 = arith.constant 0 : i32
      %scan3A_75 = arith.constant 1 : i32
      %scan3A_76 = arith.addi %scan3A_53, %scan3A_75 : i32
      %mul3A_77 = arith.constant 16 : i32
      %mul3A_78 = arith.muli %scan3A_76, %mul3A_77 : i32
      %get3A_79 = arith.index_cast %mul3A_78 : i32 to index
      %get3A_80 = tpu.vector_load %arg10[%get3A_79] {strides = array<i32>} : memref<40960xf32, #tpu.memory_space<vmem>>, vector<16xf32>,
      %get3A_81 = vector.shape_cast %get3A_80 : vector<16xf32> to vector<16xf32>
      %mul3A_82 = arith.constant 16 : i32
      %mul3A_83 = arith.muli %scan3A_76, %mul3A_82 : i32
      %get3A_84 = arith.index_cast %mul3A_83 : i32 to index
      %get3A_85 = tpu.vector_load %arg11[%get3A_84] {strides = array<i32>} : memref<40960xf32, #tpu.memory_space<vmem>>, vector<16xf32>,
      %get3A_86 = vector.shape_cast %get3A_85 : vector<16xf32> to vector<16xf32>
      %add3A_87 = arith.constant 1.000000e-16 : f32
      %add3A_88 = vector.broadcast %add3A_87 : f32 to vector<16xf32>
      %add3A_89 = arith.addf %get3A_86, %add3A_88 : vector<16xf32>
      %div3A_90 = arith.divf %get3A_81, %add3A_89 : vector<16xf32>
      %mul3A_91 = arith.constant 16 : i32
      %mul3A_92 = arith.muli %scan3A_76, %mul3A_91 : i32
      %swap3A_93 = arith.index_cast %mul3A_92 : i32 to index
      %swap3A_94 = tpu.vector_load %arg10[%swap3A_93] {strides = array<i32>} : memref<40960xf32, #tpu.memory_space<vmem>>, vector<16xf32>,
      %swap3A_95 = vector.shape_cast %swap3A_94 : vector<16xf32> to vector<16xf32>
      %swap3A_96 = vector.shape_cast %div3A_90 : vector<16xf32> to vector<16xf32>
      tpu.vector_store %arg10[%swap3A_93], %swap3A_96 {strides = array<i32>} : memref<40960xf32, #tpu.memory_space<vmem>>, vector<16xf32>,
      %scan3A_97 = arith.constant 0 : i32
      %scan3A_98 = arith.constant 2 : i32
      %scan3A_99 = arith.addi %scan3A_53, %scan3A_98 : i32
      %mul3A_100 = arith.constant 16 : i32
      %mul3A_101 = arith.muli %scan3A_99, %mul3A_100 : i32
      %get3A_102 = arith.index_cast %mul3A_101 : i32 to index
      %get3A_103 = tpu.vector_load %arg10[%get3A_102] {strides = array<i32>} : memref<40960xf32, #tpu.memory_space<vmem>>, vector<16xf32>,
      %get3A_104 = vector.shape_cast %get3A_103 : vector<16xf32> to vector<16xf32>
      %mul3A_105 = arith.constant 16 : i32
      %mul3A_106 = arith.muli %scan3A_99, %mul3A_105 : i32
      %get3A_107 = arith.index_cast %mul3A_106 : i32 to index
      %get3A_108 = tpu.vector_load %arg11[%get3A_107] {strides = array<i32>} : memref<40960xf32, #tpu.memory_space<vmem>>, vector<16xf32>,
      %get3A_109 = vector.shape_cast %get3A_108 : vector<16xf32> to vector<16xf32>
      %add3A_110 = arith.constant 1.000000e-16 : f32
      %add3A_111 = vector.broadcast %add3A_110 : f32 to vector<16xf32>
      %add3A_112 = arith.addf %get3A_109, %add3A_111 : vector<16xf32>
      %div3A_113 = arith.divf %get3A_104, %add3A_112 : vector<16xf32>
      %mul3A_114 = arith.constant 16 : i32
      %mul3A_115 = arith.muli %scan3A_99, %mul3A_114 : i32
      %swap3A_116 = arith.index_cast %mul3A_115 : i32 to index
      %swap3A_117 = tpu.vector_load %arg10[%swap3A_116] {strides = array<i32>} : memref<40960xf32, #tpu.memory_space<vmem>>, vector<16xf32>,
      %swap3A_118 = vector.shape_cast %swap3A_117 : vector<16xf32> to vector<16xf32>
      %swap3A_119 = vector.shape_cast %div3A_113 : vector<16xf32> to vector<16xf32>
      tpu.vector_store %arg10[%swap3A_116], %swap3A_119 {strides = array<i32>} : memref<40960xf32, #tpu.memory_space<vmem>>, vector<16xf32>,
      %scan3A_120 = arith.constant 0 : i32
      %scan3A_121 = arith.constant 3 : i32
      %scan3A_122 = arith.addi %scan3A_53, %scan3A_121 : i32
      %mul3A_123 = arith.constant 16 : i32
      %mul3A_124 = arith.muli %scan3A_122, %mul3A_123 : i32
      %get3A_125 = arith.index_cast %mul3A_124 : i32 to index
      %get3A_126 = tpu.vector_load %arg10[%get3A_125] {strides = array<i32>} : memref<40960xf32, #tpu.memory_space<vmem>>, vector<16xf32>,
      %get3A_127 = vector.shape_cast %get3A_126 : vector<16xf32> to vector<16xf32>
      %mul3A_128 = arith.constant 16 : i32
      %mul3A_129 = arith.muli %scan3A_122, %mul3A_128 : i32
      %get3A_130 = arith.index_cast %mul3A_129 : i32 to index
      %get3A_131 = tpu.vector_load %arg11[%get3A_130] {strides = array<i32>} : memref<40960xf32, #tpu.memory_space<vmem>>, vector<16xf32>,
      %get3A_132 = vector.shape_cast %get3A_131 : vector<16xf32> to vector<16xf32>
      %add3A_133 = arith.constant 1.000000e-16 : f32
      %add3A_134 = vector.broadcast %add3A_133 : f32 to vector<16xf32>
      %add3A_135 = arith.addf %get3A_132, %add3A_134 : vector<16xf32>
      %div3A_136 = arith.divf %get3A_127, %add3A_135 : vector<16xf32>
      %mul3A_137 = arith.constant 16 : i32
      %mul3A_138 = arith.muli %scan3A_122, %mul3A_137 : i32
      %swap3A_139 = arith.index_cast %mul3A_138 : i32 to index
      %swap3A_140 = tpu.vector_load %arg10[%swap3A_139] {strides = array<i32>} : memref<40960xf32, #tpu.memory_space<vmem>>, vector<16xf32>,
      %swap3A_141 = vector.shape_cast %swap3A_140 : vector<16xf32> to vector<16xf32>
      %swap3A_142 = vector.shape_cast %div3A_136 : vector<16xf32> to vector<16xf32>
      tpu.vector_store %arg10[%swap3A_139], %swap3A_142 {strides = array<i32>} : memref<40960xf32, #tpu.memory_space<vmem>>, vector<16xf32>,
      %scan3A_143 = arith.constant 0 : i32
      scf.yield %scan3A_143 : i32
    }
    %scan3A_50 = arith.constant 2560 : i32
    %mul3A_51 = arith.constant 128 : i32
    %mul3A_52 = arith.muli %mul3A_11, %mul3A_51 : i32
    "tpu.region"() ({
      %run_scoped3A = tpu.sem_alloc : memref<!tpu.dma_semaphore, #tpu.memory_space<semaphore_mem>>
      %dma_start3A = tpu.memref_slice %arg6[%mul3A_52] : memref<1310720xf32, #tpu.memory_space<hbm>> -> memref<40960xf32, #tpu.memory_space<hbm>>
      %dma_start3A_53 = tpu.memref_slice %arg6[%mul3A_52] : memref<1310720xf32, #tpu.memory_space<hbm>> -> memref<40960xf32, #tpu.memory_space<hbm>>
      tpu.enqueue_dma source(%arg10 : memref<40960xf32, #tpu.memory_space<vmem>>) target(%dma_start3A_53 : memref<40960xf32, #tpu.memory_space<hbm>>) target_semaphore(%run_scoped3A : memref<!tpu.dma_semaphore, #tpu.memory_space<semaphore_mem>>)
      %dma_wait3A = tpu.memref_slice %arg6[%mul3A_52] : memref<1310720xf32, #tpu.memory_space<hbm>> -> memref<40960xf32, #tpu.memory_space<hbm>>
      %dma_wait3A_54 = tpu.memref_slice %arg6[%mul3A_52] : memref<1310720xf32, #tpu.memory_space<hbm>> -> memref<40960xf32, #tpu.memory_space<hbm>>
      tpu.wait_dma2 semaphore(%run_scoped3A : memref<!tpu.dma_semaphore, #tpu.memory_space<semaphore_mem>>) src(%arg10 : memref<40960xf32, #tpu.memory_space<vmem>>) dst(%dma_wait3A_54 : memref<40960xf32, #tpu.memory_space<hbm>>)
      tpu.yield
    }) : () -> ()
    return
  }
}

module attributes {stable_mosaic.version = 14 : i64} {
  func.func @_tc_body(%arg0: i32, %arg1: memref<800x128xf32, #tpu.memory_space<vmem>>, %arg2: memref<128x128xf32, #tpu.memory_space<vmem>>, %arg3: memref<1x128xf32, #tpu.memory_space<vmem>>, %arg4: memref<1x128xf32, #tpu.memory_space<vmem>>, %arg5: memref<800x128xf32, #tpu.memory_space<vmem>>, %arg6: memref<800x128xf32, #tpu.memory_space<vmem>>) attributes {dimension_semantics = [#tpu.dimension_semantics<arbitrary>], iteration_bounds = array<i64: 400>, scalar_prefetch = 0 : i64, scratch_operands = 0 : i64, tpu.core_type = #tpu.core_type<tc>, window_params = [{transform_indices = @transform_0, window_bounds = array<i64: 800, 128>}, {pipeline_mode = #tpu.pipeline_mode<synchronous>, transform_indices = @transform_1, window_bounds = array<i64: 128, 128>}, {pipeline_mode = #tpu.pipeline_mode<synchronous>, transform_indices = @transform_2, window_bounds = array<i64: 1, 128>}, {pipeline_mode = #tpu.pipeline_mode<synchronous>, transform_indices = @transform_3, window_bounds = array<i64: 1, 128>}, {transform_indices = @transform_4, window_bounds = array<i64: 800, 128>}, {transform_indices = @transform_5, window_bounds = array<i64: 800, 128>}]} {
    %get3A = arith.constant 0 : index
    %get3A_0 = arith.constant 0 : index
    %get3A_1 = vector.load %arg1[%get3A, %get3A_0] : memref<800x128xf32, #tpu.memory_space<vmem>>, vector<800x128xf32>
    %get3A_2 = arith.constant 0 : index
    %get3A_3 = arith.constant 0 : index
    %get3A_4 = vector.load %arg2[%get3A_2, %get3A_3] : memref<128x128xf32, #tpu.memory_space<vmem>>, vector<128x128xf32>
    %dot_general3A = arith.constant dense<0.000000e+00> : vector<800x128xf32>
    %dot_general3A_5 = tpu.matmul %get3A_1, %get3A_4, %dot_general3A {dimension_numbers = #tpu.dot_dimension_numbers<[1], [1], [0], [0], [0, 0, 1, 0], [], []>, transpose_lhs_hint = false} : vector<800x128xf32>, vector<128x128xf32>, vector<800x128xf32> -> vector<800x128xf32>
    %get3A_6 = arith.constant 0 : index
    %get3A_7 = arith.constant 0 : index
    %get3A_8 = vector.load %arg3[%get3A_6, %get3A_7] : memref<1x128xf32, #tpu.memory_space<vmem>>, vector<1x128xf32>
    %add3A = vector.broadcast %get3A_8 : vector<1x128xf32> to vector<800x128xf32>
    %add3A_9 = arith.addf %dot_general3A_5, %add3A : vector<800x128xf32>
    %iota3A = tpu.iota {dimensions = array<i32: 0>} : vector<128x4xi32>
    %iota3A_10 = tpu.iota {dimensions = array<i32: 1>} : vector<128x4xi32>
    %jit3A = arith.constant 32 : i32
    %div3A = vector.broadcast %jit3A : i32 to vector<128x4xi32>
    %div3A_11 = arith.divsi %iota3A, %div3A : vector<128x4xi32>
    %sign3A = arith.constant 0 : i32
    %sign3A_12 = vector.broadcast %sign3A : i32 to vector<128x4xi32>
    %sign3A_13 = arith.cmpi sgt, %iota3A, %sign3A_12 : vector<128x4xi32>
    %sign3A_14 = arith.extui %sign3A_13 : vector<128x4xi1> to vector<128x4xi32>
    %sign3A_15 = arith.constant 0 : i32
    %sign3A_16 = vector.broadcast %sign3A_15 : i32 to vector<128x4xi32>
    %sign3A_17 = arith.cmpi slt, %iota3A, %sign3A_16 : vector<128x4xi32>
    %sign3A_18 = arith.extui %sign3A_17 : vector<128x4xi1> to vector<128x4xi32>
    %sign3A_19 = arith.subi %sign3A_14, %sign3A_18 : vector<128x4xi32>
    %sign3A_20 = arith.constant 0 : i32
    %sign3A_21 = arith.cmpi sgt, %jit3A, %sign3A_20 : i32
    %sign3A_22 = arith.extui %sign3A_21 : i1 to i32
    %sign3A_23 = arith.constant 0 : i32
    %sign3A_24 = arith.cmpi slt, %jit3A, %sign3A_23 : i32
    %sign3A_25 = arith.extui %sign3A_24 : i1 to i32
    %sign3A_26 = arith.subi %sign3A_22, %sign3A_25 : i32
    %ne3A = vector.broadcast %sign3A_26 : i32 to vector<128x4xi32>
    %ne3A_27 = arith.cmpi ne, %sign3A_19, %ne3A : vector<128x4xi32>
    %rem3A = vector.broadcast %jit3A : i32 to vector<128x4xi32>
    %rem3A_28 = arith.remsi %iota3A, %rem3A : vector<128x4xi32>
    %ne3A_29 = arith.constant 0 : i32
    %ne3A_30 = vector.broadcast %ne3A_29 : i32 to vector<128x4xi32>
    %ne3A_31 = arith.cmpi ne, %rem3A_28, %ne3A_30 : vector<128x4xi32>
    %and3A = arith.andi %ne3A_27, %ne3A_31 : vector<128x4xi1>
    %sub3A = arith.constant 1 : i32
    %sub3A_32 = vector.broadcast %sub3A : i32 to vector<128x4xi32>
    %sub3A_33 = arith.subi %div3A_11, %sub3A_32 : vector<128x4xi32>
    %select_n3A = arith.select %and3A, %sub3A_33, %div3A_11 : vector<128x4xi1>, vector<128x4xi32>
    %eq3A = arith.cmpi eq, %select_n3A, %iota3A_10 : vector<128x4xi32>
    %convert_element_type3A = arith.extui %eq3A : vector<128x4xi1> to vector<128x4xi32>
    %convert_element_type3A_34 = arith.sitofp %convert_element_type3A : vector<128x4xi32> to vector<128x4xf32>
    %dot_general3A_35 = arith.constant dense<0.000000e+00> : vector<800x4xf32>
    %dot_general3A_36 = tpu.matmul %add3A_9, %convert_element_type3A_34, %dot_general3A_35 {dimension_numbers = #tpu.dot_dimension_numbers<[1], [0], [0], [1], [0, 0, 1, 1], [], []>, transpose_lhs_hint = false} : vector<800x128xf32>, vector<128x4xf32>, vector<800x4xf32> -> vector<800x4xf32>
    %mul3A = arith.mulf %add3A_9, %add3A_9 : vector<800x128xf32>
    %dot_general3A_37 = arith.constant dense<0.000000e+00> : vector<800x4xf32>
    %dot_general3A_38 = tpu.matmul %mul3A, %convert_element_type3A_34, %dot_general3A_37 {dimension_numbers = #tpu.dot_dimension_numbers<[1], [0], [0], [1], [0, 0, 1, 1], [], []>, transpose_lhs_hint = false} : vector<800x128xf32>, vector<128x4xf32>, vector<800x4xf32> -> vector<800x4xf32>
    %mul3A_39 = arith.constant 3.125000e-02 : f32
    %mul3A_40 = vector.broadcast %mul3A_39 : f32 to vector<800x4xf32>
    %mul3A_41 = arith.mulf %dot_general3A_36, %mul3A_40 : vector<800x4xf32>
    %mul3A_42 = arith.constant 3.125000e-02 : f32
    %mul3A_43 = vector.broadcast %mul3A_42 : f32 to vector<800x4xf32>
    %mul3A_44 = arith.mulf %dot_general3A_38, %mul3A_43 : vector<800x4xf32>
    %mul3A_45 = arith.mulf %mul3A_41, %mul3A_41 : vector<800x4xf32>
    %sub3A_46 = arith.subf %mul3A_44, %mul3A_45 : vector<800x4xf32>
    %add3A_47 = arith.constant 9.99999974E-6 : f32
    %add3A_48 = vector.broadcast %add3A_47 : f32 to vector<800x4xf32>
    %add3A_49 = arith.addf %sub3A_46, %add3A_48 : vector<800x4xf32>
    %rsqrt3A = math.rsqrt %add3A_49 : vector<800x4xf32>
    %dot_general3A_50 = arith.constant dense<0.000000e+00> : vector<800x128xf32>
    %dot_general3A_51 = tpu.matmul %mul3A_41, %convert_element_type3A_34, %dot_general3A_50 {dimension_numbers = #tpu.dot_dimension_numbers<[1], [1], [0], [0], [0, 0, 1, 0], [], []>, transpose_lhs_hint = false} : vector<800x4xf32>, vector<128x4xf32>, vector<800x128xf32> -> vector<800x128xf32>
    %dot_general3A_52 = arith.constant dense<0.000000e+00> : vector<800x128xf32>
    %dot_general3A_53 = tpu.matmul %rsqrt3A, %convert_element_type3A_34, %dot_general3A_52 {dimension_numbers = #tpu.dot_dimension_numbers<[1], [1], [0], [0], [0, 0, 1, 0], [], []>, transpose_lhs_hint = false} : vector<800x4xf32>, vector<128x4xf32>, vector<800x128xf32> -> vector<800x128xf32>
    %sub3A_54 = arith.subf %add3A_9, %dot_general3A_51 : vector<800x128xf32>
    %mul3A_55 = arith.mulf %sub3A_54, %dot_general3A_53 : vector<800x128xf32>
    %get3A_56 = arith.constant 0 : index
    %get3A_57 = arith.constant 0 : index
    %get3A_58 = vector.load %arg4[%get3A_56, %get3A_57] : memref<1x128xf32, #tpu.memory_space<vmem>>, vector<1x128xf32>
    %mul3A_59 = vector.broadcast %get3A_58 : vector<1x128xf32> to vector<800x128xf32>
    %mul3A_60 = arith.mulf %mul3A_55, %mul3A_59 : vector<800x128xf32>
    %exp3A = math.exp %mul3A_60 : vector<800x128xf32>
    %swap3A = arith.constant 0 : index
    %swap3A_61 = arith.constant 0 : index
    %swap3A_62 = vector.load %arg5[%swap3A, %swap3A_61] : memref<800x128xf32, #tpu.memory_space<vmem>>, vector<800x128xf32>
    tpu.vector_store %arg5[%swap3A, %swap3A_61], %exp3A {strides = array<i32>} : memref<800x128xf32, #tpu.memory_space<vmem>>, vector<800x128xf32>,
    %swap3A_63 = arith.constant 0 : index
    %swap3A_64 = arith.constant 0 : index
    %swap3A_65 = vector.load %arg6[%swap3A_63, %swap3A_64] : memref<800x128xf32, #tpu.memory_space<vmem>>, vector<800x128xf32>
    tpu.vector_store %arg6[%swap3A_63, %swap3A_64], %add3A_9 {strides = array<i32>} : memref<800x128xf32, #tpu.memory_space<vmem>>, vector<800x128xf32>,
    return
  }
  func.func @transform_0(%arg0: i32) -> (i32, i32) {
    %c0_i32 = arith.constant 0 : i32
    %c0_i32_0 = arith.constant 0 : i32
    return %arg0, %c0_i32 : i32, i32
  }
  func.func @transform_1(%arg0: i32) -> (i32, i32) {
    %c0_i32 = arith.constant 0 : i32
    %c0_i32_0 = arith.constant 0 : i32
    %c0_i32_1 = arith.constant 0 : i32
    return %c0_i32, %c0_i32_0 : i32, i32
  }
  func.func @transform_2(%arg0: i32) -> (i32, i32) {
    %c0_i32 = arith.constant 0 : i32
    %c0_i32_0 = arith.constant 0 : i32
    %c0_i32_1 = arith.constant 0 : i32
    return %c0_i32, %c0_i32_0 : i32, i32
  }
  func.func @transform_3(%arg0: i32) -> (i32, i32) {
    %c0_i32 = arith.constant 0 : i32
    %c0_i32_0 = arith.constant 0 : i32
    %c0_i32_1 = arith.constant 0 : i32
    return %c0_i32, %c0_i32_0 : i32, i32
  }
  func.func @transform_4(%arg0: i32) -> (i32, i32) {
    %c0_i32 = arith.constant 0 : i32
    %c0_i32_0 = arith.constant 0 : i32
    return %arg0, %c0_i32 : i32, i32
  }
  func.func @transform_5(%arg0: i32) -> (i32, i32) {
    %c0_i32 = arith.constant 0 : i32
    %c0_i32_0 = arith.constant 0 : i32
    return %arg0, %c0_i32 : i32, i32
  }
}

</mosaic_0001>

<sc_bundles>
// kernel: kernel.4.cloned.1.call-start
scs
__scs_entry_jumppad:
0x0: {  	(pc) =	sbr.rel $0x88, $3  }
0x1: {  	(tag) =	ssettag $0x0;
	lr =	simm.s32 $0x1  }
0x2: {  	[smem:$0x3F9B] =	sst lr;
	_ =	strace $0xD0000000  }
0x3: {  	_ = 	snop  }
0x4: {  	_ = 	snop  }
0x5: {  	_ = 	snop  }
0x6: {  	_ = 	snop  }
0x7: {  	_ = 	snop  }
__scs_overlays_trampoline_lowered:
0x8: {  	[smem:$0x3FAA] =	sst s0  }
0x9: {  	[smem:$0x3FAB] =	sst s1  }
0xa: {  	[smem:$0x3FAC] =	sst s2  }
0xb: {  	[smem:$0x3FAD] =	sst s3  }
0xc: {  	[smem:$0x3FAE] =	sst s4  }
0xd: {  	[smem:$0x3FAF] =	sst s5  }
0xe: {  	[smem:$0x3FB0] =	sst s6  }
0xf: {  	[smem:$0x3FB1] =	sst s7  }
0x10: {  	[smem:$0x3FB2] =	sst s8  }
0x11: {  	[smem:$0x3FB3] =	sst s9;
	s0 =	simm.s32 @!p0 $0x0  }
0x12: {  	s1 =	sld [smem:$0x3F99];
	s0 =	simm.s32 @p0 $0x1  }
0x13: {  	[smem:$0x3FB4] =	sst s0;
	s0 =	simm.s32 @!p1 $0x0  }
0x14: {  	s2 =	sld [smem:$0x3F98];
	s0 =	simm.s32 @p1 $0x1  }
0x15: {  	[smem:$0x3FB5] =	sst s0;
	s0 =	simm.s32 @!p2 $0x0  }
0x16: {  	s3 =	sld [smem:$0x3FDB];
	s0 =	simm.s32 @p2 $0x1  }
0x17: {  	s4 =	simm.s32 $0x1BF5;
	[smem:$0x3FB7] =	sst s0  }
0x18: {  	s0 =	sld [smem:$0x3F9A];
	_ =	swait.ge [sflag:s4], $0x0  }
0x19: {  	s7 =	sld [smem:$0x3F9B]  }
0x1a: {  	s8 =	sadd.s32 $0xFFFFE003, lr  }
0x1b: {  	s9 =	sadd.s32 $0xFFFFFEF7, lr;
	s5 =	simm.s32 $0xFFFFFFFF;
	p2 =	slt.u32 s8, $0xFFFFF086  }
0x1c: {  	p1 =	slt.u32 s9, $0xF7A;
	s5 =	simm.s32 @!p2 $0x0  }
0x1d: {  	s5 =	simm.s32 @p1 $0x1;
	p0 =	seq.s32 s7, s2  }
0x1e: {  	s7 =	smul.u32 @!p0 $0xF7A, s2;
	p2 =	seq.s32 @!p0 s5, $0x0  }
0x1f: {  	s9 =	smul.u32 $0xF7A, s1;
	s8 =	simm.s32 @!p0 $0x1BF5;
	p2 =	por !p2, p0  }
0x20: {  	[sflag:s8] =	ssyncset.s32 @!p0 $0xFFFFF086;
	s6 =	sadd.s32 @!p0 s3, s7;
	s7 =	simm.s32 @!p0 $0x108  }
0x21: {  	s3 =	sadd.s32 s3, s9;
	s6 =	sadd.s32 @!p0 $0x88, s6;
	s7 =	simm.s32 @p2 $0x1082  }
0x22: {  	[simem:s7], [sflag:s8] =	dma.local @!p0 [hbm:s6], $0xF7A  }
0x23: {  	s9 =	sor.u32 $0xD0000000, s2;
	s6 =	simm.s32 $0x108;
	_ =	swait.ge @!p0 [sflag:s8], $0x0  }
0x24: {  	s3 =	sadd.s32 $0x88, s3;
	s6 =	simm.s32 @!p1 $0x1082;
	[sflag:s4] =	ssyncset.s32 $0xFFFFF086  }
0x25: {  	[simem:s6], [sflag:s4] =	dma.local [hbm:s3], $0xF7A  }
0x26: {  	[smem:$0x3F9B] =	sst s1;
	(tag) =	ssettag s2;
	_ =	strace s9  }
0x27: {  	s1 =	sld [smem:$0x3FAB]  }
0x28: {  	s2 =	sld [smem:$0x3FAC]  }
0x29: {  	s4 =	sld [smem:$0x3FAE]  }
0x2a: {  	p0 =	seq.s32 s5, $0x0;
	s5 =	sld [smem:$0x3FAF]  }
0x2b: {  	s6 =	sld [smem:$0x3FB0]  }
0x2c: {  	s7 =	sld [smem:$0x3FB1]  }
0x2d: {  	s3 =	simm.s32 $0x108;
	s8 =	sld [smem:$0x3FB2]  }
0x2e: {  	s3 =	simm.s32 @!p0 $0x1082;
	s9 =	sld [smem:$0x3FB3]  }
0x2f: {  	lr =	sadd.s32 s0, s3;
	s0 =	sld [smem:$0x3FAA]  }
0x30: {  	s3 =	sld [smem:$0x3FAD]  }
0x31: {  	[smem:$0x3FB6] =	sst s10  }
0x32: {  	s10 =	sld [smem:$0x3FB4];
	_ =	sdelay $0x3  }
0x33: {  	p0 =	seq.s32 s10, $0x1;
	s10 =	sld [smem:$0x3FB6];
	_ =	sdelay $0x3  }
0x34: {  	[smem:$0x3FB6] =	sst s10  }
0x35: {  	s10 =	sld [smem:$0x3FB5];
	_ =	sdelay $0x3  }
0x36: {  	p1 =	seq.s32 s10, $0x1;
	s10 =	sld [smem:$0x3FB6];
	_ =	sdelay $0x3  }
0x37: {  	[smem:$0x3FB6] =	sst s10  }
0x38: {  	s10 =	sld [smem:$0x3FB7]  }
0x39: {  	_ = 	snop;
	(pc) =	sbr.ind lr, $3  }
0x3a: {  	_ = 	snop  }
0x3b: {  	_ = 	snop  }
0x3c: {  	p2 =	seq.s32 s10, $0x1;
	s10 =	sld [smem:$0x3FB6]  }
0x3d: {  	_ =	shalt  }
0x3e: {  	_ =	shalt  }
0x3f: {  	_ =	shalt  }
0x40: {  	_ =	shalt  }
0x41: {  	_ =	shalt  }
0x42: {  	_ =	shalt  }
0x43: {  	_ =	shalt  }
0x44: {  	_ =	shalt  }
0x45: {  	_ =	shalt  }
0x46: {  	_ =	shalt  }
0x47: {  	_ =	shalt  }
0x48: {  	_ =	shalt  }
0x49: {  	_ =	shalt  }
0x4a: {  	_ =	shalt  }
0x4b: {  	_ =	shalt  }
0x4c: {  	_ =	shalt  }
0x4d: {  	_ =	shalt  }
0x4e: {  	_ =	shalt  }
0x4f: {  	_ =	shalt  }
0x50: {  	_ =	shalt  }
0x51: {  	_ =	shalt  }
0x52: {  	_ =	shalt  }
0x53: {  	_ =	shalt  }
0x54: {  	_ =	shalt  }
0x55: {  	_ =	shalt  }
0x56: {  	_ =	shalt  }
0x57: {  	_ =	shalt  }
0x58: {  	_ =	shalt  }
0x59: {  	_ =	shalt  }
0x5a: {  	_ =	shalt  }
0x5b: {  	_ =	shalt  }
0x5c: {  	_ =	shalt  }
0x5d: {  	_ =	shalt  }
0x5e: {  	_ =	shalt  }
0x5f: {  	_ =	shalt  }
0x60: {  	_ =	shalt  }
0x61: {  	_ =	shalt  }
0x62: {  	_ =	shalt  }
0x63: {  	_ =	shalt  }
0x64: {  	_ =	shalt  }
0x65: {  	_ =	shalt  }
0x66: {  	_ =	shalt  }
0x67: {  	_ =	shalt  }
0x68: {  	_ =	shalt  }
0x69: {  	_ =	shalt  }
0x6a: {  	_ =	shalt  }
0x6b: {  	_ =	shalt  }
0x6c: {  	_ =	shalt  }
0x6d: {  	_ =	shalt  }
0x6e: {  	_ =	shalt  }
0x6f: {  	_ =	shalt  }
0x70: {  	_ =	shalt  }
0x71: {  	_ =	shalt  }
0x72: {  	_ =	shalt  }
0x73: {  	_ =	shalt  }
0x74: {  	_ =	shalt  }
0x75: {  	_ =	shalt  }
0x76: {  	_ =	shalt  }
0x77: {  	_ =	shalt  }
0x78: {  	_ =	shalt  }
0x79: {  	_ =	shalt  }
0x7a: {  	_ =	shalt  }
0x7b: {  	_ =	shalt  }
0x7c: {  	_ =	shalt  }
0x7d: {  	_ =	shalt  }
0x7e: {  	_ =	shalt  }
0x7f: {  	_ =	shalt  }
0x80: {  	_ =	shalt  }
0x81: {  	_ =	shalt  }
0x82: {  	_ =	shalt  }
0x83: {  	_ =	shalt  }
0x84: {  	_ =	shalt  }
0x85: {  	_ =	shalt  }
0x86: {  	_ =	shalt  }
0x87: {  	_ =	shalt  }
.Lfunc_end0:
.L_simem_size_0:
called_computation_lowered:
.L_overlay_start_0:
0x88: {  	s2 =	sld [smem:$0x3FD9]  }
0x89: {  	s3 =	sld [smem:$0x3FFE];
	_ =	sdelay $0x1  }
0x8a: {  	s1 =	srdreg.scid  }
0x8b: {  	s0 =	sand.u32 $0x1, s1  }
0x8c: {  	s17 =	sshll.u32 s0, $0xA;
	s2 =	sadd.s32 s3, s2  }
0x8d: {  	s2 =	sadd.s32 s2, s17  }
0x8e: {  	[smem:$0x3FC2] =	sst s2  }
0x8f: {  	_ = 	snop  }
0x90: {  	s2 =	sld [smem:$0x3FD0];
	(tm) =	ssettm $0x1  }
0x91: {  	s18 =	sld [smem:$0x3FFB];
	_ =	sdelay $0x3  }
0x92: {  	_ =	strace s18  }
0x93: {  	s3 =	sld [smem:$0x3FFC];
	_ =	sdelay $0x3  }
0x94: {  	_ =	strace s3  }
0x95: {  	s3 =	sld [smem:$0x3FFD];
	_ =	sdelay $0x3  }
0x96: {  	_ =	strace s3  }
0x97: {  	_ =	strace $0x8FFFFFFF  }
0x98: {  	s19 =	sld [smem:$0x3FDB];
	_ =	sdelay $0x1  }
0x99: {  	s4 =	simm.s32 $_scs_section_size  }
0x9a: {  	s5 =	simm.s32 $_size__tile_overlayer_lowered;
	s6 =	simm.s32 $_tile_overlayer_lowered  }
0x9b: {  	s22 =	simm.s32 $0x1BFF;
	s21 =	sshll.u32 s6, $0x1;
	s3 =	sadd.s32 s4, s19  }
0x9c: {  	s7 =	simm.s32 $0x0;
	s20 =	sshll.u32 s5, $0x1;
	s5 =	sadd.s32 s21, s3  }
0x9d: {  	[timem:s7], [sflag:s22] =	dma.local [hbm:s5], s20  }
0x9e: {  	_ =	swait.ge [sflag:s22], s20  }
0x9f: {  	s4 =	ssub.s32 $0x0, s20;
	[sflag:s22] =	ssyncset.done $0x0  }
0xa0: {  	[sflag:s22] =	ssyncadd.s32 s4;
	_ =	sdelay $0x1  }
0xa1: {  	s23 =	simm.s32 $0x1B8B  }
0xa2: {  	_ =	swait.ge [sflag:s23], $0x1  }
0xa3: {  	[sflag:s23] =	ssyncset.done $0x0  }
0xa4: {  	s25 =	simm.s32 $0x1B8E;
	s24 =	sld [smem:$0x3FFE];
	[sflag:s23] =	ssyncadd.s32 $0xFFFFFFFF  }
0xa5: {  	s26 =	simm.s32 $execute0_lowered;
	[smem:$0x3FD2] =	sst s25  }
0xa6: {  	s5 =	sshll.u32 s26, $0x1;
	_ =	strace $0x80000046;
	[dreg:$0x1] =	wrdreg $0xFFFFFFFF  }
0xa7: {  	s28 =	simm.s32 $_size_execute0_lowered;
	s3 =	sadd.s32 s3, s5;
	[dreg:$0x0] =	wrdreg $0x0  }
0xa8: {  	s5 =	sshll.u32 s28, $0x1;
	[dreg:$0x2] =	wrdreg s3  }
0xa9: {  	[dreg:$0x3] =	wrdreg s5  }
0xaa: {  	[dreg:$0x4] =	wrdreg $0xC0  }
0xab: {  	_ =	task [dreg:s7], $0x5FFFF  }
0xac: {  	[dreg:$0x1] =	wrdreg $0xFFFFFFFF  }
0xad: {  	[dreg:$0x0] =	wrdreg $0x60  }
0xae: {  	[dreg:$0x2] =	wrdreg s24  }
0xaf: {  	[dreg:$0x3] =	wrdreg s2  }
0xb0: {  	[dreg:$0x4] =	wrdreg $0x9  }
0xb1: {  	_ =	task.clear_ibuf [dreg:s7], $0x5FFFF;
	_ =	strace $0x90000046  }
0xb2: {  	s29 =	simm.s32 $0x9;
	_ =	strace $0x80000048  }
0xb3: {  	_ =	swait.ge [sflag:s29], $0x1  }
0xb4: {  	[sflag:s29] =	ssyncadd.s32 $0xFFFFFFFF  }
0xb5: {  	_ =	strace $0x90000048  }
0xb6: {  	_ =	sfence  }
0xb7: {  	s30 =	sld [smem:$0x0];
	_ =	sdelay $0x2  }
0xb8: {  	s31 =	sshll.u32 s1, $0xD;
	s1 =	sshrl.u32 s1, $0x2  }
0xb9: {  	s3 =	sand.u32 $0x4000, s31;
	s1 =	sadd.s32 s1, s30  }
0xba: {  	s0 =	sor.u32 s3, s0;
	s1 =	sshll.u32 s1, $0x11  }
0xbb: {  	s0 =	sor.u32 s1, s0  }
0xbc: {  	s0 =	sadd.s32 $0x8F2B, s0  }
0xbd: {  	[sflag:s0] =	ssyncadd.remote.s32 $0x1  }
0xbe: {  	_ =	sfence.sel $0xFFFF  }
0xbf: {  	[dreg:$0x0] =	wrdreg $0xFFFFFFFF;
	(pc) =	sbr.abs _section_cstart, $3  }
0xc0: {  	[dreg:$0x1] =	wrdreg $0xFFFFFFFF  }
0xc1: {  	_ =	task.clear_ibuf [dreg:s7], $0x2FFFF;
	_ =	strace $0x9FFFFFFF  }
0xc2: {  	(tm) =	ssettm $0x7FFFFFFF  }
0xc3: {  	_ =	shalt  }
tec
execute0_lowered:
.L_overlay_start_1:
0x0: {  	(tag) =	ssettag $0x1  }
0x1: {  	s0 =	rddreg [dreg:$0x0];
	s2 =	srdreg.scid  }
0x2: {  	s5 =	simm.s32 $0x0;
	s1 =	stileid.u32;
	s13 =	simm.s32 $0x1  }
0x3: {  	s15 =	simm.s32 $0x2;
	s2 =	sand.u32 $0x1, s2;
	[smem:$0x7FF] =	sst s5  }
0x4: {  	s4 =	sadd.s32 $0xA00, s0;
	s7 =	sadd.s32 $0x800, s0;
	s3 =	sshll.u32 s2, $0x4  }
0x5: {  	_ =	strace $0x80000047;
	s2 =	ssub.s32 $0x2, s2;
	s1 =	sor.u32 s1, s3  }
0x6: {  	[dreg:$0x4] =	wrdreg s4;
	s30 =	sshrl.u32 s2, $0x1;
	s3 =	smul.u32 $0x1400, s1  }
0x7: {  	s6 =	sadd.s32 $0x4E2A00, s0;
	[dreg:$0x5] =	wrdreg s7;
	s2 =	ssub.s32 s2, s30  }
0x8: {  	[dreg:$0x3] =	wrdreg s1;
	s31 =	smax.u32 s2, $0x1;
	s0 =	sadd.s32 s3, s0  }
0x9: {  	s8 =	smul.u32 $0x140, s1;
	[dreg:$0x7] =	wrdreg s31;
	s0 =	sadd.s32 $0x9C4A00, s0  }
0xa: {  	v0 =	vimm.f32 $0.0e+00;
	s1 =	simm.s32 $0x0;
	s2 =	simm.s32 $0x3;
	[dreg:$0x6] =	wrdreg s0  }
.LBB2_1:
0xb: {  	[dreg:$0x8] =	wrdreg s1  }
0xc: {  	s0 =	rddreg [dreg:$0x5];
	s29 =	simm.s32 $0x1C100  }
0xd: {  	[tilespmem:s29], [sflag:$0x3] =	stream.linear.gather [hbm4b:s0+s5], $0x80, $0x38;
	[tilespmem:$0x1C180] =	vst v63  }
0xe: {  	_ =	swait.ge [sflag:s2], $0x80  }
0xf: {  	[sflag:s2] =	ssyncset.done $0x0  }
0x10: {  	s30 =	rddreg [dreg:$0x3];
	[sflag:s2] =	ssyncadd.s32 $0xFFFFFF80  }
0x11: {  	s31 =	simm.s32 $0x8120;
	v1 =	vld [tilespmem:s30+$0x1C100]  }
0x12: {  	s0 =	simm.s32 $0x12120;
	v2 =	vld [tilespmem:s30+$0x1C101];
	[tilespmem:s31+$0xFFFFFFE0] =	vst v0  }
0x13: {  	[tilespmem:s0+$0xFFFFFFE0] =	vst v0  }
0x14: {  	[tilespmem:s31+$0xFFFFFFF0] =	vst v0  }
0x15: {  	[tilespmem:s0+$0xFFFFFFF0] =	vst v0  }
0x16: {  	[tilespmem:s31+$0x0] =	vst v0  }
0x17: {  	[tilespmem:s0+$0x0] =	vst v0  }
0x18: {  	[tilespmem:s31+$0x10] =	vst v0  }
0x19: {  	s3 =	simm.s32 $0x8160;
	s2 =	simm.s32 $0x0;
	[tilespmem:s0+$0x10] =	vst v0  }
.LBB2_2:
0x1a: {  	[tilespmem:s3+$0xFFFFFFE0] =	vst v0;
	s0 =	sadd.s32 $0x40, s0  }
0x1b: {  	s2 =	sadd.s32 $0x4, s2;
	[tilespmem:s0+$0xFFFFFFE0] =	vst v0  }
0x1c: {  	p0 =	slt.u32 s2, $0x9FC;
	[tilespmem:s3+$0xFFFFFFF0] =	vst v0  }
.Ltmp0:
0x1d: {  	[tilespmem:s0+$0xFFFFFFF0] =	vst v0;
	(pc) =	sbr.rel @p0 .LBB2_2-.Ltmp0, $4  }
0x1e: {  	[tilespmem:s3+$0x0] =	vst v0  }
0x1f: {  	[tilespmem:s0+$0x0] =	vst v0  }
0x20: {  	[tilespmem:s3+$0x10] =	vst v0  }
0x21: {  	s3 =	sadd.s32 $0x40, s3;
	[tilespmem:s0+$0x10] =	vst v0  }
0x22: {  	(v2sf) =	vpush v1, $0x0;
	_ =	sdelay $0x6  }
0x23: {  	(v2sf) =	vpush v2, $0x0;
	_ =	sdelay $0x7  }
0x24: {  	s17 =	spop (v2sf)  }
0x25: {  	s0 =	sand.u32 $0x7, s17  }
0x26: {  	s2 =	sshra.s32 s17, $0x1F;
	p0 =	slt.s32 s17, $0x1;
	p1 =	sne.s32 s0, $0x0  }
0x27: {  	s30 =	sshrl.u32 s2, $0x1D;
	p0 =	por !p0, !p1  }
0x28: {  	s2 =	simm.s32 $0x1;
	s0 =	sadd.s32 s30, s17;
	p0 =	por !p0, !p0  }
0x29: {  	s0 =	sshrl.u32 s0, $0x3;
	s2 =	simm.s32 @!p0 $0x0  }
0x2a: {  	s0 =	ssub.s32 s0, s2  }
0x2b: {  	s18 =	spop (v2sf);
	s19 =	sshll.u32 s0, $0x3  }
0x2c: {  	s0 =	ssub.s32 s18, s19  }
0x2d: {  	s0 =	sadd.s32 $0x3F, s0  }
0x2e: {  	p0 =	slt.s32 s0, $0x40  }
0x2f: {  	p1 =	slt.s32 @!p0 s19, $0x4E1C0  }
0x30: {  	s2 =	smov.u32 s19;
	p1 =	por !p1, p0  }
0x31: {  	s2 =	simm.s32 @p1 $0x4E1C0  }
0x32: {  	s1 =	rddreg [dreg:$0x4];
	s3 =	sshll.u32 @!p0 s2, $0x4  }
0x33: {  	s7 =	simm.s32 @!p0 $0x0;
	s4 =	sadd.s32 @!p0 s1, s3  }
0x34: {  	[tilespmem:s7], [sflag:$0x1] =	stream.linear.gather @!p0 [hbm4b:s4+s7], $0x2000, $0x38;
	[tilespmem:$0x1C180] =	vst v63  }
0x35: {  	s31 =	sshra.s32 s0, $0x1F;
	s3 =	sadd.s32 @!p0 s6, s3;
	s4 =	simm.s32 @!p0 $0x4000  }
0x36: {  	[tilespmem:s4], [sflag:$0x1] =	stream.linear.gather @!p0 [hbm4b:s3+s7], $0x2000, $0x38;
	[tilespmem:$0x1C180] =	vst v63  }
0x37: {  	s3 =	sshrl.u32 s31, $0x1A  }
0x38: {  	s0 =	sadd.s32 s3, s0  }
0x39: {  	s2 =	sshrl.u32 @!p0 s2, $0x3;
	s20 =	sshra.s32 s0, $0x6;
	s0 =	rddreg [dreg:$0x1]  }
0x3a: {  	s0 =	sadd.s32 @!p0 s0, s2;
	s2 =	simm.s32 @!p0 $0x8000  }
0x3b: {  	[tilespmem:s2], [sflag:$0x1] =	stream.linear.gather @!p0 [hbm4b:s0+s7], $0x40, $0x38;
	[tilespmem:$0x1C180] =	vst v63  }
0x3c: {  	s0 =	sadd.s32 @!p0 $0x1, s20  }
0x3d: {  	s0 =	sshrl.u32 @!p0 s0, $0x1  }
0x3e: {  	p1 =	seq.s32 @!p0 s0, $0x0  }
0x3f: {  	p0 =	por p0, p1  }
.Ltmp1:
0x40: {  	_ = 	snop;
	(pc) =	sbr.rel @p0 .LBB2_12-.Ltmp1, $2  }
0x41: {  	_ =	sdelay $0x2  }
0x42: {  	[dreg:$0x9] =	wrdreg s0  }
.Ltmp2:
0x43: {  	(pc) =	sbr.rel .LBB2_5-.Ltmp2, $2  }
0x44: {  	_ =	sdelay $0x2  }
0x45: {  	s22 =	sadd.s32 $0x40, s19;
	s23 =	simm.s32 $0x0;
	s24 =	smov.u32 s19  }
.LBB2_11:
0x46: {  	s23 =	sadd.s32 $0x1, s23;
	s0 =	rddreg [dreg:$0x9]  }
0x47: {  	p0 =	sne.s32 s23, s0  }
.Ltmp3:
0x48: {  	_ = 	snop;
	(pc) =	sbr.rel @!p0 .LBB2_12-.Ltmp3, $2  }
0x49: {  	_ =	sdelay $0x2  }
0x4a: {  	s24 =	sadd.s32 $0x80, s24;
	s22 =	sadd.s32 $0x80, s22  }
.LBB2_5:
0x4b: {  	_ =	swait.ge [sflag:s13], $0x2000  }
0x4c: {  	s0 =	sshllo.u32 s23, $0x1;
	[sflag:s13] =	ssyncset.done $0x0  }
0x4d: {  	s2 =	sshll.u32 s0, $0x6;
	[sflag:s13] =	ssyncadd.s32 $0xFFFFE000  }
0x4e: {  	p0 =	sge.s32 s0, s20;
	s0 =	sadd.s32 s19, s2;
	_ =	swait.ge [sflag:s13], $0x2000  }
0x4f: {  	p1 =	slt.s32 @!p0 s0, $0x4E1C0;
	[sflag:s13] =	ssyncset.done $0x0  }
0x50: {  	s2 =	smov.u32 s0;
	p1 =	por !p1, p0;
	[sflag:s13] =	ssyncadd.s32 $0xFFFFE000  }
0x51: {  	s7 =	simm.s32 @!p0 $0x0;
	s2 =	simm.s32 @p1 $0x4E1C0;
	_ =	swait.ge [sflag:s13], $0x40  }
0x52: {  	s3 =	sshll.u32 @!p0 s2, $0x4;
	[sflag:s13] =	ssyncset.done $0x0;
	s1 =	rddreg [dreg:$0x4]  }
0x53: {  	s9 =	simm.s32 @!p0 $0x2000;
	[sflag:s13] =	ssyncadd.s32 $0xFFFFFFC0;
	s4 =	sadd.s32 @!p0 s1, s3  }
0x54: {  	[tilespmem:s9], [sflag:$0x2] =	stream.linear.gather @!p0 [hbm4b:s4+s7], $0x2000, $0x38;
	[tilespmem:$0x1C180] =	vst v63  }
0x55: {  	s2 =	sshrl.u32 @!p0 s2, $0x3;
	s3 =	sadd.s32 @!p0 s6, s3;
	s1 =	rddreg [dreg:$0x1]  }
0x56: {  	s4 =	simm.s32 @!p0 $0x6000;
	s2 =	sadd.s32 @!p0 s1, s2;
	s1 =	simm.s32 @!p0 $0x0  }
0x57: {  	[tilespmem:s4], [sflag:$0x2] =	stream.linear.gather @!p0 [hbm4b:s3+s7], $0x2000, $0x38;
	[tilespmem:$0x1C180] =	vst v63  }
0x58: {  	s1 =	simm.s32 @p0 $0x1  }
0x59: {  	s25 =	simm.s32 $0x8002;
	s3 =	simm.s32 @!p0 $0x8080;
	[smem:$0x7FD] =	sst s1  }
0x5a: {  	[tilespmem:s3], [sflag:$0x2] =	stream.linear.gather @!p0 [hbm4b:s2+s7], $0x40, $0x38;
	[tilespmem:$0x1C180] =	vst v63  }
0x5b: {  	v1 =	vld [tilespmem:s25+$0x1];
	_ =	sdelay $0x4  }
0x5c: {  	(v2sf) =	vpush v1, $0x0;
	_ =	sdelay $0x1  }
0x5d: {  	v1 =	vld [tilespmem:s25+$0xFFFFFFFE];
	_ =	sdelay $0x1  }
0x5e: {  	v2 =	vld [tilespmem:s25+$0xFFFFFFFF];
	_ =	sdelay $0x2  }
0x5f: {  	(v2sf) =	vpush v1, $0x0;
	_ =	sdelay $0x1  }
0x60: {  	(v2sf) =	vpush v2, $0x0  }
0x61: {  	s28 =	simm.s32 $0x100;
	s29 =	simm.s32 $0x4100;
	v1 =	vld [tilespmem:s25+$0x0]  }
0x62: {  	s30 =	smov.u32 s24;
	s26 =	sshll.u32 s23, $0x7;
	p1 =	slt.s32 s24, $0x4E1C0;
	v3 =	vld [tilespmem:s29+$0x80]  }
0x63: {  	s31 =	sadd.s32 s19, s26;
	p2 =	slt.s32 s18, s0;
	s30 =	simm.s32 @!p1 $0x4E1C0;
	v2 =	vld [tilespmem:s28+$0x80]  }
0x64: {  	p1 =	sgt.s32 s17, s31;
	s1 =	sadd.s32 $0xFFFFFFFC, s30;
	s25 =	smov.u32 s0  }
0x65: {  	s31 =	smov.u32 @p1 s17;
	s5 =	sadd.s32 $0x7, s1;
	s25 =	smov.u32 @p2 s18  }
0x66: {  	p1 =	sge.s32 s5, s31;
	p2 =	slt.s32 s5, s25;
	(v2sf) =	vpush v1, $0x0;
	s7 =	spop (v2sf)  }
0x67: {  	v4 =	vld [tilespmem:s29+$0xFFFFFF00];
	p1 =	por !p1, !p2;
	s2 =	ssub.s32 s7, s8  }
0x68: {  	v5 =	vld [tilespmem:s28+$0xFFFFFF80];
	p4 =	por !p1, !p1;
	v3 =	vmul.f32 v3, v2;
	s4 =	sshll.u32 s2, $0x7  }
0x69: {  	v1 =	vld [tilespmem:s28+$0xFFFFFF00];
	v2 =	vpsel !p4, $0x0, v2;
	s4 =	simm.s32 @!p4 $0x0  }
0x6a: {  	v3 =	vpsel !p4, $0x0, v3;
	[tilespmem:s4+$0x12100] =	vst.add.f32.msk $0xffff, v2  }
0x6b: {  	s9 =	sadd.s32 $0x4, s1;
	[tilespmem:s4+$0x8100] =	vst.add.f32.msk $0xffff, v3  }
0x6c: {  	s11 =	sadd.s32 $0x5, s1;
	p6 =	sge.s32 s9, s31;
	v2 =	vld [tilespmem:s28+$0x90]  }
0x6d: {  	p3 =	sge.s32 s11, s31;
	p0 =	slt.s32 s9, s25;
	s12 =	spop (v2sf);
	v3 =	vld [tilespmem:s29+$0x90]  }
0x6e: {  	v6 =	vld [tilespmem:s29+$0xFFFFFF80];
	p5 =	slt.s32 s11, s25;
	p1 =	por !p6, !p0;
	v4 =	vmul.f32 v4, v1;
	s14 =	ssub.s32 s12, s8  }
0x6f: {  	v7 =	vld [tilespmem:s28+$0x0];
	p2 =	por !p1, !p1;
	s10 =	spop (v2sf);
	s11 =	sshll.u32 s14, $0x7  }
0x70: {  	v8 =	vld [tilespmem:s29+$0x0];
	p3 =	por !p3, !p5;
	v4 =	vpsel !p2, $0x0, v4;
	s16 =	ssub.s32 s10, s8;
	s11 =	simm.s32 @!p2 $0x0  }
0x71: {  	p1 =	por !p3, !p3;
	v1 =	vpsel !p2, $0x0, v1;
	s2 =	sshll.u32 s16, $0x7;
	[tilespmem:s11+$0x8100] =	vst.add.f32.msk $0xffff, v4  }
0x72: {  	s2 =	simm.s32 @!p1 $0x0;
	v4 =	vpsel !p1, $0x0, v5;
	[tilespmem:s11+$0x12100] =	vst.add.f32.msk $0xffff, v1;
	v1 =	vmul.f32 v3, v2  }
0x73: {  	[tilespmem:s2+$0x12100] =	vst.add.f32.msk $0xffff, v4;
	v2 =	vpsel !p4, $0x0, v2  }
0x74: {  	s3 =	sadd.s32 $0x6, s1;
	[tilespmem:s4+$0x12110] =	vst.add.f32.msk $0xffff, v2;
	v1 =	vpsel !p4, $0x0, v1  }
0x75: {  	p5 =	sge.s32 s3, s31;
	p6 =	slt.s32 s3, s25;
	s21 =	spop (v2sf);
	v2 =	vmul.f32 v6, v5;
	[tilespmem:s4+$0x8110] =	vst.add.f32.msk $0xffff, v1  }
0x76: {  	p3 =	por !p5, !p6;
	s26 =	ssub.s32 s21, s8;
	v1 =	vld [tilespmem:s28+$0xA0]  }
0x77: {  	p3 =	por !p3, !p3;
	s14 =	sshll.u32 s26, $0x7;
	v2 =	vpsel !p1, $0x0, v2;
	v4 =	vld [tilespmem:s29+$0xA0]  }
0x78: {  	v3 =	vmul.f32 v8, v7;
	v5 =	vpsel !p3, $0x0, v7;
	s14 =	simm.s32 @!p3 $0x0;
	[tilespmem:s2+$0x8100] =	vst.add.f32.msk $0xffff, v2  }
0x79: {  	[tilespmem:s14+$0x12100] =	vst.add.f32.msk $0xffff, v5  }
0x7a: {  	v2 =	vpsel !p3, $0x0, v3;
	v3 =	vld [tilespmem:s29+$0xFFFFFF10]  }
0x7b: {  	[tilespmem:s14+$0x8100] =	vst.add.f32.msk $0xffff, v2  }
0x7c: {  	v2 =	vld [tilespmem:s28+$0xFFFFFF10];
	v4 =	vmul.f32 v4, v1  }
0x7d: {  	v5 =	vld [tilespmem:s28+$0xFFFFFF90];
	v1 =	vpsel !p4, $0x0, v1  }
0x7e: {  	[tilespmem:s4+$0x12120] =	vst.add.f32.msk $0xffff, v1;
	v4 =	vpsel !p4, $0x0, v4  }
0x7f: {  	[tilespmem:s4+$0x8120] =	vst.add.f32.msk $0xffff, v4  }
0x80: {  	v1 =	vld [tilespmem:s28+$0xB0]  }
0x81: {  	v4 =	vld [tilespmem:s29+$0xB0]  }
0x82: {  	v6 =	vld [tilespmem:s29+$0xFFFFFF90]  }
0x83: {  	v7 =	vld [tilespmem:s28+$0x10];
	v3 =	vmul.f32 v3, v2  }
0x84: {  	v8 =	vld [tilespmem:s29+$0x10];
	v2 =	vpsel !p2, $0x0, v2  }
0x85: {  	[tilespmem:s11+$0x12110] =	vst.add.f32.msk $0xffff, v2;
	v3 =	vpsel !p2, $0x0, v3  }
0x86: {  	[tilespmem:s11+$0x8110] =	vst.add.f32.msk $0xffff, v3;
	v3 =	vpsel !p1, $0x0, v5;
	v2 =	vmul.f32 v4, v1  }
0x87: {  	[tilespmem:s2+$0x12110] =	vst.add.f32.msk $0xffff, v3;
	v1 =	vpsel !p4, $0x0, v1  }
0x88: {  	[tilespmem:s4+$0x12130] =	vst.add.f32.msk $0xffff, v1;
	v2 =	vpsel !p4, $0x0, v2  }
0x89: {  	v1 =	vmul.f32 v6, v5;
	[tilespmem:s4+$0x8130] =	vst.add.f32.msk $0xffff, v2  }
0x8a: {  	v3 =	vld [tilespmem:s28+$0xC0]  }
0x8b: {  	v1 =	vpsel !p1, $0x0, v1;
	v4 =	vld [tilespmem:s29+$0xC0]  }
0x8c: {  	[tilespmem:s2+$0x8110] =	vst.add.f32.msk $0xffff, v1;
	v1 =	vpsel !p3, $0x0, v7  }
0x8d: {  	v2 =	vmul.f32 v8, v7;
	[tilespmem:s14+$0x12110] =	vst.add.f32.msk $0xffff, v1  }
0x8e: {  	v1 =	vld [tilespmem:s28+$0xFFFFFF20]  }
0x8f: {  	v2 =	vpsel !p3, $0x0, v2;
	v5 =	vld [tilespmem:s28+$0xFFFFFFA0]  }
0x90: {  	[tilespmem:s14+$0x8110] =	vst.add.f32.msk $0xffff, v2;
	v4 =	vmul.f32 v4, v3  }
0x91: {  	v2 =	vld [tilespmem:s29+$0xFFFFFF20];
	v3 =	vpsel !p4, $0x0, v3  }
0x92: {  	[tilespmem:s4+$0x12140] =	vst.add.f32.msk $0xffff, v3;
	v4 =	vpsel !p4, $0x0, v4  }
0x93: {  	[tilespmem:s4+$0x8140] =	vst.add.f32.msk $0xffff, v4  }
0x94: {  	v3 =	vld [tilespmem:s28+$0xD0]  }
0x95: {  	v4 =	vld [tilespmem:s29+$0xD0]  }
0x96: {  	v6 =	vld [tilespmem:s29+$0xFFFFFFA0]  }
0x97: {  	v7 =	vld [tilespmem:s28+$0x20];
	v2 =	vmul.f32 v2, v1  }
0x98: {  	v8 =	vld [tilespmem:s29+$0x20];
	v1 =	vpsel !p2, $0x0, v1  }
0x99: {  	[tilespmem:s11+$0x12120] =	vst.add.f32.msk $0xffff, v1;
	v2 =	vpsel !p2, $0x0, v2  }
0x9a: {  	[tilespmem:s11+$0x8120] =	vst.add.f32.msk $0xffff, v2;
	v2 =	vpsel !p1, $0x0, v5;
	v1 =	vmul.f32 v4, v3  }
0x9b: {  	[tilespmem:s2+$0x12120] =	vst.add.f32.msk $0xffff, v2;
	v2 =	vpsel !p4, $0x0, v3  }
0x9c: {  	[tilespmem:s4+$0x12150] =	vst.add.f32.msk $0xffff, v2;
	v1 =	vpsel !p4, $0x0, v1  }
0x9d: {  	v2 =	vmul.f32 v6, v5;
	[tilespmem:s4+$0x8150] =	vst.add.f32.msk $0xffff, v1  }
0x9e: {  	v3 =	vld [tilespmem:s28+$0xE0]  }
0x9f: {  	v2 =	vpsel !p1, $0x0, v2;
	v4 =	vld [tilespmem:s29+$0xE0]  }
0xa0: {  	v1 =	vmul.f32 v8, v7;
	[tilespmem:s2+$0x8120] =	vst.add.f32.msk $0xffff, v2;
	v2 =	vpsel !p3, $0x0, v7  }
0xa1: {  	[tilespmem:s14+$0x12120] =	vst.add.f32.msk $0xffff, v2  }
0xa2: {  	v1 =	vpsel !p3, $0x0, v1;
	v2 =	vld [tilespmem:s29+$0xFFFFFF30]  }
0xa3: {  	[tilespmem:s14+$0x8120] =	vst.add.f32.msk $0xffff, v1  }
0xa4: {  	v1 =	vld [tilespmem:s28+$0xFFFFFF30]  }
0xa5: {  	v5 =	vld [tilespmem:s28+$0xFFFFFFB0];
	v4 =	vmul.f32 v4, v3;
	v3 =	vpsel !p4, $0x0, v3  }
0xa6: {  	[tilespmem:s4+$0x12160] =	vst.add.f32.msk $0xffff, v3  }
0xa7: {  	v3 =	vld [tilespmem:s29+$0xFFFFFFB0]  }
0xa8: {  	v6 =	vld [tilespmem:s29+$0x30];
	v4 =	vpsel !p4, $0x0, v4  }
0xa9: {  	v2 =	vmul.f32 v2, v1;
	[tilespmem:s4+$0x8160] =	vst.add.f32.msk $0xffff, v4  }
0xaa: {  	v1 =	vpsel !p2, $0x0, v1;
	v4 =	vld [tilespmem:s28+$0x30]  }
0xab: {  	[tilespmem:s11+$0x12130] =	vst.add.f32.msk $0xffff, v1;
	v2 =	vpsel !p2, $0x0, v2  }
0xac: {  	[tilespmem:s11+$0x8130] =	vst.add.f32.msk $0xffff, v2;
	v2 =	vpsel !p1, $0x0, v5;
	v1 =	vmul.f32 v3, v5  }
0xad: {  	[tilespmem:s2+$0x12130] =	vst.add.f32.msk $0xffff, v2  }
0xae: {  	v2 =	vld [tilespmem:s28+$0xFFFFFF40];
	v1 =	vpsel !p1, $0x0, v1  }
0xaf: {  	v3 =	vmul.f32 v6, v4;
	v4 =	vpsel !p3, $0x0, v4;
	[tilespmem:s2+$0x8130] =	vst.add.f32.msk $0xffff, v1  }
0xb0: {  	[tilespmem:s14+$0x12130] =	vst.add.f32.msk $0xffff, v4  }
0xb1: {  	v1 =	vpsel !p3, $0x0, v3;
	v3 =	vld [tilespmem:s28+$0xFFFFFFC0]  }
0xb2: {  	[tilespmem:s14+$0x8130] =	vst.add.f32.msk $0xffff, v1  }
0xb3: {  	v1 =	vld [tilespmem:s29+$0xFFFFFF40]  }
0xb4: {  	v4 =	vld [tilespmem:s29+$0xFFFFFFC0]  }
0xb5: {  	v7 =	vld [tilespmem:s28+$0xF0]  }
0xb6: {  	v8 =	vld [tilespmem:s29+$0xF0]  }
0xb7: {  	v5 =	vld [tilespmem:s28+$0x40]  }
0xb8: {  	v9 =	vpsel !p2, $0x0, v2;
	v6 =	vld [tilespmem:s29+$0x40];
	v1 =	vmul.f32 v1, v2  }
0xb9: {  	[tilespmem:s11+$0x12140] =	vst.add.f32.msk $0xffff, v9;
	v2 =	vpsel !p1, $0x0, v3;
	v3 =	vmul.f32 v4, v3  }
0xba: {  	[tilespmem:s2+$0x12140] =	vst.add.f32.msk $0xffff, v2;
	v1 =	vpsel !p2, $0x0, v1  }
0xbb: {  	v2 =	vpsel !p1, $0x0, v3;
	[tilespmem:s11+$0x8140] =	vst.add.f32.msk $0xffff, v1  }
0xbc: {  	v1 =	vpsel !p3, $0x0, v5;
	[tilespmem:s2+$0x8140] =	vst.add.f32.msk $0xffff, v2  }
0xbd: {  	v3 =	vmul.f32 v6, v5;
	[tilespmem:s14+$0x12140] =	vst.add.f32.msk $0xffff, v1  }
0xbe: {  	v1 =	vld [tilespmem:s28+$0xFFFFFF50]  }
0xbf: {  	v2 =	vpsel !p3, $0x0, v3;
	v3 =	vld [tilespmem:s28+$0xFFFFFFD0]  }
0xc0: {  	[tilespmem:s14+$0x8140] =	vst.add.f32.msk $0xffff, v2  }
0xc1: {  	v4 =	vmul.f32 v8, v7;
	v2 =	vld [tilespmem:s29+$0xFFFFFF50]  }
0xc2: {  	v7 =	vpsel !p4, $0x0, v7;
	v5 =	vld [tilespmem:s29+$0xFFFFFFD0]  }
0xc3: {  	[tilespmem:s4+$0x12170] =	vst.add.f32.msk $0xffff, v7;
	v4 =	vpsel !p4, $0x0, v4  }
0xc4: {  	[tilespmem:s4+$0x8170] =	vst.add.f32.msk $0xffff, v4  }
0xc5: {  	v6 =	vld [tilespmem:s28+$0x50]  }
0xc6: {  	v8 =	vld [tilespmem:s29+$0x50];
	v4 =	vpsel !p2, $0x0, v1;
	v1 =	vmul.f32 v2, v1  }
0xc7: {  	[tilespmem:s11+$0x12150] =	vst.add.f32.msk $0xffff, v4;
	v2 =	vpsel !p1, $0x0, v3;
	v3 =	vmul.f32 v5, v3  }
0xc8: {  	[tilespmem:s2+$0x12150] =	vst.add.f32.msk $0xffff, v2;
	v1 =	vpsel !p2, $0x0, v1  }
0xc9: {  	v2 =	vpsel !p1, $0x0, v3;
	[tilespmem:s11+$0x8150] =	vst.add.f32.msk $0xffff, v1  }
0xca: {  	v1 =	vpsel !p3, $0x0, v6;
	[tilespmem:s2+$0x8150] =	vst.add.f32.msk $0xffff, v2  }
0xcb: {  	[tilespmem:s14+$0x12150] =	vst.add.f32.msk $0xffff, v1  }
0xcc: {  	v3 =	vmul.f32 v8, v6;
	v2 =	vld [tilespmem:s28+$0xFFFFFF60]  }
0xcd: {  	v6 =	vld [tilespmem:s29+$0xFFFFFF60]  }
0xce: {  	v1 =	vpsel !p3, $0x0, v3;
	v3 =	vld [tilespmem:s28+$0xFFFFFFE0]  }
0xcf: {  	v4 =	vld [tilespmem:s29+$0xFFFFFFE0]  }
0xd0: {  	[tilespmem:s14+$0x8150] =	vst.add.f32.msk $0xffff, v1  }
0xd1: {  	v1 =	vld [tilespmem:s28+$0x60]  }
0xd2: {  	s9 =	simm.s32 $0x8006;
	p5 =	slt.s32 s22, $0x4E1C0;
	s26 =	smov.u32 s22;
	v5 =	vld [tilespmem:s29+$0x60];
	v8 =	vpsel !p2, $0x0, v2  }
0xd3: {  	s3 =	sshll.u32 s23, $0x1;
	s7 =	simm.s32 $0x0;
	s26 =	simm.s32 @!p5 $0x4E1C0;
	v6 =	vmul.f32 v6, v2;
	v2 =	vpsel !p1, $0x0, v3;
	[tilespmem:s11+$0x12160] =	vst.add.f32.msk $0xffff, v8  }
.LBB2_6:
0xd4: {  	v7 =	vld [tilespmem:s9+$0x1]  }
0xd5: {  	v9 =	vld [tilespmem:s9+$0xFFFFFFFF]  }
0xd6: {  	[tilespmem:s2+$0x12160] =	vst.add.f32.msk $0xffff, v2  }
0xd7: {  	v3 =	vmul.f32 v4, v3;
	v4 =	vld [tilespmem:s9+$0xFFFFFFFE]  }
0xd8: {  	v6 =	vpsel !p2, $0x0, v6;
	v8 =	vpsel !p3, $0x0, v1;
	v1 =	vmul.f32 v5, v1;
	v5 =	vld [tilespmem:s9+$0x0]  }
0xd9: {  	[tilespmem:s11+$0x8160] =	vst.add.f32.msk $0xffff, v6  }
0xda: {  	(v2sf) =	vpush v7, $0x0;
	[tilespmem:s14+$0x12160] =	vst.add.f32.msk $0xffff, v8  }
0xdb: {  	v2 =	vld [tilespmem:s29+$0xFFFFFF70];
	v3 =	vpsel !p1, $0x0, v3  }
0xdc: {  	v1 =	vpsel !p3, $0x0, v1;
	[tilespmem:s2+$0x8160] =	vst.add.f32.msk $0xffff, v3  }
0xdd: {  	[tilespmem:s14+$0x8160] =	vst.add.f32.msk $0xffff, v1  }
0xde: {  	v1 =	vld [tilespmem:s28+$0xFFFFFF70]  }
0xdf: {  	v3 =	vld [tilespmem:s28+$0xFFFFFFF0];
	(v2sf) =	vpush v4, $0x0  }
0xe0: {  	v7 =	vld [tilespmem:s29+$0x70]  }
0xe1: {  	v4 =	vld [tilespmem:s29+$0xFFFFFFF0];
	s29 =	sadd.s32 $0x200, s29  }
0xe2: {  	(v2sf) =	vpush v9, $0x0;
	v8 =	vld [tilespmem:s29+$0x80]  }
0xe3: {  	v11 =	vld [tilespmem:s29+$0xFFFFFF80]  }
0xe4: {  	(v2sf) =	vpush v5, $0x0;
	v5 =	vld [tilespmem:s28+$0x70];
	v6 =	vpsel !p2, $0x0, v1  }
0xe5: {  	s28 =	sadd.s32 $0x200, s28;
	[tilespmem:s11+$0x12170] =	vst.add.f32.msk $0xffff, v6  }
0xe6: {  	s4 =	smov.u32 s7;
	v6 =	vld [tilespmem:s28+$0x80]  }
0xe7: {  	s7 =	sadd.s32 $0x4, s7;
	s4 =	sadd.s32 s4, s30;
	v13 =	vld [tilespmem:s29+$0x0]  }
0xe8: {  	p0 =	slt.u32 s7, $0x3C;
	s10 =	sadd.s32 $0x7, s4;
	v1 =	vmul.f32 v2, v1;
	v12 =	vld [tilespmem:s28+$0x0];
	v2 =	vpsel !p1, $0x0, v3;
	v3 =	vmul.f32 v4, v3  }
0xe9: {  	p5 =	sge.s32 s10, s31;
	p6 =	slt.s32 s10, s25;
	v4 =	vld [tilespmem:s28+$0xFFFFFF00];
	s5 =	spop (v2sf)  }
0xea: {  	s1 =	simm.s32 @!p0 $0x0;
	v50 =	vpsel !p2, $0x0, v1;
	v10 =	vld [tilespmem:s29+$0xFFFFFF00];
	v3 =	vpsel !p1, $0x0, v3;
	p1 =	por !p5, !p6;
	s10 =	ssub.s32 s5, s8  }
0xeb: {  	s12 =	sadd.s32 $0x4, s4;
	[tilespmem:s11+$0x8170] =	vst.add.f32.msk $0xffff, v50;
	p5 =	por !p1, !p1;
	v8 =	vmul.f32 v8, v6;
	s10 =	sshll.u32 s10, $0x7  }
0xec: {  	s16 =	sadd.s32 $0x5, s4;
	s4 =	sadd.s32 $0x6, s4;
	v1 =	vpsel !p3, $0x0, v5;
	v5 =	vmul.f32 v7, v5;
	v7 =	vld [tilespmem:s28+$0xFFFFFF80];
	v6 =	vpsel !p5, $0x0, v6;
	s10 =	simm.s32 @!p5 $0x0  }
0xed: {  	s1 =	simm.s32 @p0 $0x1;
	p4 =	sge.s32 s12, s31;
	p0 =	slt.s32 s4, s25;
	v8 =	vpsel !p5, $0x0, v8;
	[tilespmem:s10+$0x12100] =	vst.add.f32.msk $0xffff, v6  }
0xee: {  	[smem:$0x7FC] =	sst s1;
	p2 =	slt.s32 s12, s25;
	s1 =	spop (v2sf);
	[tilespmem:s10+$0x8100] =	vst.add.f32.msk $0xffff, v8  }
0xef: {  	p2 =	por !p4, !p2;
	p6 =	slt.s32 s16, s25;
	s1 =	ssub.s32 s1, s8;
	v8 =	vld [tilespmem:s28+$0x90]  }
0xf0: {  	p2 =	por !p2, !p2;
	p1 =	sge.s32 s4, s31;
	v10 =	vmul.f32 v10, v4;
	v51 =	vld [tilespmem:s29+$0x90];
	s1 =	sshll.u32 s1, $0x7  }
0xf1: {  	[tilespmem:s2+$0x8170] =	vst.add.f32.msk $0xffff, v3;
	v5 =	vpsel !p3, $0x0, v5;
	p3 =	sge.s32 s16, s31;
	s21 =	spop (v2sf);
	s11 =	smov.u32 s1  }
0xf2: {  	p3 =	por !p3, !p6;
	[tilespmem:s14+$0x8170] =	vst.add.f32.msk $0xffff, v5;
	v3 =	vpsel !p2, $0x0, v10;
	v6 =	vmul.f32 v11, v7;
	s16 =	ssub.s32 s21, s8;
	s11 =	simm.s32 @!p2 $0x0  }
0xf3: {  	p0 =	por !p1, !p0;
	v4 =	vpsel !p2, $0x0, v4;
	p1 =	por !p3, !p3;
	s12 =	sshll.u32 s16, $0x7;
	[tilespmem:s11+$0x8100] =	vst.add.f32.msk $0xffff, v3  }
0xf4: {  	v6 =	vpsel !p1, $0x0, v6;
	s12 =	simm.s32 @!p1 $0x0;
	[tilespmem:s11+$0x12100] =	vst.add.f32.msk $0xffff, v4  }
0xf5: {  	v3 =	vpsel !p1, $0x0, v7;
	[tilespmem:s12+$0x8100] =	vst.add.f32.msk $0xffff, v6;
	v4 =	vmul.f32 v51, v8  }
0xf6: {  	[tilespmem:s12+$0x12100] =	vst.add.f32.msk $0xffff, v3;
	v3 =	vpsel !p5, $0x0, v8  }
0xf7: {  	s5 =	spop (v2sf);
	[tilespmem:s10+$0x12110] =	vst.add.f32.msk $0xffff, v3;
	v4 =	vpsel !p5, $0x0, v4  }
0xf8: {  	s5 =	ssub.s32 s5, s8;
	[tilespmem:s10+$0x8110] =	vst.add.f32.msk $0xffff, v4  }
0xf9: {  	v13 =	vmul.f32 v13, v12;
	p3 =	por !p0, !p0;
	s4 =	sshll.u32 s5, $0x7;
	v3 =	vld [tilespmem:s28+$0xA0]  }
0xfa: {  	v5 =	vpsel !p3, $0x0, v12;
	s4 =	simm.s32 @!p3 $0x0;
	v4 =	vld [tilespmem:s29+$0xA0]  }
0xfb: {  	v52 =	vpsel !p3, $0x0, v13;
	[tilespmem:s4+$0x12100] =	vst.add.f32.msk $0xffff, v5  }
0xfc: {  	[tilespmem:s4+$0x8100] =	vst.add.f32.msk $0xffff, v52  }
0xfd: {  	v5 =	vld [tilespmem:s28+$0xFFFFFF10]  }
0xfe: {  	v6 =	vld [tilespmem:s29+$0xFFFFFF10]  }
0xff: {  	v7 =	vld [tilespmem:s28+$0xFFFFFF90];
	v4 =	vmul.f32 v4, v3  }
0x100: {  	v8 =	vld [tilespmem:s29+$0xFFFFFF90];
	v3 =	vpsel !p5, $0x0, v3  }
0x101: {  	[tilespmem:s10+$0x12120] =	vst.add.f32.msk $0xffff, v3;
	v4 =	vpsel !p5, $0x0, v4  }
0x102: {  	[tilespmem:s10+$0x8120] =	vst.add.f32.msk $0xffff, v4  }
0x103: {  	v4 =	vld [tilespmem:s28+$0xB0]  }
0x104: {  	v3 =	vpsel !p2, $0x0, v5;
	v5 =	vmul.f32 v6, v5;
	v6 =	vld [tilespmem:s29+$0xB0]  }
0x105: {  	v54 =	vld [tilespmem:s28+$0x10]  }
0x106: {  	v55 =	vld [tilespmem:s29+$0x10];
	v53 =	vpsel !p1, $0x0, v7  }
0x107: {  	[tilespmem:s12+$0x12110] =	vst.add.f32.msk $0xffff, v53  }
0x108: {  	[tilespmem:s11+$0x12110] =	vst.add.f32.msk $0xffff, v3;
	v5 =	vpsel !p2, $0x0, v5  }
0x109: {  	[tilespmem:s11+$0x8110] =	vst.add.f32.msk $0xffff, v5;
	v5 =	vmul.f32 v8, v7;
	v3 =	vmul.f32 v6, v4;
	v4 =	vpsel !p5, $0x0, v4  }
0x10a: {  	v6 =	vpsel !p3, $0x0, v54;
	[tilespmem:s10+$0x12130] =	vst.add.f32.msk $0xffff, v4  }
0x10b: {  	v4 =	vpsel !p1, $0x0, v5;
	[tilespmem:s4+$0x12110] =	vst.add.f32.msk $0xffff, v6  }
0x10c: {  	[tilespmem:s12+$0x8110] =	vst.add.f32.msk $0xffff, v4  }
0x10d: {  	v3 =	vpsel !p5, $0x0, v3;
	v4 =	vld [tilespmem:s28+$0xFFFFFF20]  }
0x10e: {  	[tilespmem:s10+$0x8130] =	vst.add.f32.msk $0xffff, v3  }
0x10f: {  	v5 =	vmul.f32 v55, v54;
	v3 =	vld [tilespmem:s28+$0xC0]  }
0x110: {  	v7 =	vld [tilespmem:s29+$0xC0]  }
0x111: {  	v5 =	vpsel !p3, $0x0, v5;
	v8 =	vld [tilespmem:s29+$0xFFFFFFA0]  }
0x112: {  	[tilespmem:s4+$0x8110] =	vst.add.f32.msk $0xffff, v5  }
0x113: {  	v5 =	vld [tilespmem:s29+$0xFFFFFF20]  }
0x114: {  	v57 =	vld [tilespmem:s28+$0x20]  }
0x115: {  	v58 =	vld [tilespmem:s29+$0x20];
	v6 =	vmul.f32 v7, v3  }
0x116: {  	v7 =	vld [tilespmem:s28+$0xFFFFFFA0];
	v3 =	vpsel !p5, $0x0, v3  }
0x117: {  	[tilespmem:s10+$0x12140] =	vst.add.f32.msk $0xffff, v3;
	v6 =	vpsel !p5, $0x0, v6  }
0x118: {  	v3 =	vpsel !p2, $0x0, v4;
	v4 =	vmul.f32 v5, v4;
	[tilespmem:s10+$0x8140] =	vst.add.f32.msk $0xffff, v6  }
0x119: {  	v6 =	vld [tilespmem:s28+$0xD0]  }
0x11a: {  	v4 =	vpsel !p2, $0x0, v4;
	v5 =	vld [tilespmem:s29+$0xD0]  }
0x11b: {  	[tilespmem:s11+$0x8120] =	vst.add.f32.msk $0xffff, v4;
	v4 =	vmul.f32 v8, v7  }
0x11c: {  	[tilespmem:s11+$0x12120] =	vst.add.f32.msk $0xffff, v3;
	v56 =	vpsel !p1, $0x0, v7  }
0x11d: {  	[tilespmem:s12+$0x12120] =	vst.add.f32.msk $0xffff, v56;
	v4 =	vpsel !p1, $0x0, v4  }
0x11e: {  	[tilespmem:s12+$0x8120] =	vst.add.f32.msk $0xffff, v4  }
0x11f: {  	v4 =	vld [tilespmem:s28+$0xFFFFFF30];
	v3 =	vmul.f32 v5, v6  }
0x120: {  	v5 =	vpsel !p5, $0x0, v6;
	v8 =	vld [tilespmem:s29+$0xFFFFFFB0]  }
0x121: {  	[tilespmem:s10+$0x12150] =	vst.add.f32.msk $0xffff, v5;
	v3 =	vpsel !p5, $0x0, v3  }
0x122: {  	[tilespmem:s10+$0x8150] =	vst.add.f32.msk $0xffff, v3  }
0x123: {  	v5 =	vmul.f32 v58, v57;
	v3 =	vld [tilespmem:s28+$0xE0]  }
0x124: {  	v6 =	vpsel !p3, $0x0, v57;
	v7 =	vld [tilespmem:s29+$0xE0]  }
0x125: {  	[tilespmem:s4+$0x12120] =	vst.add.f32.msk $0xffff, v6;
	v5 =	vpsel !p3, $0x0, v5  }
0x126: {  	[tilespmem:s4+$0x8120] =	vst.add.f32.msk $0xffff, v5  }
0x127: {  	v5 =	vld [tilespmem:s29+$0xFFFFFF30]  }
0x128: {  	v60 =	vld [tilespmem:s28+$0x30]  }
0x129: {  	v61 =	vld [tilespmem:s29+$0x30];
	v6 =	vmul.f32 v7, v3  }
0x12a: {  	v7 =	vld [tilespmem:s28+$0xFFFFFFB0];
	v3 =	vpsel !p5, $0x0, v3  }
0x12b: {  	[tilespmem:s10+$0x12160] =	vst.add.f32.msk $0xffff, v3;
	v6 =	vpsel !p5, $0x0, v6  }
0x12c: {  	v3 =	vpsel !p2, $0x0, v4;
	v4 =	vmul.f32 v5, v4;
	[tilespmem:s10+$0x8160] =	vst.add.f32.msk $0xffff, v6  }
0x12d: {  	v6 =	vld [tilespmem:s28+$0xF0]  }
0x12e: {  	v4 =	vpsel !p2, $0x0, v4;
	v5 =	vld [tilespmem:s29+$0xF0]  }
0x12f: {  	[tilespmem:s11+$0x8130] =	vst.add.f32.msk $0xffff, v4;
	v4 =	vmul.f32 v8, v7  }
0x130: {  	[tilespmem:s11+$0x12130] =	vst.add.f32.msk $0xffff, v3;
	v59 =	vpsel !p1, $0x0, v7  }
0x131: {  	[tilespmem:s12+$0x12130] =	vst.add.f32.msk $0xffff, v59;
	v4 =	vpsel !p1, $0x0, v4  }
0x132: {  	[tilespmem:s12+$0x8130] =	vst.add.f32.msk $0xffff, v4  }
0x133: {  	v62 =	vpsel !p5, $0x0, v6;
	v3 =	vmul.f32 v5, v6;
	v5 =	vld [tilespmem:s28+$0xFFFFFF40];
	v6 =	vpsel !p3, $0x0, v60  }
0x134: {  	v7 =	vmul.f32 v61, v60;
	[tilespmem:s4+$0x12130] =	vst.add.f32.msk $0xffff, v6  }
0x135: {  	v6 =	vld [tilespmem:s28+$0xFFFFFFC0];
	v3 =	vpsel !p5, $0x0, v3  }
0x136: {  	[tilespmem:s10+$0x8170] =	vst.add.f32.msk $0xffff, v3;
	v3 =	vpsel !p3, $0x0, v7  }
0x137: {  	[tilespmem:s4+$0x8130] =	vst.add.f32.msk $0xffff, v3  }
0x138: {  	v3 =	vld [tilespmem:s29+$0xFFFFFF40]  }
0x139: {  	[tilespmem:s10+$0x12170] =	vst.add.f32.msk $0xffff, v62  }
0x13a: {  	v7 =	vld [tilespmem:s29+$0xFFFFFFC0]  }
0x13b: {  	v8 =	vld [tilespmem:s28+$0x40]  }
0x13c: {  	v63 =	vld [tilespmem:s29+$0x40]  }
0x13d: {  	[tilespmem:s2+$0x12170] =	vst.add.f32.msk $0xffff, v2;
	v4 =	vpsel !p2, $0x0, v5;
	v3 =	vmul.f32 v3, v5  }
0x13e: {  	s2 =	smov.u32 s12;
	[tilespmem:s11+$0x12140] =	vst.add.f32.msk $0xffff, v4;
	v4 =	vpsel !p1, $0x0, v6  }
0x13f: {  	[tilespmem:s2+$0x12140] =	vst.add.f32.msk $0xffff, v4;
	v2 =	vpsel !p2, $0x0, v3  }
0x140: {  	v3 =	vmul.f32 v7, v6;
	[tilespmem:s11+$0x8140] =	vst.add.f32.msk $0xffff, v2;
	v2 =	vpsel !p3, $0x0, v8  }
0x141: {  	v4 =	vmul.f32 v63, v8;
	[tilespmem:s4+$0x12140] =	vst.add.f32.msk $0xffff, v2  }
0x142: {  	v3 =	vpsel !p1, $0x0, v3;
	v2 =	vld [tilespmem:s28+$0xFFFFFF50]  }
0x143: {  	[tilespmem:s2+$0x8140] =	vst.add.f32.msk $0xffff, v3;
	v3 =	vpsel !p3, $0x0, v4  }
0x144: {  	[tilespmem:s4+$0x8140] =	vst.add.f32.msk $0xffff, v3  }
0x145: {  	v3 =	vld [tilespmem:s29+$0xFFFFFF50]  }
0x146: {  	v4 =	vld [tilespmem:s28+$0xFFFFFFD0]  }
0x147: {  	v5 =	vld [tilespmem:s29+$0xFFFFFFD0]  }
0x148: {  	v7 =	vld [tilespmem:s28+$0x50]  }
0x149: {  	v8 =	vld [tilespmem:s29+$0x50]  }
0x14a: {  	[tilespmem:s14+$0x12170] =	vst.add.f32.msk $0xffff, v1;
	v6 =	vpsel !p2, $0x0, v2;
	v2 =	vmul.f32 v3, v2  }
0x14b: {  	[tilespmem:s11+$0x12150] =	vst.add.f32.msk $0xffff, v6;
	v3 =	vpsel !p1, $0x0, v4  }
0x14c: {  	[tilespmem:s2+$0x12150] =	vst.add.f32.msk $0xffff, v3;
	v1 =	vpsel !p2, $0x0, v2  }
0x14d: {  	s14 =	smov.u32 s4;
	v2 =	vmul.f32 v5, v4;
	[tilespmem:s11+$0x8150] =	vst.add.f32.msk $0xffff, v1;
	v1 =	vpsel !p3, $0x0, v7  }
0x14e: {  	[tilespmem:s14+$0x12150] =	vst.add.f32.msk $0xffff, v1  }
0x14f: {  	s21 =	sld [smem:$0x7FC];
	v2 =	vpsel !p1, $0x0, v2;
	v6 =	vld [tilespmem:s29+$0xFFFFFF60]  }
0x150: {  	v3 =	vmul.f32 v8, v7;
	[tilespmem:s2+$0x8150] =	vst.add.f32.msk $0xffff, v2  }
0x151: {  	v2 =	vld [tilespmem:s28+$0xFFFFFF60]  }
0x152: {  	p0 =	seq.s32 s21, $0x1;
	v1 =	vpsel !p3, $0x0, v3;
	v3 =	vld [tilespmem:s28+$0xFFFFFFE0]  }
.Ltmp4:
0x153: {  	[tilespmem:s14+$0x8150] =	vst.add.f32.msk $0xffff, v1;
	(pc) =	sbr.rel @p0 .LBB2_6-.Ltmp4, $4  }
0x154: {  	v4 =	vld [tilespmem:s29+$0xFFFFFFE0]  }
0x155: {  	v1 =	vld [tilespmem:s28+$0x60]  }
0x156: {  	v5 =	vld [tilespmem:s29+$0x60];
	v7 =	vpsel !p2, $0x0, v2  }
0x157: {  	s9 =	sadd.s32 $0x4, s9;
	v6 =	vmul.f32 v6, v2;
	[tilespmem:s11+$0x12160] =	vst.add.f32.msk $0xffff, v7;
	v2 =	vpsel !p1, $0x0, v3  }
0x158: {  	_ = 	snop  }
0x159: {  	[tilespmem:s2+$0x12160] =	vst.add.f32.msk $0xffff, v2;
	v3 =	vmul.f32 v4, v3;
	v59 =	vpsel !p2, $0x0, v6  }
0x15a: {  	[tilespmem:s11+$0x8160] =	vst.add.f32.msk $0xffff, v59  }
0x15b: {  	v3 =	vpsel !p1, $0x0, v3;
	v2 =	vld [tilespmem:s29+$0xFFFFFF70]  }
0x15c: {  	v5 =	vmul.f32 v5, v1;
	v1 =	vpsel !p3, $0x0, v1;
	[tilespmem:s2+$0x8160] =	vst.add.f32.msk $0xffff, v3  }
0x15d: {  	[tilespmem:s14+$0x12160] =	vst.add.f32.msk $0xffff, v1  }
0x15e: {  	v1 =	vld [tilespmem:s28+$0xFFFFFF70]  }
0x15f: {  	v3 =	vld [tilespmem:s28+$0xFFFFFFF0]  }
0x160: {  	v60 =	vpsel !p3, $0x0, v5;
	v61 =	vld [tilespmem:s29+$0xFFFFFFF0]  }
0x161: {  	[tilespmem:s14+$0x8160] =	vst.add.f32.msk $0xffff, v60  }
0x162: {  	v62 =	vld [tilespmem:s28+$0x70]  }
0x163: {  	v63 =	vld [tilespmem:s29+$0x70];
	_ =	sdelay $0x2  }
0x164: {  	v2 =	vmul.f32 v2, v1  }
0x165: {  	v1 =	vpsel !p2, $0x0, v1;
	v4 =	vmul.f32 v61, v3  }
0x166: {  	[tilespmem:s11+$0x12170] =	vst.add.f32.msk $0xffff, v1;
	v1 =	vpsel !p2, $0x0, v2;
	v2 =	vmul.f32 v63, v62  }
0x167: {  	v4 =	vpsel !p1, $0x0, v4;
	[tilespmem:s11+$0x8170] =	vst.add.f32.msk $0xffff, v1  }
0x168: {  	[tilespmem:s2+$0x8170] =	vst.add.f32.msk $0xffff, v4;
	v1 =	vpsel !p3, $0x0, v2  }
0x169: {  	v2 =	vpsel !p1, $0x0, v3;
	[tilespmem:s14+$0x8170] =	vst.add.f32.msk $0xffff, v1  }
0x16a: {  	v1 =	vpsel !p3, $0x0, v62;
	[tilespmem:s2+$0x12170] =	vst.add.f32.msk $0xffff, v2  }
0x16b: {  	[tilespmem:s14+$0x12170] =	vst.add.f32.msk $0xffff, v1  }
0x16c: {  	s1 =	sld [smem:$0x7FD];
	_ =	sdelay $0x2  }
0x16d: {  	p0 =	seq.s32 s1, $0x1  }
.Ltmp5:
0x16e: {  	_ = 	snop;
	(pc) =	sbr.rel @p0 .LBB2_11-.Ltmp5, $1  }
0x16f: {  	_ =	sdelay $0x3  }
0x170: {  	_ =	swait.ge [sflag:s15], $0x2000  }
0x171: {  	s1 =	sadd.s32 $0x2, s3;
	[sflag:s15] =	ssyncset.done $0x0  }
0x172: {  	s2 =	sshll.u32 s1, $0x6;
	[sflag:s15] =	ssyncadd.s32 $0xFFFFE000  }
0x173: {  	p0 =	sge.s32 s1, s20;
	s28 =	sadd.s32 s19, s2;
	_ =	swait.ge [sflag:s15], $0x2000  }
0x174: {  	p1 =	slt.s32 @!p0 s28, $0x4E1C0;
	[sflag:s15] =	ssyncset.done $0x0  }
0x175: {  	s1 =	smov.u32 s28;
	p1 =	por !p1, p0;
	[sflag:s15] =	ssyncadd.s32 $0xFFFFE000  }
0x176: {  	s1 =	simm.s32 @p1 $0x4E1C0;
	_ =	swait.ge [sflag:s15], $0x40  }
0x177: {  	s2 =	sshll.u32 @!p0 s1, $0x4;
	[sflag:s15] =	ssyncset.done $0x0;
	s3 =	rddreg [dreg:$0x4]  }
0x178: {  	s4 =	simm.s32 @!p0 $0x0;
	[sflag:s15] =	ssyncadd.s32 $0xFFFFFFC0;
	s3 =	sadd.s32 @!p0 s3, s2  }
0x179: {  	[tilespmem:s4], [sflag:$0x1] =	stream.linear.gather @!p0 [hbm4b:s3+s4], $0x2000, $0x38;
	[tilespmem:$0x1C180] =	vst v63  }
0x17a: {  	s2 =	sadd.s32 @!p0 s6, s2;
	s3 =	simm.s32 @!p0 $0x4000  }
0x17b: {  	[tilespmem:s3], [sflag:$0x1] =	stream.linear.gather @!p0 [hbm4b:s2+s4], $0x2000, $0x38;
	[tilespmem:$0x1C180] =	vst v63  }
0x17c: {  	s1 =	sshrl.u32 @!p0 s1, $0x3;
	s2 =	rddreg [dreg:$0x1]  }
0x17d: {  	s7 =	simm.s32 $0x8083;
	s1 =	sadd.s32 @!p0 s2, s1;
	s2 =	simm.s32 @!p0 $0x8000  }
0x17e: {  	[tilespmem:s2], [sflag:$0x1] =	stream.linear.gather @!p0 [hbm4b:s1+s4], $0x40, $0x38;
	[tilespmem:$0x1C180] =	vst v63  }
0x17f: {  	v1 =	vld [tilespmem:s7+$0x0];
	_ =	sdelay $0x4  }
0x180: {  	(v2sf) =	vpush v1, $0x0;
	_ =	sdelay $0x1  }
0x181: {  	v1 =	vld [tilespmem:s7+$0xFFFFFFFD];
	_ =	sdelay $0x1  }
0x182: {  	v2 =	vld [tilespmem:s7+$0xFFFFFFFE];
	_ =	sdelay $0x2  }
0x183: {  	(v2sf) =	vpush v1, $0x0;
	_ =	sdelay $0x1  }
0x184: {  	(v2sf) =	vpush v2, $0x0  }
0x185: {  	s30 =	simm.s32 $0x61F0;
	v1 =	vld [tilespmem:s7+$0xFFFFFFFF]  }
0x186: {  	s29 =	simm.s32 $0x21F0;
	v3 =	vld [tilespmem:s30+$0xFFFFFF90]  }
0x187: {  	v2 =	vld [tilespmem:s29+$0xFFFFFF90]  }
0x188: {  	s9 =	sadd.s32 $0xFFFFFFFC, s26;
	p1 =	slt.s32 s18, s28;
	p0 =	sgt.s32 s17, s0  }
0x189: {  	s10 =	sadd.s32 $0x7, s9;
	s28 =	smov.u32 @p1 s18;
	s0 =	smov.u32 @p0 s17  }
0x18a: {  	p1 =	slt.s32 s10, s28;
	p0 =	sge.s32 s10, s0;
	(v2sf) =	vpush v1, $0x0;
	s11 =	spop (v2sf)  }
0x18b: {  	v4 =	vld [tilespmem:s30+$0xFFFFFE10];
	p0 =	por !p0, !p1;
	s2 =	ssub.s32 s11, s8  }
0x18c: {  	v5 =	vld [tilespmem:s29+$0xFFFFFE90];
	p3 =	por !p0, !p0;
	v3 =	vmul.f32 v3, v2;
	s4 =	sshll.u32 s2, $0x7  }
0x18d: {  	v1 =	vld [tilespmem:s29+$0xFFFFFE10];
	v2 =	vpsel !p3, $0x0, v2;
	s4 =	simm.s32 @!p3 $0x0  }
0x18e: {  	v3 =	vpsel !p3, $0x0, v3;
	[tilespmem:s4+$0x12100] =	vst.add.f32.msk $0xffff, v2  }
0x18f: {  	s12 =	sadd.s32 $0x4, s9;
	[tilespmem:s4+$0x8100] =	vst.add.f32.msk $0xffff, v3  }
0x190: {  	s14 =	sadd.s32 $0x5, s9;
	p6 =	slt.s32 s12, s28;
	v2 =	vld [tilespmem:s29+$0xFFFFFFA0]  }
0x191: {  	p4 =	slt.s32 s14, s28;
	p5 =	sge.s32 s12, s0;
	s5 =	spop (v2sf);
	v3 =	vld [tilespmem:s30+$0xFFFFFFA0]  }
0x192: {  	v6 =	vld [tilespmem:s30+$0xFFFFFE90];
	p2 =	sge.s32 s14, s0;
	p0 =	por !p5, !p6;
	v4 =	vmul.f32 v4, v1;
	s16 =	ssub.s32 s5, s8  }
0x193: {  	v7 =	vld [tilespmem:s29+$0xFFFFFF10];
	p1 =	por !p0, !p0;
	s7 =	spop (v2sf);
	s11 =	sshll.u32 s16, $0x7  }
0x194: {  	v8 =	vld [tilespmem:s30+$0xFFFFFF10];
	p4 =	por !p2, !p4;
	v4 =	vpsel !p1, $0x0, v4;
	s21 =	ssub.s32 s7, s8;
	s11 =	simm.s32 @!p1 $0x0  }
0x195: {  	p0 =	por !p4, !p4;
	v1 =	vpsel !p1, $0x0, v1;
	s2 =	sshll.u32 s21, $0x7;
	[tilespmem:s11+$0x8100] =	vst.add.f32.msk $0xffff, v4  }
0x196: {  	s2 =	simm.s32 @!p0 $0x0;
	v4 =	vpsel !p0, $0x0, v5;
	[tilespmem:s11+$0x12100] =	vst.add.f32.msk $0xffff, v1;
	v1 =	vmul.f32 v3, v2  }
0x197: {  	[tilespmem:s2+$0x12100] =	vst.add.f32.msk $0xffff, v4;
	v2 =	vpsel !p3, $0x0, v2  }
0x198: {  	s1 =	sadd.s32 $0x6, s9;
	[tilespmem:s4+$0x12110] =	vst.add.f32.msk $0xffff, v2;
	v1 =	vpsel !p3, $0x0, v1  }
0x199: {  	p5 =	sge.s32 s1, s0;
	p6 =	slt.s32 s1, s28;
	s25 =	spop (v2sf);
	v2 =	vmul.f32 v6, v5;
	[tilespmem:s4+$0x8110] =	vst.add.f32.msk $0xffff, v1  }
0x19a: {  	p2 =	por !p5, !p6;
	s31 =	ssub.s32 s25, s8;
	v1 =	vld [tilespmem:s29+$0xFFFFFFB0]  }
0x19b: {  	p2 =	por !p2, !p2;
	s14 =	sshll.u32 s31, $0x7;
	v2 =	vpsel !p0, $0x0, v2;
	v4 =	vld [tilespmem:s30+$0xFFFFFFB0]  }
0x19c: {  	v3 =	vmul.f32 v8, v7;
	v5 =	vpsel !p2, $0x0, v7;
	s14 =	simm.s32 @!p2 $0x0;
	[tilespmem:s2+$0x8100] =	vst.add.f32.msk $0xffff, v2  }
0x19d: {  	[tilespmem:s14+$0x12100] =	vst.add.f32.msk $0xffff, v5  }
0x19e: {  	v2 =	vpsel !p2, $0x0, v3;
	v3 =	vld [tilespmem:s30+$0xFFFFFE20]  }
0x19f: {  	[tilespmem:s14+$0x8100] =	vst.add.f32.msk $0xffff, v2  }
0x1a0: {  	v2 =	vld [tilespmem:s29+$0xFFFFFE20];
	v4 =	vmul.f32 v4, v1  }
0x1a1: {  	v5 =	vld [tilespmem:s29+$0xFFFFFEA0];
	v1 =	vpsel !p3, $0x0, v1  }
0x1a2: {  	[tilespmem:s4+$0x12120] =	vst.add.f32.msk $0xffff, v1;
	v4 =	vpsel !p3, $0x0, v4  }
0x1a3: {  	[tilespmem:s4+$0x8120] =	vst.add.f32.msk $0xffff, v4  }
0x1a4: {  	v1 =	vld [tilespmem:s29+$0xFFFFFFC0]  }
0x1a5: {  	v4 =	vld [tilespmem:s30+$0xFFFFFFC0]  }
0x1a6: {  	v6 =	vld [tilespmem:s30+$0xFFFFFEA0]  }
0x1a7: {  	v7 =	vld [tilespmem:s29+$0xFFFFFF20];
	v3 =	vmul.f32 v3, v2  }
0x1a8: {  	v8 =	vld [tilespmem:s30+$0xFFFFFF20];
	v2 =	vpsel !p1, $0x0, v2  }
0x1a9: {  	[tilespmem:s11+$0x12110] =	vst.add.f32.msk $0xffff, v2;
	v3 =	vpsel !p1, $0x0, v3  }
0x1aa: {  	[tilespmem:s11+$0x8110] =	vst.add.f32.msk $0xffff, v3;
	v3 =	vpsel !p0, $0x0, v5;
	v2 =	vmul.f32 v4, v1  }
0x1ab: {  	[tilespmem:s2+$0x12110] =	vst.add.f32.msk $0xffff, v3;
	v1 =	vpsel !p3, $0x0, v1  }
0x1ac: {  	[tilespmem:s4+$0x12130] =	vst.add.f32.msk $0xffff, v1;
	v2 =	vpsel !p3, $0x0, v2  }
0x1ad: {  	v1 =	vmul.f32 v6, v5;
	[tilespmem:s4+$0x8130] =	vst.add.f32.msk $0xffff, v2  }
0x1ae: {  	v3 =	vld [tilespmem:s29+$0xFFFFFFD0]  }
0x1af: {  	v1 =	vpsel !p0, $0x0, v1;
	v4 =	vld [tilespmem:s30+$0xFFFFFFD0]  }
0x1b0: {  	[tilespmem:s2+$0x8110] =	vst.add.f32.msk $0xffff, v1;
	v1 =	vpsel !p2, $0x0, v7  }
0x1b1: {  	v2 =	vmul.f32 v8, v7;
	[tilespmem:s14+$0x12110] =	vst.add.f32.msk $0xffff, v1  }
0x1b2: {  	v1 =	vld [tilespmem:s29+$0xFFFFFE30]  }
0x1b3: {  	v2 =	vpsel !p2, $0x0, v2;
	v5 =	vld [tilespmem:s29+$0xFFFFFEB0]  }
0x1b4: {  	[tilespmem:s14+$0x8110] =	vst.add.f32.msk $0xffff, v2;
	v4 =	vmul.f32 v4, v3  }
0x1b5: {  	v2 =	vld [tilespmem:s30+$0xFFFFFE30];
	v3 =	vpsel !p3, $0x0, v3  }
0x1b6: {  	[tilespmem:s4+$0x12140] =	vst.add.f32.msk $0xffff, v3;
	v4 =	vpsel !p3, $0x0, v4  }
0x1b7: {  	[tilespmem:s4+$0x8140] =	vst.add.f32.msk $0xffff, v4  }
0x1b8: {  	v3 =	vld [tilespmem:s29+$0xFFFFFFE0]  }
0x1b9: {  	v4 =	vld [tilespmem:s30+$0xFFFFFFE0]  }
0x1ba: {  	v6 =	vld [tilespmem:s30+$0xFFFFFEB0]  }
0x1bb: {  	v7 =	vld [tilespmem:s29+$0xFFFFFF30];
	v2 =	vmul.f32 v2, v1  }
0x1bc: {  	v8 =	vld [tilespmem:s30+$0xFFFFFF30];
	v1 =	vpsel !p1, $0x0, v1  }
0x1bd: {  	[tilespmem:s11+$0x12120] =	vst.add.f32.msk $0xffff, v1;
	v2 =	vpsel !p1, $0x0, v2  }
0x1be: {  	[tilespmem:s11+$0x8120] =	vst.add.f32.msk $0xffff, v2;
	v2 =	vpsel !p0, $0x0, v5;
	v1 =	vmul.f32 v4, v3  }
0x1bf: {  	[tilespmem:s2+$0x12120] =	vst.add.f32.msk $0xffff, v2;
	v2 =	vpsel !p3, $0x0, v3  }
0x1c0: {  	[tilespmem:s4+$0x12150] =	vst.add.f32.msk $0xffff, v2;
	v1 =	vpsel !p3, $0x0, v1  }
0x1c1: {  	v2 =	vmul.f32 v6, v5;
	[tilespmem:s4+$0x8150] =	vst.add.f32.msk $0xffff, v1  }
0x1c2: {  	v3 =	vld [tilespmem:s29+$0xFFFFFFF0]  }
0x1c3: {  	v2 =	vpsel !p0, $0x0, v2;
	v4 =	vld [tilespmem:s30+$0xFFFFFFF0]  }
0x1c4: {  	v1 =	vmul.f32 v8, v7;
	[tilespmem:s2+$0x8120] =	vst.add.f32.msk $0xffff, v2;
	v2 =	vpsel !p2, $0x0, v7  }
0x1c5: {  	[tilespmem:s14+$0x12120] =	vst.add.f32.msk $0xffff, v2  }
0x1c6: {  	v1 =	vpsel !p2, $0x0, v1;
	v2 =	vld [tilespmem:s30+$0xFFFFFE40]  }
0x1c7: {  	[tilespmem:s14+$0x8120] =	vst.add.f32.msk $0xffff, v1  }
0x1c8: {  	v1 =	vld [tilespmem:s29+$0xFFFFFE40]  }
0x1c9: {  	v5 =	vld [tilespmem:s29+$0xFFFFFEC0];
	v4 =	vmul.f32 v4, v3;
	v3 =	vpsel !p3, $0x0, v3  }
0x1ca: {  	[tilespmem:s4+$0x12160] =	vst.add.f32.msk $0xffff, v3  }
0x1cb: {  	v3 =	vld [tilespmem:s30+$0xFFFFFEC0]  }
0x1cc: {  	v6 =	vld [tilespmem:s30+$0xFFFFFF40];
	v4 =	vpsel !p3, $0x0, v4  }
0x1cd: {  	v2 =	vmul.f32 v2, v1;
	[tilespmem:s4+$0x8160] =	vst.add.f32.msk $0xffff, v4  }
0x1ce: {  	v1 =	vpsel !p1, $0x0, v1;
	v4 =	vld [tilespmem:s29+$0xFFFFFF40]  }
0x1cf: {  	[tilespmem:s11+$0x12130] =	vst.add.f32.msk $0xffff, v1;
	v2 =	vpsel !p1, $0x0, v2  }
0x1d0: {  	[tilespmem:s11+$0x8130] =	vst.add.f32.msk $0xffff, v2;
	v2 =	vpsel !p0, $0x0, v5;
	v1 =	vmul.f32 v3, v5  }
0x1d1: {  	[tilespmem:s2+$0x12130] =	vst.add.f32.msk $0xffff, v2  }
0x1d2: {  	v2 =	vld [tilespmem:s29+$0xFFFFFE50];
	v1 =	vpsel !p0, $0x0, v1  }
0x1d3: {  	v3 =	vmul.f32 v6, v4;
	v4 =	vpsel !p2, $0x0, v4;
	[tilespmem:s2+$0x8130] =	vst.add.f32.msk $0xffff, v1  }
0x1d4: {  	[tilespmem:s14+$0x12130] =	vst.add.f32.msk $0xffff, v4  }
0x1d5: {  	v1 =	vpsel !p2, $0x0, v3;
	v3 =	vld [tilespmem:s29+$0xFFFFFED0]  }
0x1d6: {  	[tilespmem:s14+$0x8130] =	vst.add.f32.msk $0xffff, v1  }
0x1d7: {  	v1 =	vld [tilespmem:s30+$0xFFFFFE50]  }
0x1d8: {  	v4 =	vld [tilespmem:s30+$0xFFFFFED0]  }
0x1d9: {  	v7 =	vld [tilespmem:s29+$0x0]  }
0x1da: {  	v8 =	vld [tilespmem:s30+$0x0]  }
0x1db: {  	v5 =	vld [tilespmem:s29+$0xFFFFFF50]  }
0x1dc: {  	v9 =	vpsel !p1, $0x0, v2;
	v6 =	vld [tilespmem:s30+$0xFFFFFF50];
	v1 =	vmul.f32 v1, v2  }
0x1dd: {  	[tilespmem:s11+$0x12140] =	vst.add.f32.msk $0xffff, v9;
	v2 =	vpsel !p0, $0x0, v3;
	v3 =	vmul.f32 v4, v3  }
0x1de: {  	[tilespmem:s2+$0x12140] =	vst.add.f32.msk $0xffff, v2;
	v1 =	vpsel !p1, $0x0, v1  }
0x1df: {  	v2 =	vpsel !p0, $0x0, v3;
	[tilespmem:s11+$0x8140] =	vst.add.f32.msk $0xffff, v1  }
0x1e0: {  	v1 =	vpsel !p2, $0x0, v5;
	[tilespmem:s2+$0x8140] =	vst.add.f32.msk $0xffff, v2  }
0x1e1: {  	v3 =	vmul.f32 v6, v5;
	[tilespmem:s14+$0x12140] =	vst.add.f32.msk $0xffff, v1  }
0x1e2: {  	v1 =	vld [tilespmem:s29+$0xFFFFFE60]  }
0x1e3: {  	v2 =	vpsel !p2, $0x0, v3;
	v3 =	vld [tilespmem:s29+$0xFFFFFEE0]  }
0x1e4: {  	[tilespmem:s14+$0x8140] =	vst.add.f32.msk $0xffff, v2  }
0x1e5: {  	v4 =	vmul.f32 v8, v7;
	v2 =	vld [tilespmem:s30+$0xFFFFFE60]  }
0x1e6: {  	v7 =	vpsel !p3, $0x0, v7;
	v5 =	vld [tilespmem:s30+$0xFFFFFEE0]  }
0x1e7: {  	[tilespmem:s4+$0x12170] =	vst.add.f32.msk $0xffff, v7;
	v4 =	vpsel !p3, $0x0, v4  }
0x1e8: {  	[tilespmem:s4+$0x8170] =	vst.add.f32.msk $0xffff, v4  }
0x1e9: {  	v6 =	vld [tilespmem:s29+$0xFFFFFF60]  }
0x1ea: {  	v8 =	vld [tilespmem:s30+$0xFFFFFF60];
	v4 =	vpsel !p1, $0x0, v1;
	v1 =	vmul.f32 v2, v1  }
0x1eb: {  	[tilespmem:s11+$0x12150] =	vst.add.f32.msk $0xffff, v4;
	v2 =	vpsel !p0, $0x0, v3;
	v3 =	vmul.f32 v5, v3  }
0x1ec: {  	[tilespmem:s2+$0x12150] =	vst.add.f32.msk $0xffff, v2;
	v1 =	vpsel !p1, $0x0, v1  }
0x1ed: {  	v2 =	vpsel !p0, $0x0, v3;
	[tilespmem:s11+$0x8150] =	vst.add.f32.msk $0xffff, v1  }
0x1ee: {  	v1 =	vpsel !p2, $0x0, v6;
	[tilespmem:s2+$0x8150] =	vst.add.f32.msk $0xffff, v2  }
0x1ef: {  	[tilespmem:s14+$0x12150] =	vst.add.f32.msk $0xffff, v1  }
0x1f0: {  	v3 =	vmul.f32 v8, v6;
	v1 =	vld [tilespmem:s29+$0xFFFFFE70]  }
0x1f1: {  	v6 =	vld [tilespmem:s30+$0xFFFFFE70]  }
0x1f2: {  	v2 =	vpsel !p2, $0x0, v3;
	v3 =	vld [tilespmem:s29+$0xFFFFFEF0]  }
0x1f3: {  	v5 =	vld [tilespmem:s30+$0xFFFFFEF0]  }
0x1f4: {  	[tilespmem:s14+$0x8150] =	vst.add.f32.msk $0xffff, v2  }
0x1f5: {  	v2 =	vld [tilespmem:s29+$0xFFFFFF70]  }
0x1f6: {  	v4 =	vld [tilespmem:s30+$0xFFFFFF70];
	v8 =	vpsel !p1, $0x0, v1  }
0x1f7: {  	s3 =	simm.s32 $0x0;
	s7 =	simm.s32 $0x8087;
	v6 =	vmul.f32 v6, v1;
	v1 =	vpsel !p0, $0x0, v3;
	[tilespmem:s11+$0x12160] =	vst.add.f32.msk $0xffff, v8  }
.LBB2_9:
0x1f8: {  	v7 =	vld [tilespmem:s7+$0x0]  }
0x1f9: {  	v9 =	vld [tilespmem:s7+$0xFFFFFFFE]  }
0x1fa: {  	[tilespmem:s2+$0x12160] =	vst.add.f32.msk $0xffff, v1  }
0x1fb: {  	v3 =	vmul.f32 v5, v3;
	v5 =	vld [tilespmem:s7+$0xFFFFFFFD]  }
0x1fc: {  	v6 =	vpsel !p1, $0x0, v6;
	v8 =	vpsel !p2, $0x0, v2;
	v2 =	vmul.f32 v4, v2;
	v4 =	vld [tilespmem:s7+$0xFFFFFFFF]  }
0x1fd: {  	[tilespmem:s11+$0x8160] =	vst.add.f32.msk $0xffff, v6  }
0x1fe: {  	(v2sf) =	vpush v7, $0x0;
	[tilespmem:s14+$0x12160] =	vst.add.f32.msk $0xffff, v8  }
0x1ff: {  	v1 =	vld [tilespmem:s29+$0xFFFFFE80];
	v3 =	vpsel !p0, $0x0, v3  }
0x200: {  	v2 =	vpsel !p2, $0x0, v2;
	[tilespmem:s2+$0x8160] =	vst.add.f32.msk $0xffff, v3  }
0x201: {  	[tilespmem:s14+$0x8160] =	vst.add.f32.msk $0xffff, v2  }
0x202: {  	v2 =	vld [tilespmem:s30+$0xFFFFFE80]  }
0x203: {  	v3 =	vld [tilespmem:s29+$0xFFFFFF00];
	(v2sf) =	vpush v5, $0x0  }
0x204: {  	v7 =	vld [tilespmem:s30+$0xFFFFFF80]  }
0x205: {  	v5 =	vld [tilespmem:s29+$0xFFFFFF80];
	s29 =	sadd.s32 $0x200, s29  }
0x206: {  	(v2sf) =	vpush v9, $0x0;
	v12 =	vld [tilespmem:s29+$0xFFFFFF10]  }
0x207: {  	v6 =	vpsel !p1, $0x0, v1;
	(v2sf) =	vpush v4, $0x0;
	v4 =	vld [tilespmem:s30+$0xFFFFFF00]  }
0x208: {  	[tilespmem:s11+$0x12170] =	vst.add.f32.msk $0xffff, v6  }
0x209: {  	v6 =	vld [tilespmem:s29+$0xFFFFFF90];
	s30 =	sadd.s32 $0x200, s30  }
0x20a: {  	s1 =	smov.u32 s3;
	v8 =	vld [tilespmem:s30+$0xFFFFFF90]  }
0x20b: {  	s1 =	sadd.s32 s1, s26;
	v1 =	vmul.f32 v2, v1;
	v10 =	vld [tilespmem:s30+$0xFFFFFE10]  }
0x20c: {  	s3 =	sadd.s32 $0x4, s3;
	s9 =	sadd.s32 $0x7, s1;
	v11 =	vld [tilespmem:s30+$0xFFFFFE90];
	v2 =	vpsel !p0, $0x0, v3;
	v3 =	vmul.f32 v4, v3  }
0x20d: {  	p4 =	sge.s32 s9, s0;
	p5 =	slt.s32 s9, s28;
	v13 =	vld [tilespmem:s30+$0xFFFFFF10];
	v50 =	vpsel !p1, $0x0, v1;
	s31 =	spop (v2sf)  }
0x20e: {  	p3 =	slt.u32 s3, $0x3C;
	v1 =	vpsel !p2, $0x0, v5;
	v5 =	vmul.f32 v7, v5;
	v7 =	vld [tilespmem:s29+$0xFFFFFE90];
	v3 =	vpsel !p0, $0x0, v3;
	p0 =	por !p4, !p5;
	s9 =	ssub.s32 s31, s8  }
0x20f: {  	s4 =	simm.s32 @!p3 $0x0;
	v4 =	vld [tilespmem:s29+$0xFFFFFE10];
	v8 =	vmul.f32 v8, v6;
	p4 =	por !p0, !p0;
	s9 =	sshll.u32 s9, $0x7  }
0x210: {  	s25 =	sadd.s32 $0x4, s1;
	s5 =	sadd.s32 $0x5, s1;
	[tilespmem:s11+$0x8170] =	vst.add.f32.msk $0xffff, v50;
	v6 =	vpsel !p4, $0x0, v6;
	s9 =	simm.s32 @!p4 $0x0  }
0x211: {  	s1 =	sadd.s32 $0x6, s1;
	s4 =	simm.s32 @p3 $0x1;
	p3 =	sge.s32 s25, s0;
	v8 =	vpsel !p4, $0x0, v8;
	[tilespmem:s9+$0x12100] =	vst.add.f32.msk $0xffff, v6  }
0x212: {  	p6 =	sge.s32 s1, s0;
	p1 =	slt.s32 s25, s28;
	s10 =	spop (v2sf);
	[tilespmem:s9+$0x8100] =	vst.add.f32.msk $0xffff, v8  }
0x213: {  	p1 =	por !p3, !p1;
	v5 =	vpsel !p2, $0x0, v5;
	p2 =	sge.s32 s5, s0;
	s10 =	ssub.s32 s10, s8;
	v8 =	vld [tilespmem:s29+$0xFFFFFFA0]  }
0x214: {  	p1 =	por !p1, !p1;
	p0 =	slt.s32 s1, s28;
	v10 =	vmul.f32 v10, v4;
	v51 =	vld [tilespmem:s30+$0xFFFFFFA0];
	s1 =	sshll.u32 s10, $0x7  }
0x215: {  	[tilespmem:s14+$0x8170] =	vst.add.f32.msk $0xffff, v5;
	p5 =	slt.s32 s5, s28;
	s12 =	spop (v2sf);
	s11 =	smov.u32 s1  }
0x216: {  	p2 =	por !p2, !p5;
	[tilespmem:s2+$0x8170] =	vst.add.f32.msk $0xffff, v3;
	v3 =	vpsel !p1, $0x0, v10;
	v6 =	vmul.f32 v11, v7;
	s21 =	ssub.s32 s12, s8;
	s11 =	simm.s32 @!p1 $0x0  }
0x217: {  	p6 =	por !p6, !p0;
	p0 =	por !p2, !p2;
	v4 =	vpsel !p1, $0x0, v4;
	s10 =	sshll.u32 s21, $0x7;
	[tilespmem:s11+$0x8100] =	vst.add.f32.msk $0xffff, v3  }
0x218: {  	v6 =	vpsel !p0, $0x0, v6;
	s10 =	simm.s32 @!p0 $0x0;
	[tilespmem:s11+$0x12100] =	vst.add.f32.msk $0xffff, v4  }
0x219: {  	v3 =	vpsel !p0, $0x0, v7;
	[tilespmem:s10+$0x8100] =	vst.add.f32.msk $0xffff, v6;
	v4 =	vmul.f32 v51, v8  }
0x21a: {  	[tilespmem:s10+$0x12100] =	vst.add.f32.msk $0xffff, v3;
	v3 =	vpsel !p4, $0x0, v8  }
0x21b: {  	s16 =	spop (v2sf);
	[tilespmem:s9+$0x12110] =	vst.add.f32.msk $0xffff, v3;
	v4 =	vpsel !p4, $0x0, v4  }
0x21c: {  	s25 =	ssub.s32 s16, s8;
	[tilespmem:s9+$0x8110] =	vst.add.f32.msk $0xffff, v4  }
0x21d: {  	[smem:$0x7FB] =	sst s4;
	v13 =	vmul.f32 v13, v12;
	p2 =	por !p6, !p6;
	s4 =	sshll.u32 s25, $0x7;
	v3 =	vld [tilespmem:s29+$0xFFFFFFB0]  }
0x21e: {  	v5 =	vpsel !p2, $0x0, v12;
	s4 =	simm.s32 @!p2 $0x0;
	v4 =	vld [tilespmem:s30+$0xFFFFFFB0]  }
0x21f: {  	v52 =	vpsel !p2, $0x0, v13;
	[tilespmem:s4+$0x12100] =	vst.add.f32.msk $0xffff, v5  }
0x220: {  	[tilespmem:s4+$0x8100] =	vst.add.f32.msk $0xffff, v52  }
0x221: {  	v5 =	vld [tilespmem:s29+$0xFFFFFE20]  }
0x222: {  	v6 =	vld [tilespmem:s30+$0xFFFFFE20]  }
0x223: {  	v7 =	vld [tilespmem:s29+$0xFFFFFEA0];
	v4 =	vmul.f32 v4, v3  }
0x224: {  	v8 =	vld [tilespmem:s30+$0xFFFFFEA0];
	v3 =	vpsel !p4, $0x0, v3  }
0x225: {  	[tilespmem:s9+$0x12120] =	vst.add.f32.msk $0xffff, v3;
	v4 =	vpsel !p4, $0x0, v4  }
0x226: {  	[tilespmem:s9+$0x8120] =	vst.add.f32.msk $0xffff, v4  }
0x227: {  	v4 =	vld [tilespmem:s29+$0xFFFFFFC0]  }
0x228: {  	v3 =	vpsel !p1, $0x0, v5;
	v5 =	vmul.f32 v6, v5;
	v6 =	vld [tilespmem:s30+$0xFFFFFFC0]  }
0x229: {  	v54 =	vld [tilespmem:s29+$0xFFFFFF20]  }
0x22a: {  	v55 =	vld [tilespmem:s30+$0xFFFFFF20];
	v53 =	vpsel !p0, $0x0, v7  }
0x22b: {  	[tilespmem:s10+$0x12110] =	vst.add.f32.msk $0xffff, v53  }
0x22c: {  	[tilespmem:s11+$0x12110] =	vst.add.f32.msk $0xffff, v3;
	v5 =	vpsel !p1, $0x0, v5  }
0x22d: {  	[tilespmem:s11+$0x8110] =	vst.add.f32.msk $0xffff, v5;
	v5 =	vmul.f32 v8, v7;
	v3 =	vmul.f32 v6, v4;
	v4 =	vpsel !p4, $0x0, v4  }
0x22e: {  	v6 =	vpsel !p2, $0x0, v54;
	[tilespmem:s9+$0x12130] =	vst.add.f32.msk $0xffff, v4  }
0x22f: {  	v4 =	vpsel !p0, $0x0, v5;
	[tilespmem:s4+$0x12110] =	vst.add.f32.msk $0xffff, v6  }
0x230: {  	[tilespmem:s10+$0x8110] =	vst.add.f32.msk $0xffff, v4  }
0x231: {  	v3 =	vpsel !p4, $0x0, v3;
	v4 =	vld [tilespmem:s29+$0xFFFFFE30]  }
0x232: {  	[tilespmem:s9+$0x8130] =	vst.add.f32.msk $0xffff, v3  }
0x233: {  	v5 =	vmul.f32 v55, v54;
	v3 =	vld [tilespmem:s29+$0xFFFFFFD0]  }
0x234: {  	v7 =	vld [tilespmem:s30+$0xFFFFFFD0]  }
0x235: {  	v5 =	vpsel !p2, $0x0, v5;
	v8 =	vld [tilespmem:s30+$0xFFFFFEB0]  }
0x236: {  	[tilespmem:s4+$0x8110] =	vst.add.f32.msk $0xffff, v5  }
0x237: {  	v5 =	vld [tilespmem:s30+$0xFFFFFE30]  }
0x238: {  	v57 =	vld [tilespmem:s29+$0xFFFFFF30]  }
0x239: {  	v58 =	vld [tilespmem:s30+$0xFFFFFF30];
	v6 =	vmul.f32 v7, v3  }
0x23a: {  	v7 =	vld [tilespmem:s29+$0xFFFFFEB0];
	v3 =	vpsel !p4, $0x0, v3  }
0x23b: {  	[tilespmem:s9+$0x12140] =	vst.add.f32.msk $0xffff, v3;
	v6 =	vpsel !p4, $0x0, v6  }
0x23c: {  	v3 =	vpsel !p1, $0x0, v4;
	v4 =	vmul.f32 v5, v4;
	[tilespmem:s9+$0x8140] =	vst.add.f32.msk $0xffff, v6  }
0x23d: {  	v6 =	vld [tilespmem:s29+$0xFFFFFFE0]  }
0x23e: {  	v4 =	vpsel !p1, $0x0, v4;
	v5 =	vld [tilespmem:s30+$0xFFFFFFE0]  }
0x23f: {  	[tilespmem:s11+$0x8120] =	vst.add.f32.msk $0xffff, v4;
	v4 =	vmul.f32 v8, v7  }
0x240: {  	[tilespmem:s11+$0x12120] =	vst.add.f32.msk $0xffff, v3;
	v56 =	vpsel !p0, $0x0, v7  }
0x241: {  	[tilespmem:s10+$0x12120] =	vst.add.f32.msk $0xffff, v56;
	v4 =	vpsel !p0, $0x0, v4  }
0x242: {  	[tilespmem:s10+$0x8120] =	vst.add.f32.msk $0xffff, v4  }
0x243: {  	v4 =	vld [tilespmem:s29+$0xFFFFFE40];
	v3 =	vmul.f32 v5, v6  }
0x244: {  	v5 =	vpsel !p4, $0x0, v6;
	v8 =	vld [tilespmem:s30+$0xFFFFFEC0]  }
0x245: {  	[tilespmem:s9+$0x12150] =	vst.add.f32.msk $0xffff, v5;
	v3 =	vpsel !p4, $0x0, v3  }
0x246: {  	[tilespmem:s9+$0x8150] =	vst.add.f32.msk $0xffff, v3  }
0x247: {  	v5 =	vmul.f32 v58, v57;
	v3 =	vld [tilespmem:s29+$0xFFFFFFF0]  }
0x248: {  	v6 =	vpsel !p2, $0x0, v57;
	v7 =	vld [tilespmem:s30+$0xFFFFFFF0]  }
0x249: {  	[tilespmem:s4+$0x12120] =	vst.add.f32.msk $0xffff, v6;
	v5 =	vpsel !p2, $0x0, v5  }
0x24a: {  	[tilespmem:s4+$0x8120] =	vst.add.f32.msk $0xffff, v5  }
0x24b: {  	v5 =	vld [tilespmem:s30+$0xFFFFFE40]  }
0x24c: {  	v60 =	vld [tilespmem:s29+$0xFFFFFF40]  }
0x24d: {  	v61 =	vld [tilespmem:s30+$0xFFFFFF40];
	v6 =	vmul.f32 v7, v3  }
0x24e: {  	v7 =	vld [tilespmem:s29+$0xFFFFFEC0];
	v3 =	vpsel !p4, $0x0, v3  }
0x24f: {  	[tilespmem:s9+$0x12160] =	vst.add.f32.msk $0xffff, v3;
	v6 =	vpsel !p4, $0x0, v6  }
0x250: {  	v3 =	vpsel !p1, $0x0, v4;
	v4 =	vmul.f32 v5, v4;
	[tilespmem:s9+$0x8160] =	vst.add.f32.msk $0xffff, v6  }
0x251: {  	v6 =	vld [tilespmem:s29+$0x0]  }
0x252: {  	v4 =	vpsel !p1, $0x0, v4;
	v5 =	vld [tilespmem:s30+$0x0]  }
0x253: {  	[tilespmem:s11+$0x8130] =	vst.add.f32.msk $0xffff, v4;
	v4 =	vmul.f32 v8, v7  }
0x254: {  	[tilespmem:s11+$0x12130] =	vst.add.f32.msk $0xffff, v3;
	v59 =	vpsel !p0, $0x0, v7  }
0x255: {  	[tilespmem:s10+$0x12130] =	vst.add.f32.msk $0xffff, v59;
	v4 =	vpsel !p0, $0x0, v4  }
0x256: {  	[tilespmem:s10+$0x8130] =	vst.add.f32.msk $0xffff, v4  }
0x257: {  	v62 =	vpsel !p4, $0x0, v6;
	v3 =	vmul.f32 v5, v6;
	v5 =	vld [tilespmem:s29+$0xFFFFFE50];
	v6 =	vpsel !p2, $0x0, v60  }
0x258: {  	v7 =	vmul.f32 v61, v60;
	[tilespmem:s4+$0x12130] =	vst.add.f32.msk $0xffff, v6  }
0x259: {  	v6 =	vld [tilespmem:s29+$0xFFFFFED0];
	v3 =	vpsel !p4, $0x0, v3  }
0x25a: {  	[tilespmem:s9+$0x8170] =	vst.add.f32.msk $0xffff, v3;
	v3 =	vpsel !p2, $0x0, v7  }
0x25b: {  	[tilespmem:s4+$0x8130] =	vst.add.f32.msk $0xffff, v3  }
0x25c: {  	v3 =	vld [tilespmem:s30+$0xFFFFFE50]  }
0x25d: {  	[tilespmem:s9+$0x12170] =	vst.add.f32.msk $0xffff, v62  }
0x25e: {  	v7 =	vld [tilespmem:s30+$0xFFFFFED0]  }
0x25f: {  	v8 =	vld [tilespmem:s29+$0xFFFFFF50]  }
0x260: {  	v63 =	vld [tilespmem:s30+$0xFFFFFF50]  }
0x261: {  	[tilespmem:s2+$0x12170] =	vst.add.f32.msk $0xffff, v2;
	v4 =	vpsel !p1, $0x0, v5;
	v3 =	vmul.f32 v3, v5  }
0x262: {  	s2 =	smov.u32 s10;
	[tilespmem:s11+$0x12140] =	vst.add.f32.msk $0xffff, v4;
	v4 =	vpsel !p0, $0x0, v6  }
0x263: {  	[tilespmem:s2+$0x12140] =	vst.add.f32.msk $0xffff, v4;
	v2 =	vpsel !p1, $0x0, v3  }
0x264: {  	v3 =	vmul.f32 v7, v6;
	[tilespmem:s11+$0x8140] =	vst.add.f32.msk $0xffff, v2;
	v2 =	vpsel !p2, $0x0, v8  }
0x265: {  	v4 =	vmul.f32 v63, v8;
	[tilespmem:s4+$0x12140] =	vst.add.f32.msk $0xffff, v2  }
0x266: {  	v3 =	vpsel !p0, $0x0, v3;
	v2 =	vld [tilespmem:s29+$0xFFFFFE60]  }
0x267: {  	[tilespmem:s2+$0x8140] =	vst.add.f32.msk $0xffff, v3;
	v3 =	vpsel !p2, $0x0, v4  }
0x268: {  	[tilespmem:s4+$0x8140] =	vst.add.f32.msk $0xffff, v3  }
0x269: {  	v3 =	vld [tilespmem:s30+$0xFFFFFE60]  }
0x26a: {  	v4 =	vld [tilespmem:s29+$0xFFFFFEE0]  }
0x26b: {  	v5 =	vld [tilespmem:s30+$0xFFFFFEE0]  }
0x26c: {  	v7 =	vld [tilespmem:s29+$0xFFFFFF60]  }
0x26d: {  	v8 =	vld [tilespmem:s30+$0xFFFFFF60]  }
0x26e: {  	[tilespmem:s14+$0x12170] =	vst.add.f32.msk $0xffff, v1;
	v6 =	vpsel !p1, $0x0, v2;
	v2 =	vmul.f32 v3, v2  }
0x26f: {  	[tilespmem:s11+$0x12150] =	vst.add.f32.msk $0xffff, v6;
	v3 =	vpsel !p0, $0x0, v4  }
0x270: {  	[tilespmem:s2+$0x12150] =	vst.add.f32.msk $0xffff, v3;
	v1 =	vpsel !p1, $0x0, v2  }
0x271: {  	s14 =	smov.u32 s4;
	[tilespmem:s11+$0x8150] =	vst.add.f32.msk $0xffff, v1;
	v1 =	vpsel !p2, $0x0, v7  }
0x272: {  	v2 =	vmul.f32 v5, v4;
	[tilespmem:s14+$0x12150] =	vst.add.f32.msk $0xffff, v1  }
0x273: {  	s31 =	sld [smem:$0x7FB];
	v1 =	vld [tilespmem:s29+$0xFFFFFE70]  }
0x274: {  	v3 =	vmul.f32 v8, v7;
	v2 =	vpsel !p0, $0x0, v2;
	v6 =	vld [tilespmem:s30+$0xFFFFFE70]  }
0x275: {  	[tilespmem:s2+$0x8150] =	vst.add.f32.msk $0xffff, v2  }
0x276: {  	p3 =	seq.s32 s31, $0x1;
	v2 =	vpsel !p2, $0x0, v3;
	v3 =	vld [tilespmem:s29+$0xFFFFFEF0]  }
.Ltmp6:
0x277: {  	[tilespmem:s14+$0x8150] =	vst.add.f32.msk $0xffff, v2;
	(pc) =	sbr.rel @p3 .LBB2_9-.Ltmp6, $4  }
0x278: {  	v5 =	vld [tilespmem:s30+$0xFFFFFEF0]  }
0x279: {  	v2 =	vld [tilespmem:s29+$0xFFFFFF70]  }
0x27a: {  	v4 =	vld [tilespmem:s30+$0xFFFFFF70];
	v7 =	vpsel !p1, $0x0, v1  }
0x27b: {  	s7 =	sadd.s32 $0x4, s7;
	v6 =	vmul.f32 v6, v1;
	[tilespmem:s11+$0x12160] =	vst.add.f32.msk $0xffff, v7;
	v1 =	vpsel !p0, $0x0, v3  }
0x27c: {  	_ = 	snop  }
0x27d: {  	[tilespmem:s2+$0x12160] =	vst.add.f32.msk $0xffff, v1;
	v3 =	vmul.f32 v5, v3;
	v60 =	vpsel !p1, $0x0, v6  }
0x27e: {  	[tilespmem:s11+$0x8160] =	vst.add.f32.msk $0xffff, v60  }
0x27f: {  	v3 =	vpsel !p0, $0x0, v3;
	v1 =	vld [tilespmem:s29+$0xFFFFFE80]  }
0x280: {  	v4 =	vmul.f32 v4, v2;
	v2 =	vpsel !p2, $0x0, v2;
	[tilespmem:s2+$0x8160] =	vst.add.f32.msk $0xffff, v3  }
0x281: {  	[tilespmem:s14+$0x12160] =	vst.add.f32.msk $0xffff, v2  }
0x282: {  	v2 =	vld [tilespmem:s30+$0xFFFFFE80]  }
0x283: {  	v3 =	vld [tilespmem:s29+$0xFFFFFF00]  }
0x284: {  	v4 =	vpsel !p2, $0x0, v4;
	v61 =	vld [tilespmem:s30+$0xFFFFFF00]  }
0x285: {  	[tilespmem:s14+$0x8160] =	vst.add.f32.msk $0xffff, v4  }
0x286: {  	v62 =	vld [tilespmem:s29+$0xFFFFFF80]  }
0x287: {  	v63 =	vld [tilespmem:s30+$0xFFFFFF80];
	_ =	sdelay $0x2  }
0x288: {  	v2 =	vmul.f32 v2, v1  }
0x289: {  	v1 =	vpsel !p1, $0x0, v1;
	v4 =	vmul.f32 v61, v3  }
0x28a: {  	[tilespmem:s11+$0x12170] =	vst.add.f32.msk $0xffff, v1;
	v1 =	vpsel !p1, $0x0, v2;
	v2 =	vmul.f32 v63, v62  }
.Ltmp7:
0x28b: {  	v4 =	vpsel !p0, $0x0, v4;
	[tilespmem:s11+$0x8170] =	vst.add.f32.msk $0xffff, v1;
	(pc) =	sbr.rel .LBB2_11-.Ltmp7, $4  }
0x28c: {  	[tilespmem:s2+$0x8170] =	vst.add.f32.msk $0xffff, v4;
	v1 =	vpsel !p2, $0x0, v2  }
0x28d: {  	v2 =	vpsel !p0, $0x0, v3;
	[tilespmem:s14+$0x8170] =	vst.add.f32.msk $0xffff, v1  }
0x28e: {  	v1 =	vpsel !p2, $0x0, v62;
	[tilespmem:s2+$0x12170] =	vst.add.f32.msk $0xffff, v2  }
0x28f: {  	[tilespmem:s14+$0x12170] =	vst.add.f32.msk $0xffff, v1  }
.LBB2_12:
0x290: {  	s1 =	simm.s32 $0x12120  }
0x291: {  	v1 =	vld [tilespmem:s1+$0xFFFFFFE0];
	_ =	sdelay $0x4  }
0x292: {  	v1 =	vadd.f32 $1.000000020e-16, v1;
	_ =	sdelay $0x1  }
0x293: {  	(erf) = vrcp.f32 v1;
	_ =	sdelay $0x3  }
0x294: {  	s0 =	simm.s32 $0x8120  }
0x295: {  	v1 =	vld [tilespmem:s0+$0xFFFFFFE0];
	_ =	sdelay $0x3  }
0x296: {  	v2 =	vpop (erf)  }
0x297: {  	v1 =	vmul.f32 v2, v1;
	_ =	sdelay $0x1  }
0x298: {  	[tilespmem:s0+$0xFFFFFFE0] =	vst v1  }
0x299: {  	v1 =	vld [tilespmem:s1+$0xFFFFFFF0];
	_ =	sdelay $0x4  }
0x29a: {  	v1 =	vadd.f32 $1.000000020e-16, v1;
	_ =	sdelay $0x1  }
0x29b: {  	(erf) = vrcp.f32 v1;
	_ =	sdelay $0x4  }
0x29c: {  	v1 =	vld [tilespmem:s0+$0xFFFFFFF0];
	_ =	sdelay $0x3  }
0x29d: {  	v2 =	vpop (erf)  }
0x29e: {  	v1 =	vmul.f32 v2, v1;
	_ =	sdelay $0x1  }
0x29f: {  	[tilespmem:s0+$0xFFFFFFF0] =	vst v1  }
0x2a0: {  	v1 =	vld [tilespmem:s1+$0x0];
	_ =	sdelay $0x4  }
0x2a1: {  	v1 =	vadd.f32 $1.000000020e-16, v1;
	_ =	sdelay $0x1  }
0x2a2: {  	(erf) = vrcp.f32 v1;
	_ =	sdelay $0x4  }
0x2a3: {  	v1 =	vld [tilespmem:s0+$0x0];
	_ =	sdelay $0x3  }
0x2a4: {  	v2 =	vpop (erf)  }
0x2a5: {  	v1 =	vmul.f32 v2, v1;
	_ =	sdelay $0x1  }
0x2a6: {  	[tilespmem:s0+$0x0] =	vst v1  }
0x2a7: {  	v1 =	vld [tilespmem:s1+$0x10];
	_ =	sdelay $0x4  }
0x2a8: {  	v1 =	vadd.f32 $1.000000020e-16, v1;
	_ =	sdelay $0x1  }
0x2a9: {  	(erf) = vrcp.f32 v1;
	_ =	sdelay $0x4  }
0x2aa: {  	v1 =	vld [tilespmem:s0+$0x10];
	_ =	sdelay $0x3  }
0x2ab: {  	v2 =	vpop (erf)  }
0x2ac: {  	v1 =	vmul.f32 v2, v1;
	_ =	sdelay $0x1  }
0x2ad: {  	s2 =	simm.s32 $0x0;
	s3 =	simm.s32 $0x12160;
	[tilespmem:s0+$0x10] =	vst v1  }
.LBB2_13:
0x2ae: {  	v1 =	vld [tilespmem:s3+$0xFFFFFFE0];
	s2 =	sadd.s32 $0x4, s2  }
0x2af: {  	p0 =	slt.u32 s2, $0x9FC;
	_ =	sdelay $0x3  }
0x2b0: {  	v1 =	vadd.f32 $1.000000020e-16, v1;
	_ =	sdelay $0x1  }
0x2b1: {  	(erf) = vrcp.f32 v1;
	_ =	sdelay $0x3  }
0x2b2: {  	s0 =	sadd.s32 $0x40, s0  }
0x2b3: {  	v1 =	vld [tilespmem:s0+$0xFFFFFFE0];
	_ =	sdelay $0x3  }
0x2b4: {  	v2 =	vpop (erf)  }
0x2b5: {  	v1 =	vmul.f32 v2, v1;
	_ =	sdelay $0x1  }
0x2b6: {  	[tilespmem:s0+$0xFFFFFFE0] =	vst v1  }
0x2b7: {  	v1 =	vld [tilespmem:s3+$0xFFFFFFF0];
	_ =	sdelay $0x4  }
0x2b8: {  	v1 =	vadd.f32 $1.000000020e-16, v1;
	_ =	sdelay $0x1  }
0x2b9: {  	(erf) = vrcp.f32 v1;
	_ =	sdelay $0x4  }
0x2ba: {  	v1 =	vld [tilespmem:s0+$0xFFFFFFF0];
	_ =	sdelay $0x3  }
0x2bb: {  	v2 =	vpop (erf)  }
0x2bc: {  	v1 =	vmul.f32 v2, v1;
	_ =	sdelay $0x1  }
0x2bd: {  	[tilespmem:s0+$0xFFFFFFF0] =	vst v1  }
0x2be: {  	v1 =	vld [tilespmem:s3+$0x0];
	_ =	sdelay $0x4  }
0x2bf: {  	v1 =	vadd.f32 $1.000000020e-16, v1;
	_ =	sdelay $0x1  }
0x2c0: {  	(erf) = vrcp.f32 v1;
	_ =	sdelay $0x4  }
0x2c1: {  	v1 =	vld [tilespmem:s0+$0x0];
	_ =	sdelay $0x3  }
0x2c2: {  	v2 =	vpop (erf)  }
0x2c3: {  	v1 =	vmul.f32 v2, v1;
	_ =	sdelay $0x1  }
0x2c4: {  	[tilespmem:s0+$0x0] =	vst v1  }
0x2c5: {  	v1 =	vld [tilespmem:s3+$0x10];
	_ =	sdelay $0x4  }
0x2c6: {  	v1 =	vadd.f32 $1.000000020e-16, v1;
	_ =	sdelay $0x1  }
0x2c7: {  	(erf) = vrcp.f32 v1;
	_ =	sdelay $0x4  }
0x2c8: {  	v1 =	vld [tilespmem:s0+$0x10];
	_ =	sdelay $0x2  }
.Ltmp8:
0x2c9: {  	(pc) =	sbr.rel @p0 .LBB2_13-.Ltmp8, $3  }
0x2ca: {  	v2 =	vpop (erf)  }
0x2cb: {  	v1 =	vmul.f32 v2, v1;
	_ =	sdelay $0x1  }
0x2cc: {  	s3 =	sadd.s32 $0x40, s3;
	[tilespmem:s0+$0x10] =	vst v1  }
0x2cd: {  	s5 =	simm.s32 $0x0  }
0x2ce: {  	s0 =	rddreg [dreg:$0x6];
	s1 =	simm.s32 $0x8100;
	s2 =	simm.s32 $0x3  }
0x2cf: {  	[hbm4b:s0+s5] =	stream.linear.scatter [tilespmem:s1], [sflag:$0x3], $0xA000, $0x38;
	[tilespmem:$0x1C180] =	vst v63  }
0x2d0: {  	_ =	swait.ge [sflag:s2], $0xA000  }
0x2d1: {  	s30 =	rddreg [dreg:$0x8]  }
0x2d2: {  	s31 =	rddreg [dreg:$0x7];
	s1 =	sadd.s32 $0x1, s30  }
0x2d3: {  	p0 =	sne.s32 s1, s31  }
.Ltmp9:
0x2d4: {  	_ = 	snop;
	(pc) =	sbr.rel @p0 .LBB2_1-.Ltmp9, $3  }
0x2d5: {  	_ =	sdelay $0x1  }
0x2d6: {  	[sflag:s2] =	ssyncset.done $0x0  }
0x2d7: {  	[sflag:s2] =	ssyncadd.s32 $0xFFFF6000  }
0x2d8: {  	_ =	sfence.sel $0x180000  }
0x2d9: {  	[bflag:$0x0] =	sbarrier.arrive $0xFFFF  }
0x2da: {  	_ =	strace $0x90000047  }
0x2db: {  	s0 =	stileid.u32;
	[bflag:$0x2] =	sbarrier.arrive $0xFFFF  }
0x2dc: {  	p0 =	sne.s32 s0, $0x0;
	s0 =	rddreg [dreg:$0x2]  }
0x2dd: {  	s0 =	sadd.s32 @!p0 $0x100000, s0  }
0x2de: {  	[sflag:s0] =	ssyncadd.tile.s32 @!p0 $0x1;
	_ =	shalt  }
.Lfunc_end2:
_tile_overlayer_lowered:
.L_overlay_start_2:
0x2df: {  	(tag) =	ssettag $0x2  }
0x2e0: {  	s0 =	rddreg [dreg:$0x0];
	s2 =	stileid.u32  }
0x2e1: {  	s1 =	rddreg [dreg:$0x1];
	p0 =	sne.s32 s2, $0x0  }
0x2e2: {  	s3 =	rddreg [dreg:$0x2];
	[bflag:$0x3] =	sbarrier.arrive $0xFFFF;
	s2 =	simm.s32 @!p0 $0x1C03  }
0x2e3: {  	[timem:s3], [sflag:s2] =	dma.local @!p0 [hbm:s0], s1  }
0x2e4: {  	s0 =	simm.s32 @!p0 $0x3  }
0x2e5: {  	_ =	swait.ge @!p0 [sflag:s0], s1  }
0x2e6: {  	s1 =	ssub.s32 @!p0 $0x0, s1;
	[sflag:s0] =	ssyncset.done @!p0 $0x0  }
0x2e7: {  	[sflag:s0] =	ssyncadd.s32 @!p0 s1  }
0x2e8: {  	[bflag:$0x3] =	sbarrier.arrive $0xFFFF  }
0x2e9: {  	_ =	shalt  }

</sc_bundles>
